<compile_context>
chip_gen: v7x
topology: tpu7x:2x2x1
jax: 0.10.2.dev20260603
libtpu: 0.0.44.dev20260713+nightly
codegen_flags: <defaults>
</compile_context>

<pallas_src>
import functools

import jax
import jax.numpy as jnp
from jax import lax
from jax.experimental import pallas as pl
from jax.experimental.pallas import tpu as pltpu
from jax.experimental.pallas import tpu_sc as plsc

N = 10000
E = 320000
HID = 128
NACT = 64
NB = 64
NCORES = 2
NSUB = 16
NW = NCORES * NSUB
EPW = E // NW
CHUNK = 80
NCHUNK = EPW // CHUNK
NSTAGE = 5
STAGE = NCHUNK // NSTAGE
RPT = 632
NPAD = RPT * NSUB

_mesh = plsc.VectorSubcoreMesh(core_axis_name="c", subcore_axis_name="s")



@functools.partial(
    pl.kernel,
    out_type=jax.ShapeDtypeStruct((NW * NPAD,), jnp.float32),
    mesh=_mesh,
    scratch_types=[
        pltpu.VMEM((EPW,), jnp.int32),
        pltpu.VMEM((N,), jnp.float32),
    ],
    compiler_params=pltpu.CompilerParams(needs_layout_passes=False),
)
def _sc_degree(ei_hbm, out_hbm, idx_v, hist_v):
    cid = lax.axis_index("c")
    sid = lax.axis_index("s")
    wid = sid * NCORES + cid

    pltpu.sync_copy(ei_hbm.at[pl.ds(E + wid * EPW, EPW)], idx_v)

    def zero_body(i, carry):
        hist_v[pl.ds(i * 16, 16)] = jnp.zeros((16,), jnp.float32)
        return carry

    lax.fori_loop(0, N // 16, zero_body, 0)

    ones = jnp.ones((16,), jnp.float32)

    def body(i, carry):
        idx = idx_v[pl.ds(i * 16, 16)]
        plsc.addupdate_scatter(hist_v, [idx], ones)
        return carry

    lax.fori_loop(0, EPW // 16, body, 0)
    pltpu.sync_copy(hist_v, out_hbm.at[pl.ds(wid * NPAD, N)])


@functools.partial(
    pl.kernel,
    out_type=jax.ShapeDtypeStruct((NCORES, NPAD, HID), jnp.float32),
    mesh=_mesh,
    scratch_types=[
        pltpu.VMEM((STAGE * CHUNK,), jnp.int32),
        pltpu.VMEM((STAGE * CHUNK,), jnp.int32),
        [pltpu.VMEM((CHUNK, HID), jnp.float32) for _ in range(3)],
        pltpu.VMEM_SHARED((NPAD, HID), jnp.float32),
        [pltpu.SemaphoreType.DMA for _ in range(3)],
        [pltpu.SemaphoreType.DMA for _ in range(3)],
    ],
)
def _sc_edge_agg(y_hbm, ei_hbm, out_hbm,
                 src_v, dst_v, rows, accum_sh, gsem, ssem):
    cid = lax.axis_index("c")
    sid = lax.axis_index("s")
    wid = sid * NCORES + cid

    r0 = sid * RPT

    @pl.when(sid < NSUB - 1)
    def _():
        pltpu.sync_copy(y_hbm.at[pl.ds(r0, RPT)], accum_sh.at[pl.ds(r0, RPT)])

    @pl.when(sid == NSUB - 1)
    def _():
        pltpu.sync_copy(y_hbm.at[pl.ds((NSUB - 1) * RPT, N - (NSUB - 1) * RPT)],
                        accum_sh.at[pl.ds((NSUB - 1) * RPT,
                                          N - (NSUB - 1) * RPT)])

    plsc.subcore_barrier()

    def gather(i, b):
        pltpu.async_copy(y_hbm.at[src_v.at[pl.ds(i * CHUNK, CHUNK)]],
                         rows[b], gsem[b])

    def gather_wait(i, b):
        pltpu.make_async_copy(y_hbm.at[src_v.at[pl.ds(i * CHUNK, CHUNK)]],
                              rows[b], gsem[b]).wait()

    def scatter(i, b):
        pltpu.async_copy(rows[b], accum_sh.at[dst_v.at[pl.ds(i * CHUNK,
                                                             CHUNK)]],
                         ssem[b], add=True)

    def scatter_wait(i, b):
        pltpu.make_async_copy(rows[b], accum_sh.at[dst_v.at[pl.ds(i * CHUNK,
                                                                  CHUNK)]],
                              ssem[b]).wait()

    def stage_body(s, carry):
        e0 = wid * EPW + s * (STAGE * CHUNK)
        pltpu.sync_copy(ei_hbm.at[pl.ds(e0, STAGE * CHUNK)], src_v)
        pltpu.sync_copy(ei_hbm.at[pl.ds(E + e0, STAGE * CHUNK)], dst_v)

        gather(0, 0)
        gather(1, 1)
        gather_wait(0, 0)
        scatter(0, 0)
        gather(2, 2)

        def step(i, b):
            gather_wait(i, b)
            scatter(i, b)
            bp = (b + 2) % 3
            scatter_wait(i - 1, bp)
            gather(i + 2, bp)

        def body(j, c):
            for t in range(3):
                i = j * 3 + 1 + t
                step(i, (1 + t) % 3)
            return c

        lax.fori_loop(0, (STAGE - 4) // 3, body, 0)
        step(STAGE - 3, (STAGE - 3) % 3)
        for i in (STAGE - 2, STAGE - 1):
            b = i % 3
            gather_wait(i, b)
            scatter(i, b)
            scatter_wait(i - 1, (i - 1) % 3)
        scatter_wait(STAGE - 1, (STAGE - 1) % 3)
        return carry

    lax.fori_loop(0, NSTAGE, stage_body, 0)

    plsc.subcore_barrier()
    pltpu.sync_copy(accum_sh.at[pl.ds(r0, RPT)],
                    out_hbm.at[cid].at[pl.ds(r0, RPT)])



def _tc_pre_body(degp_ref, x_ref, wemb_ref, bemb_ref, w1_ref, dinv_ref, y_ref):
    deg = jnp.sum(degp_ref[...], axis=0)[:N] + 1.0
    dinv = lax.rsqrt(deg)
    dinv_ref[...] = dinv[:, None]
    h0 = jnp.maximum(
        jnp.dot(x_ref[...], wemb_ref[...],
                preferred_element_type=jnp.float32) + bemb_ref[...][None, :],
        0.0)
    xw = jnp.dot(h0, w1_ref[...], preferred_element_type=jnp.float32)
    y_ref[...] = xw * dinv[:, None]


def _tc_mid_body(acc_ref, yprev_ref, dinv_ref, bprev_ref, wnext_ref, y_ref):
    dinv = dinv_ref[...]
    acc = (acc_ref[0] + acc_ref[1])[:N]
    h = jnp.maximum(
        dinv * (acc - yprev_ref[...]) + bprev_ref[...][None, :], 0.0)
    y_ref[...] = jnp.dot(h, wnext_ref[...],
                         preferred_element_type=jnp.float32) * dinv


def _tc_final_body(acc_ref, yprev_ref, dinv_ref, b2_ref, batch_ref, gf_ref,
                   wg_ref, bg_ref, wh1_ref, bh1_ref, wh2_ref, bh2_ref, q_ref):
    dinv = dinv_ref[...]
    acc = (acc_ref[0] + acc_ref[1])[:N]
    h = jnp.maximum(
        dinv * (acc - yprev_ref[...]) + b2_ref[...][None, :],
        0.0)
    gid = lax.broadcasted_iota(jnp.int32, (NB, N), 0)
    oh_t = (gid == batch_ref[...]).astype(jnp.float32)
    seg = jnp.dot(oh_t, h, preferred_element_type=jnp.float32)
    cnt = jnp.sum(oh_t, axis=1)
    ge = seg / jnp.maximum(cnt, 1.0)[:, None]
    gl = jnp.maximum(
        jnp.dot(gf_ref[...], wg_ref[...],
                preferred_element_type=jnp.float32) + bg_ref[...][None, :],
        0.0)
    comb = jnp.concatenate([ge, gl], axis=1)
    hh = jnp.maximum(
        jnp.dot(comb, wh1_ref[...],
                preferred_element_type=jnp.float32) + bh1_ref[...][None, :],
        0.0)
    q_ref[...] = (jnp.dot(hh, wh2_ref[...], preferred_element_type=jnp.float32)
                  + bh2_ref[...][None, :])


def _tc_call(body, out_shape, *args):
    return pl.pallas_call(body, out_shape=out_shape)(*args)



def kernel(x, edge_index, batch, global_features, W_emb, b_emb, W1, b1,
           W2, b2, Wg, bg, Wh1, bh1, Wh2, bh2):
    ei = edge_index.astype(jnp.int32).reshape(2 * E)

    deg_parts = _sc_degree(ei).reshape(NW, NPAD)

    dinv, y1 = _tc_call(
        _tc_pre_body,
        (jax.ShapeDtypeStruct((N, 1), jnp.float32),
         jax.ShapeDtypeStruct((N, HID), jnp.float32)),
        deg_parts, x, W_emb, b_emb, W1)

    acc1 = _sc_edge_agg(y1, ei)

    y2 = _tc_call(
        _tc_mid_body,
        jax.ShapeDtypeStruct((N, HID), jnp.float32),
        acc1, y1, dinv, b1, W2)

    acc2 = _sc_edge_agg(y2, ei)

    q = _tc_call(
        _tc_final_body,
        jax.ShapeDtypeStruct((NB, NACT), jnp.float32),
        acc2, y2, dinv, b2, batch.astype(jnp.int32)[None, :],
        global_features, Wg, bg, Wh1, bh1, Wh2, bh2)
    return q

# --- scband reference (transcript-rebuilt; emitter-appended) ---
"""Pipeline reference for scband-bipartite-gnn-30270929502886 (READ-ONLY COPY).

The authoritative reference and input builder live on the scoring server;
editing this copy changes nothing except your own understanding.
"""

import jax, jax.numpy as jnp
import numpy as np

N_NODES = 10000
N_EDGES = 320000
HID = 128
N_ACT = 64
GFEAT = 16
B = 64


def gcn_conv(x, src, dst, W, b, num_nodes):
    # GCNConv (PyG semantics): x' = D^{-1/2} (A + I) D^{-1/2} x W + b
    loop = jnp.arange(num_nodes)
    s = jnp.concatenate([src, loop])
    d = jnp.concatenate([dst, loop])
    deg = jnp.zeros((num_nodes,), dtype=x.dtype).at[d].add(1.0)
    dinv = jnp.where(deg > 0, deg ** -0.5, 0.0)
    norm = dinv[s] * dinv[d]
    xw = x @ W
    msg = xw[s] * norm[:, None]
    out = jax.ops.segment_sum(msg, d, num_segments=num_nodes)
    return out + b


def setup_inputs(seed: int = 0) -> dict:
    key = jax.random.key(seed)
    ks = jax.random.split(key, 16)
    x = jax.random.normal(ks[0], (N_NODES, 4), dtype=jnp.float32)
    edge_index = jax.random.randint(ks[1], (2, N_EDGES), 0, N_NODES, dtype=jnp.int64)
    batch = jnp.sort(jax.random.randint(ks[2], (N_NODES,), 0, B, dtype=jnp.int64))
    global_features = jax.random.normal(ks[3], (B, GFEAT), dtype=jnp.float32)
    def lin(k, fan_in, fan_out):
        lim = 1.0 / np.sqrt(fan_in)
        k1, k2 = jax.random.split(k)
        W = jax.random.uniform(k1, (fan_in, fan_out), minval=-lim, maxval=lim, dtype=jnp.float32)
        b = jax.random.uniform(k2, (fan_out,), minval=-lim, maxval=lim, dtype=jnp.float32)
        return W, b
    W_emb, b_emb = lin(ks[4], 4, HID)
    W1, b1 = lin(ks[5], HID, HID)
    W2, b2 = lin(ks[6], HID, HID)
    Wg, bg = lin(ks[7], GFEAT, HID)
    Wh1, bh1 = lin(ks[8], 2 * HID, HID)
    Wh2, bh2 = lin(ks[9], HID, N_ACT)
    return {"x": x, "edge_index": edge_index, "batch": batch, "global_features": global_features,
            "W_emb": W_emb, "b_emb": b_emb, "W1": W1, "b1": b1, "W2": W2, "b2": b2,
            "Wg": Wg, "bg": bg, "Wh1": Wh1, "bh1": bh1, "Wh2": Wh2, "bh2": bh2}


def reference(x, edge_index, batch, global_features, W_emb, b_emb, W1, b1, W2, b2, Wg, bg, Wh1, bh1, Wh2, bh2):
    num_nodes = x.shape[0]
    n_graphs = global_features.shape[0]
    src, dst = edge_index[0], edge_index[1]
    h = jax.nn.relu(x @ W_emb + b_emb)
    h = jax.nn.relu(gcn_conv(h, src, dst, W1, b1, num_nodes))
    h = jax.nn.relu(gcn_conv(h, src, dst, W2, b2, num_nodes))
    seg_sum = jax.ops.segment_sum(h, batch, num_segments=n_graphs)
    cnt = jax.ops.segment_sum(jnp.ones((num_nodes,), dtype=h.dtype), batch, num_segments=n_graphs)
    graph_embed = seg_sum / jnp.maximum(cnt, 1.0)[:, None]
    global_embed = jax.nn.relu(global_features @ Wg + bg)
    combined = jnp.concatenate([graph_embed, global_embed], axis=1)
    q = jax.nn.relu(combined @ Wh1 + bh1) @ Wh2 + bh2
    return q

if __name__ == "__main__":
    import jax
    _d = setup_inputs()
    print(jax.jit(kernel)(*tuple(_d.values())))

</pallas_src>

<mosaic_0001>
#map = affine_map<(d0, d1) -> (0, 0)>
#map1 = affine_map<(d0, d1) -> (0)>
#map2 = affine_map<(d0, d1) -> (0, 0, 0)>
module attributes {stable_mosaic.version = 14 : i64} {
  func.func @_sc_edge_agg(%arg0: i32, %arg1: i32, %arg2: memref<10000x128xf32, #tpu.memory_space<hbm>>, %arg3: memref<640000xi32, #tpu.memory_space<hbm>>, %arg4: memref<2x10112x128xf32, #tpu.memory_space<hbm>>, %arg5: memref<2000xi32, #tpu.memory_space<vmem>>, %arg6: memref<2000xi32, #tpu.memory_space<vmem>>, %arg7: memref<80x128xf32, #tpu.memory_space<vmem>>, %arg8: memref<80x128xf32, #tpu.memory_space<vmem>>, %arg9: memref<80x128xf32, #tpu.memory_space<vmem>>, %arg10: memref<10112x128xf32, #tpu.memory_space<vmem_shared>>, %arg11: memref<!tpu.dma_semaphore, #tpu.memory_space<semaphore_mem>>, %arg12: memref<!tpu.dma_semaphore, #tpu.memory_space<semaphore_mem>>, %arg13: memref<!tpu.dma_semaphore, #tpu.memory_space<semaphore_mem>>, %arg14: memref<!tpu.dma_semaphore, #tpu.memory_space<semaphore_mem>>, %arg15: memref<!tpu.dma_semaphore, #tpu.memory_space<semaphore_mem>>, %arg16: memref<!tpu.dma_semaphore, #tpu.memory_space<semaphore_mem>>) attributes {dimension_semantics = [#tpu.dimension_semantics<core_parallel>, #tpu.dimension_semantics<subcore_parallel>], iteration_bounds = array<i64: 2, 16>, scalar_prefetch = 0 : i64, scratch_operands = 12 : i64, tpu.core_type = #tpu.core_type<sc_vector_subcore>, window_params = [{transform_indices = #map}, {transform_indices = #map1}, {transform_indices = #map2}]} {
    %mul3A = arith.constant 2 : i32
    %mul3A_0 = arith.muli %arg1, %mul3A : i32
    %add3A = arith.addi %mul3A_0, %arg0 : i32
    %mul3A_1 = arith.constant 632 : i32
    %mul3A_2 = arith.muli %arg1, %mul3A_1 : i32
    %lt3A = arith.constant 15 : i32
    %lt3A_3 = arith.cmpi slt, %arg1, %lt3A : i32
    %convert_element_type3A = arith.extui %lt3A_3 : i1 to i32
    %cond3A = arith.constant 0 : i32
    %cond3A_4 = arith.cmpi ne, %convert_element_type3A, %cond3A : i32
    scf.if %cond3A_4 {
      "tpu.region"() ({
        %run_scoped3A = tpu.sem_alloc : memref<!tpu.dma_semaphore, #tpu.memory_space<semaphore_mem>>
        %dma_start3A = arith.constant 0 : i32
        %dma_start3A_15 = tpu.memref_slice %arg10[%mul3A_2, %dma_start3A] : memref<10112x128xf32, #tpu.memory_space<vmem_shared>> -> memref<632x128xf32, #tpu.memory_space<vmem_shared>>
        %dma_start3A_16 = arith.constant 0 : i32
        %dma_start3A_17 = tpu.memref_slice %arg2[%mul3A_2, %dma_start3A_16] : memref<10000x128xf32, #tpu.memory_space<hbm>> -> memref<632x128xf32, #tpu.memory_space<hbm>>
        tpu.enqueue_dma source(%dma_start3A_17 : memref<632x128xf32, #tpu.memory_space<hbm>>) target(%dma_start3A_15 : memref<632x128xf32, #tpu.memory_space<vmem_shared>>) target_semaphore(%run_scoped3A : memref<!tpu.dma_semaphore, #tpu.memory_space<semaphore_mem>>)
        %dma_wait3A = arith.constant 0 : i32
        %dma_wait3A_18 = tpu.memref_slice %arg10[%mul3A_2, %dma_wait3A] : memref<10112x128xf32, #tpu.memory_space<vmem_shared>> -> memref<632x128xf32, #tpu.memory_space<vmem_shared>>
        %dma_wait3A_19 = arith.constant 0 : i32
        %dma_wait3A_20 = tpu.memref_slice %arg2[%mul3A_2, %dma_wait3A_19] : memref<10000x128xf32, #tpu.memory_space<hbm>> -> memref<632x128xf32, #tpu.memory_space<hbm>>
        tpu.wait_dma2 semaphore(%run_scoped3A : memref<!tpu.dma_semaphore, #tpu.memory_space<semaphore_mem>>) src(%dma_wait3A_20 : memref<632x128xf32, #tpu.memory_space<hbm>>) dst(%dma_wait3A_18 : memref<632x128xf32, #tpu.memory_space<vmem_shared>>)
        tpu.yield
      }) : () -> ()
    } else {
    }
    %eq3A = arith.constant 15 : i32
    %eq3A_5 = arith.cmpi eq, %arg1, %eq3A : i32
    %convert_element_type3A_6 = arith.extui %eq3A_5 : i1 to i32
    %cond3A_7 = arith.constant 0 : i32
    %cond3A_8 = arith.cmpi ne, %convert_element_type3A_6, %cond3A_7 : i32
    scf.if %cond3A_8 {
      "tpu.region"() ({
        %run_scoped3A = tpu.sem_alloc : memref<!tpu.dma_semaphore, #tpu.memory_space<semaphore_mem>>
        %dma_start3A = arith.constant 9480 : i32
        %dma_start3A_15 = arith.constant 0 : i32
        %dma_start3A_16 = tpu.memref_slice %arg10[%dma_start3A, %dma_start3A_15] : memref<10112x128xf32, #tpu.memory_space<vmem_shared>> -> memref<520x128xf32, #tpu.memory_space<vmem_shared>>
        %dma_start3A_17 = arith.constant 9480 : i32
        %dma_start3A_18 = arith.constant 0 : i32
        %dma_start3A_19 = tpu.memref_slice %arg2[%dma_start3A_17, %dma_start3A_18] : memref<10000x128xf32, #tpu.memory_space<hbm>> -> memref<520x128xf32, #tpu.memory_space<hbm>>
        tpu.enqueue_dma source(%dma_start3A_19 : memref<520x128xf32, #tpu.memory_space<hbm>>) target(%dma_start3A_16 : memref<520x128xf32, #tpu.memory_space<vmem_shared>>) target_semaphore(%run_scoped3A : memref<!tpu.dma_semaphore, #tpu.memory_space<semaphore_mem>>)
        %dma_wait3A = arith.constant 9480 : i32
        %dma_wait3A_20 = arith.constant 0 : i32
        %dma_wait3A_21 = tpu.memref_slice %arg10[%dma_wait3A, %dma_wait3A_20] : memref<10112x128xf32, #tpu.memory_space<vmem_shared>> -> memref<520x128xf32, #tpu.memory_space<vmem_shared>>
        %dma_wait3A_22 = arith.constant 9480 : i32
        %dma_wait3A_23 = arith.constant 0 : i32
        %dma_wait3A_24 = tpu.memref_slice %arg2[%dma_wait3A_22, %dma_wait3A_23] : memref<10000x128xf32, #tpu.memory_space<hbm>> -> memref<520x128xf32, #tpu.memory_space<hbm>>
        tpu.wait_dma2 semaphore(%run_scoped3A : memref<!tpu.dma_semaphore, #tpu.memory_space<semaphore_mem>>) src(%dma_wait3A_24 : memref<520x128xf32, #tpu.memory_space<hbm>>) dst(%dma_wait3A_21 : memref<520x128xf32, #tpu.memory_space<vmem_shared>>)
        tpu.yield
      }) : () -> ()
    } else {
    }
    %barrier3A = arith.constant 0 : index
    tpu.barrier barrier_id(%barrier3A)
    %scan3A = arith.constant 0 : i32
    %scan3A_9 = arith.constant 0 : i32
    %scan3A_10 = arith.constant 5 : i32
    %scan3A_11 = arith.addi %scan3A_9, %scan3A_10 : i32
    %scan3A_12 = arith.constant 1 : i32
    scf.for %scan3A_15 = %scan3A_9 to %scan3A_11 step %scan3A_12  : i32 {
      %mul3A_16 = arith.constant 10000 : i32
      %mul3A_17 = arith.muli %add3A, %mul3A_16 : i32
      %mul3A_18 = arith.constant 2000 : i32
      %mul3A_19 = arith.muli %scan3A_15, %mul3A_18 : i32
      %add3A_20 = arith.addi %mul3A_17, %mul3A_19 : i32
      "tpu.region"() ({
        %run_scoped3A = tpu.sem_alloc : memref<!tpu.dma_semaphore, #tpu.memory_space<semaphore_mem>>
        %dma_start3A_107 = tpu.memref_slice %arg3[%add3A_20] : memref<640000xi32, #tpu.memory_space<hbm>> -> memref<2000xi32, #tpu.memory_space<hbm>>
        %dma_start3A_108 = tpu.memref_slice %arg3[%add3A_20] : memref<640000xi32, #tpu.memory_space<hbm>> -> memref<2000xi32, #tpu.memory_space<hbm>>
        tpu.enqueue_dma source(%dma_start3A_108 : memref<2000xi32, #tpu.memory_space<hbm>>) target(%arg5 : memref<2000xi32, #tpu.memory_space<vmem>>) target_semaphore(%run_scoped3A : memref<!tpu.dma_semaphore, #tpu.memory_space<semaphore_mem>>)
        %dma_wait3A_109 = tpu.memref_slice %arg3[%add3A_20] : memref<640000xi32, #tpu.memory_space<hbm>> -> memref<2000xi32, #tpu.memory_space<hbm>>
        %dma_wait3A_110 = tpu.memref_slice %arg3[%add3A_20] : memref<640000xi32, #tpu.memory_space<hbm>> -> memref<2000xi32, #tpu.memory_space<hbm>>
        tpu.wait_dma2 semaphore(%run_scoped3A : memref<!tpu.dma_semaphore, #tpu.memory_space<semaphore_mem>>) src(%dma_wait3A_110 : memref<2000xi32, #tpu.memory_space<hbm>>) dst(%arg5 : memref<2000xi32, #tpu.memory_space<vmem>>)
        tpu.yield
      }) : () -> ()
      %add3A_21 = arith.constant 320000 : i32
      %add3A_22 = arith.addi %add3A_21, %add3A_20 : i32
      "tpu.region"() ({
        %run_scoped3A = tpu.sem_alloc : memref<!tpu.dma_semaphore, #tpu.memory_space<semaphore_mem>>
        %dma_start3A_107 = tpu.memref_slice %arg3[%add3A_22] : memref<640000xi32, #tpu.memory_space<hbm>> -> memref<2000xi32, #tpu.memory_space<hbm>>
        %dma_start3A_108 = tpu.memref_slice %arg3[%add3A_22] : memref<640000xi32, #tpu.memory_space<hbm>> -> memref<2000xi32, #tpu.memory_space<hbm>>
        tpu.enqueue_dma source(%dma_start3A_108 : memref<2000xi32, #tpu.memory_space<hbm>>) target(%arg6 : memref<2000xi32, #tpu.memory_space<vmem>>) target_semaphore(%run_scoped3A : memref<!tpu.dma_semaphore, #tpu.memory_space<semaphore_mem>>)
        %dma_wait3A_109 = tpu.memref_slice %arg3[%add3A_22] : memref<640000xi32, #tpu.memory_space<hbm>> -> memref<2000xi32, #tpu.memory_space<hbm>>
        %dma_wait3A_110 = tpu.memref_slice %arg3[%add3A_22] : memref<640000xi32, #tpu.memory_space<hbm>> -> memref<2000xi32, #tpu.memory_space<hbm>>
        tpu.wait_dma2 semaphore(%run_scoped3A : memref<!tpu.dma_semaphore, #tpu.memory_space<semaphore_mem>>) src(%dma_wait3A_110 : memref<2000xi32, #tpu.memory_space<hbm>>) dst(%arg6 : memref<2000xi32, #tpu.memory_space<vmem>>)
        tpu.yield
      }) : () -> ()
      %dma_start3A = arith.constant 0 : i32
      %dma_start3A_23 = tpu.memref_slice %arg5[%dma_start3A] : memref<2000xi32, #tpu.memory_space<vmem>> -> memref<80xi32, #tpu.memory_space<vmem>>
      %dma_start3A_24 = arith.constant 0 : i32
      %dma_start3A_25 = arith.constant 0 : i32
      %dma_start3A_26 = tpu.memref_slice %arg2[%dma_start3A_24, %dma_start3A_25] : memref<10000x128xf32, #tpu.memory_space<hbm>> -> memref<10000x128xf32, #tpu.memory_space<hbm>>
      tpu.enqueue_indirect_dma source(%dma_start3A_26 : memref<10000x128xf32, #tpu.memory_space<hbm>>) target(%arg7 : memref<80x128xf32, #tpu.memory_space<vmem>>) offsets(%dma_start3A_23 : memref<80xi32, #tpu.memory_space<vmem>>) semaphore(%arg11 : memref<!tpu.dma_semaphore, #tpu.memory_space<semaphore_mem>>)
      %dma_start3A_27 = arith.constant 80 : i32
      %dma_start3A_28 = tpu.memref_slice %arg5[%dma_start3A_27] : memref<2000xi32, #tpu.memory_space<vmem>> -> memref<80xi32, #tpu.memory_space<vmem>>
      %dma_start3A_29 = arith.constant 0 : i32
      %dma_start3A_30 = arith.constant 0 : i32
      %dma_start3A_31 = tpu.memref_slice %arg2[%dma_start3A_29, %dma_start3A_30] : memref<10000x128xf32, #tpu.memory_space<hbm>> -> memref<10000x128xf32, #tpu.memory_space<hbm>>
      tpu.enqueue_indirect_dma source(%dma_start3A_31 : memref<10000x128xf32, #tpu.memory_space<hbm>>) target(%arg8 : memref<80x128xf32, #tpu.memory_space<vmem>>) offsets(%dma_start3A_28 : memref<80xi32, #tpu.memory_space<vmem>>) semaphore(%arg12 : memref<!tpu.dma_semaphore, #tpu.memory_space<semaphore_mem>>)
      %dma_wait3A = arith.constant 0 : i32
      %dma_wait3A_32 = tpu.memref_slice %arg5[%dma_wait3A] : memref<2000xi32, #tpu.memory_space<vmem>> -> memref<80xi32, #tpu.memory_space<vmem>>
      %dma_wait3A_33 = arith.constant 0 : i32
      %dma_wait3A_34 = arith.constant 0 : i32
      %dma_wait3A_35 = tpu.memref_slice %arg2[%dma_wait3A_33, %dma_wait3A_34] : memref<10000x128xf32, #tpu.memory_space<hbm>> -> memref<10000x128xf32, #tpu.memory_space<hbm>>
      tpu.wait_indirect_dma semaphore(%arg11 : memref<!tpu.dma_semaphore, #tpu.memory_space<semaphore_mem>>) src(%dma_wait3A_35 : memref<10000x128xf32, #tpu.memory_space<hbm>>) dst(%arg7 : memref<80x128xf32, #tpu.memory_space<vmem>>)
      %dma_start3A_36 = arith.constant 0 : i32
      %dma_start3A_37 = tpu.memref_slice %arg6[%dma_start3A_36] : memref<2000xi32, #tpu.memory_space<vmem>> -> memref<80xi32, #tpu.memory_space<vmem>>
      %dma_start3A_38 = arith.constant 0 : i32
      %dma_start3A_39 = arith.constant 0 : i32
      %dma_start3A_40 = tpu.memref_slice %arg10[%dma_start3A_38, %dma_start3A_39] : memref<10112x128xf32, #tpu.memory_space<vmem_shared>> -> memref<10112x128xf32, #tpu.memory_space<vmem_shared>>
      tpu.enqueue_indirect_dma source(%arg7 : memref<80x128xf32, #tpu.memory_space<vmem>>) target(%dma_start3A_40 : memref<10112x128xf32, #tpu.memory_space<vmem_shared>>) offsets(%dma_start3A_37 : memref<80xi32, #tpu.memory_space<vmem>>) semaphore(%arg14 : memref<!tpu.dma_semaphore, #tpu.memory_space<semaphore_mem>>) {add = true}
      %dma_start3A_41 = arith.constant 160 : i32
      %dma_start3A_42 = tpu.memref_slice %arg5[%dma_start3A_41] : memref<2000xi32, #tpu.memory_space<vmem>> -> memref<80xi32, #tpu.memory_space<vmem>>
      %dma_start3A_43 = arith.constant 0 : i32
      %dma_start3A_44 = arith.constant 0 : i32
      %dma_start3A_45 = tpu.memref_slice %arg2[%dma_start3A_43, %dma_start3A_44] : memref<10000x128xf32, #tpu.memory_space<hbm>> -> memref<10000x128xf32, #tpu.memory_space<hbm>>
      tpu.enqueue_indirect_dma source(%dma_start3A_45 : memref<10000x128xf32, #tpu.memory_space<hbm>>) target(%arg9 : memref<80x128xf32, #tpu.memory_space<vmem>>) offsets(%dma_start3A_42 : memref<80xi32, #tpu.memory_space<vmem>>) semaphore(%arg13 : memref<!tpu.dma_semaphore, #tpu.memory_space<semaphore_mem>>)
      %scan3A_46 = arith.constant 0 : i32
      %scan3A_47 = arith.constant 0 : i32
      %scan3A_48 = arith.constant 7 : i32
      %scan3A_49 = arith.addi %scan3A_47, %scan3A_48 : i32
      %scan3A_50 = arith.constant 1 : i32
      scf.for %scan3A_107 = %scan3A_47 to %scan3A_49 step %scan3A_50  : i32 {
        %mul3A_108 = arith.constant 3 : i32
        %mul3A_109 = arith.muli %scan3A_107, %mul3A_108 : i32
        %add3A_110 = arith.constant 1 : i32
        %add3A_111 = arith.addi %mul3A_109, %add3A_110 : i32
        %add3A_112 = arith.constant 0 : i32
        %add3A_113 = arith.addi %add3A_111, %add3A_112 : i32
        %mul3A_114 = arith.constant 80 : i32
        %mul3A_115 = arith.muli %add3A_113, %mul3A_114 : i32
        %dma_wait3A_116 = tpu.memref_slice %arg5[%mul3A_115] : memref<2000xi32, #tpu.memory_space<vmem>> -> memref<80xi32, #tpu.memory_space<vmem>>
        %dma_wait3A_117 = arith.constant 0 : i32
        %dma_wait3A_118 = arith.constant 0 : i32
        %dma_wait3A_119 = tpu.memref_slice %arg2[%dma_wait3A_117, %dma_wait3A_118] : memref<10000x128xf32, #tpu.memory_space<hbm>> -> memref<10000x128xf32, #tpu.memory_space<hbm>>
        tpu.wait_indirect_dma semaphore(%arg12 : memref<!tpu.dma_semaphore, #tpu.memory_space<semaphore_mem>>) src(%dma_wait3A_119 : memref<10000x128xf32, #tpu.memory_space<hbm>>) dst(%arg8 : memref<80x128xf32, #tpu.memory_space<vmem>>)
        %mul3A_120 = arith.constant 80 : i32
        %mul3A_121 = arith.muli %add3A_113, %mul3A_120 : i32
        %dma_start3A_122 = tpu.memref_slice %arg6[%mul3A_121] : memref<2000xi32, #tpu.memory_space<vmem>> -> memref<80xi32, #tpu.memory_space<vmem>>
        %dma_start3A_123 = arith.constant 0 : i32
        %dma_start3A_124 = arith.constant 0 : i32
        %dma_start3A_125 = tpu.memref_slice %arg10[%dma_start3A_123, %dma_start3A_124] : memref<10112x128xf32, #tpu.memory_space<vmem_shared>> -> memref<10112x128xf32, #tpu.memory_space<vmem_shared>>
        tpu.enqueue_indirect_dma source(%arg8 : memref<80x128xf32, #tpu.memory_space<vmem>>) target(%dma_start3A_125 : memref<10112x128xf32, #tpu.memory_space<vmem_shared>>) offsets(%dma_start3A_122 : memref<80xi32, #tpu.memory_space<vmem>>) semaphore(%arg15 : memref<!tpu.dma_semaphore, #tpu.memory_space<semaphore_mem>>) {add = true}
        %sub3A = arith.constant 1 : i32
        %sub3A_126 = arith.subi %add3A_113, %sub3A : i32
        %mul3A_127 = arith.constant 80 : i32
        %mul3A_128 = arith.muli %sub3A_126, %mul3A_127 : i32
        %dma_wait3A_129 = tpu.memref_slice %arg6[%mul3A_128] : memref<2000xi32, #tpu.memory_space<vmem>> -> memref<80xi32, #tpu.memory_space<vmem>>
        %dma_wait3A_130 = arith.constant 0 : i32
        %dma_wait3A_131 = arith.constant 0 : i32
        %dma_wait3A_132 = tpu.memref_slice %arg10[%dma_wait3A_130, %dma_wait3A_131] : memref<10112x128xf32, #tpu.memory_space<vmem_shared>> -> memref<10112x128xf32, #tpu.memory_space<vmem_shared>>
        tpu.wait_indirect_dma semaphore(%arg14 : memref<!tpu.dma_semaphore, #tpu.memory_space<semaphore_mem>>) src(%arg7 : memref<80x128xf32, #tpu.memory_space<vmem>>) dst(%dma_wait3A_132 : memref<10112x128xf32, #tpu.memory_space<vmem_shared>>)
        %add3A_133 = arith.constant 2 : i32
        %add3A_134 = arith.addi %add3A_113, %add3A_133 : i32
        %mul3A_135 = arith.constant 80 : i32
        %mul3A_136 = arith.muli %add3A_134, %mul3A_135 : i32
        %dma_start3A_137 = tpu.memref_slice %arg5[%mul3A_136] : memref<2000xi32, #tpu.memory_space<vmem>> -> memref<80xi32, #tpu.memory_space<vmem>>
        %dma_start3A_138 = arith.constant 0 : i32
        %dma_start3A_139 = arith.constant 0 : i32
        %dma_start3A_140 = tpu.memref_slice %arg2[%dma_start3A_138, %dma_start3A_139] : memref<10000x128xf32, #tpu.memory_space<hbm>> -> memref<10000x128xf32, #tpu.memory_space<hbm>>
        tpu.enqueue_indirect_dma source(%dma_start3A_140 : memref<10000x128xf32, #tpu.memory_space<hbm>>) target(%arg7 : memref<80x128xf32, #tpu.memory_space<vmem>>) offsets(%dma_start3A_137 : memref<80xi32, #tpu.memory_space<vmem>>) semaphore(%arg11 : memref<!tpu.dma_semaphore, #tpu.memory_space<semaphore_mem>>)
        %mul3A_141 = arith.constant 3 : i32
        %mul3A_142 = arith.muli %scan3A_107, %mul3A_141 : i32
        %add3A_143 = arith.constant 1 : i32
        %add3A_144 = arith.addi %mul3A_142, %add3A_143 : i32
        %add3A_145 = arith.constant 1 : i32
        %add3A_146 = arith.addi %add3A_144, %add3A_145 : i32
        %mul3A_147 = arith.constant 80 : i32
        %mul3A_148 = arith.muli %add3A_146, %mul3A_147 : i32
        %dma_wait3A_149 = tpu.memref_slice %arg5[%mul3A_148] : memref<2000xi32, #tpu.memory_space<vmem>> -> memref<80xi32, #tpu.memory_space<vmem>>
        %dma_wait3A_150 = arith.constant 0 : i32
        %dma_wait3A_151 = arith.constant 0 : i32
        %dma_wait3A_152 = tpu.memref_slice %arg2[%dma_wait3A_150, %dma_wait3A_151] : memref<10000x128xf32, #tpu.memory_space<hbm>> -> memref<10000x128xf32, #tpu.memory_space<hbm>>
        tpu.wait_indirect_dma semaphore(%arg13 : memref<!tpu.dma_semaphore, #tpu.memory_space<semaphore_mem>>) src(%dma_wait3A_152 : memref<10000x128xf32, #tpu.memory_space<hbm>>) dst(%arg9 : memref<80x128xf32, #tpu.memory_space<vmem>>)
        %mul3A_153 = arith.constant 80 : i32
        %mul3A_154 = arith.muli %add3A_146, %mul3A_153 : i32
        %dma_start3A_155 = tpu.memref_slice %arg6[%mul3A_154] : memref<2000xi32, #tpu.memory_space<vmem>> -> memref<80xi32, #tpu.memory_space<vmem>>
        %dma_start3A_156 = arith.constant 0 : i32
        %dma_start3A_157 = arith.constant 0 : i32
        %dma_start3A_158 = tpu.memref_slice %arg10[%dma_start3A_156, %dma_start3A_157] : memref<10112x128xf32, #tpu.memory_space<vmem_shared>> -> memref<10112x128xf32, #tpu.memory_space<vmem_shared>>
        tpu.enqueue_indirect_dma source(%arg9 : memref<80x128xf32, #tpu.memory_space<vmem>>) target(%dma_start3A_158 : memref<10112x128xf32, #tpu.memory_space<vmem_shared>>) offsets(%dma_start3A_155 : memref<80xi32, #tpu.memory_space<vmem>>) semaphore(%arg16 : memref<!tpu.dma_semaphore, #tpu.memory_space<semaphore_mem>>) {add = true}
        %sub3A_159 = arith.constant 1 : i32
        %sub3A_160 = arith.subi %add3A_146, %sub3A_159 : i32
        %mul3A_161 = arith.constant 80 : i32
        %mul3A_162 = arith.muli %sub3A_160, %mul3A_161 : i32
        %dma_wait3A_163 = tpu.memref_slice %arg6[%mul3A_162] : memref<2000xi32, #tpu.memory_space<vmem>> -> memref<80xi32, #tpu.memory_space<vmem>>
        %dma_wait3A_164 = arith.constant 0 : i32
        %dma_wait3A_165 = arith.constant 0 : i32
        %dma_wait3A_166 = tpu.memref_slice %arg10[%dma_wait3A_164, %dma_wait3A_165] : memref<10112x128xf32, #tpu.memory_space<vmem_shared>> -> memref<10112x128xf32, #tpu.memory_space<vmem_shared>>
        tpu.wait_indirect_dma semaphore(%arg15 : memref<!tpu.dma_semaphore, #tpu.memory_space<semaphore_mem>>) src(%arg8 : memref<80x128xf32, #tpu.memory_space<vmem>>) dst(%dma_wait3A_166 : memref<10112x128xf32, #tpu.memory_space<vmem_shared>>)
        %add3A_167 = arith.constant 2 : i32
        %add3A_168 = arith.addi %add3A_146, %add3A_167 : i32
        %mul3A_169 = arith.constant 80 : i32
        %mul3A_170 = arith.muli %add3A_168, %mul3A_169 : i32
        %dma_start3A_171 = tpu.memref_slice %arg5[%mul3A_170] : memref<2000xi32, #tpu.memory_space<vmem>> -> memref<80xi32, #tpu.memory_space<vmem>>
        %dma_start3A_172 = arith.constant 0 : i32
        %dma_start3A_173 = arith.constant 0 : i32
        %dma_start3A_174 = tpu.memref_slice %arg2[%dma_start3A_172, %dma_start3A_173] : memref<10000x128xf32, #tpu.memory_space<hbm>> -> memref<10000x128xf32, #tpu.memory_space<hbm>>
        tpu.enqueue_indirect_dma source(%dma_start3A_174 : memref<10000x128xf32, #tpu.memory_space<hbm>>) target(%arg8 : memref<80x128xf32, #tpu.memory_space<vmem>>) offsets(%dma_start3A_171 : memref<80xi32, #tpu.memory_space<vmem>>) semaphore(%arg12 : memref<!tpu.dma_semaphore, #tpu.memory_space<semaphore_mem>>)
        %mul3A_175 = arith.constant 3 : i32
        %mul3A_176 = arith.muli %scan3A_107, %mul3A_175 : i32
        %add3A_177 = arith.constant 1 : i32
        %add3A_178 = arith.addi %mul3A_176, %add3A_177 : i32
        %add3A_179 = arith.constant 2 : i32
        %add3A_180 = arith.addi %add3A_178, %add3A_179 : i32
        %mul3A_181 = arith.constant 80 : i32
        %mul3A_182 = arith.muli %add3A_180, %mul3A_181 : i32
        %dma_wait3A_183 = tpu.memref_slice %arg5[%mul3A_182] : memref<2000xi32, #tpu.memory_space<vmem>> -> memref<80xi32, #tpu.memory_space<vmem>>
        %dma_wait3A_184 = arith.constant 0 : i32
        %dma_wait3A_185 = arith.constant 0 : i32
        %dma_wait3A_186 = tpu.memref_slice %arg2[%dma_wait3A_184, %dma_wait3A_185] : memref<10000x128xf32, #tpu.memory_space<hbm>> -> memref<10000x128xf32, #tpu.memory_space<hbm>>
        tpu.wait_indirect_dma semaphore(%arg11 : memref<!tpu.dma_semaphore, #tpu.memory_space<semaphore_mem>>) src(%dma_wait3A_186 : memref<10000x128xf32, #tpu.memory_space<hbm>>) dst(%arg7 : memref<80x128xf32, #tpu.memory_space<vmem>>)
        %mul3A_187 = arith.constant 80 : i32
        %mul3A_188 = arith.muli %add3A_180, %mul3A_187 : i32
        %dma_start3A_189 = tpu.memref_slice %arg6[%mul3A_188] : memref<2000xi32, #tpu.memory_space<vmem>> -> memref<80xi32, #tpu.memory_space<vmem>>
        %dma_start3A_190 = arith.constant 0 : i32
        %dma_start3A_191 = arith.constant 0 : i32
        %dma_start3A_192 = tpu.memref_slice %arg10[%dma_start3A_190, %dma_start3A_191] : memref<10112x128xf32, #tpu.memory_space<vmem_shared>> -> memref<10112x128xf32, #tpu.memory_space<vmem_shared>>
        tpu.enqueue_indirect_dma source(%arg7 : memref<80x128xf32, #tpu.memory_space<vmem>>) target(%dma_start3A_192 : memref<10112x128xf32, #tpu.memory_space<vmem_shared>>) offsets(%dma_start3A_189 : memref<80xi32, #tpu.memory_space<vmem>>) semaphore(%arg14 : memref<!tpu.dma_semaphore, #tpu.memory_space<semaphore_mem>>) {add = true}
        %sub3A_193 = arith.constant 1 : i32
        %sub3A_194 = arith.subi %add3A_180, %sub3A_193 : i32
        %mul3A_195 = arith.constant 80 : i32
        %mul3A_196 = arith.muli %sub3A_194, %mul3A_195 : i32
        %dma_wait3A_197 = tpu.memref_slice %arg6[%mul3A_196] : memref<2000xi32, #tpu.memory_space<vmem>> -> memref<80xi32, #tpu.memory_space<vmem>>
        %dma_wait3A_198 = arith.constant 0 : i32
        %dma_wait3A_199 = arith.constant 0 : i32
        %dma_wait3A_200 = tpu.memref_slice %arg10[%dma_wait3A_198, %dma_wait3A_199] : memref<10112x128xf32, #tpu.memory_space<vmem_shared>> -> memref<10112x128xf32, #tpu.memory_space<vmem_shared>>
        tpu.wait_indirect_dma semaphore(%arg16 : memref<!tpu.dma_semaphore, #tpu.memory_space<semaphore_mem>>) src(%arg9 : memref<80x128xf32, #tpu.memory_space<vmem>>) dst(%dma_wait3A_200 : memref<10112x128xf32, #tpu.memory_space<vmem_shared>>)
        %add3A_201 = arith.constant 2 : i32
        %add3A_202 = arith.addi %add3A_180, %add3A_201 : i32
        %mul3A_203 = arith.constant 80 : i32
        %mul3A_204 = arith.muli %add3A_202, %mul3A_203 : i32
        %dma_start3A_205 = tpu.memref_slice %arg5[%mul3A_204] : memref<2000xi32, #tpu.memory_space<vmem>> -> memref<80xi32, #tpu.memory_space<vmem>>
        %dma_start3A_206 = arith.constant 0 : i32
        %dma_start3A_207 = arith.constant 0 : i32
        %dma_start3A_208 = tpu.memref_slice %arg2[%dma_start3A_206, %dma_start3A_207] : memref<10000x128xf32, #tpu.memory_space<hbm>> -> memref<10000x128xf32, #tpu.memory_space<hbm>>
        tpu.enqueue_indirect_dma source(%dma_start3A_208 : memref<10000x128xf32, #tpu.memory_space<hbm>>) target(%arg9 : memref<80x128xf32, #tpu.memory_space<vmem>>) offsets(%dma_start3A_205 : memref<80xi32, #tpu.memory_space<vmem>>) semaphore(%arg13 : memref<!tpu.dma_semaphore, #tpu.memory_space<semaphore_mem>>)
      }
      %scan3A_51 = arith.constant 7 : i32
      %dma_wait3A_52 = arith.constant 1760 : i32
      %dma_wait3A_53 = tpu.memref_slice %arg5[%dma_wait3A_52] : memref<2000xi32, #tpu.memory_space<vmem>> -> memref<80xi32, #tpu.memory_space<vmem>>
      %dma_wait3A_54 = arith.constant 0 : i32
      %dma_wait3A_55 = arith.constant 0 : i32
      %dma_wait3A_56 = tpu.memref_slice %arg2[%dma_wait3A_54, %dma_wait3A_55] : memref<10000x128xf32, #tpu.memory_space<hbm>> -> memref<10000x128xf32, #tpu.memory_space<hbm>>
      tpu.wait_indirect_dma semaphore(%arg12 : memref<!tpu.dma_semaphore, #tpu.memory_space<semaphore_mem>>) src(%dma_wait3A_56 : memref<10000x128xf32, #tpu.memory_space<hbm>>) dst(%arg8 : memref<80x128xf32, #tpu.memory_space<vmem>>)
      %dma_start3A_57 = arith.constant 1760 : i32
      %dma_start3A_58 = tpu.memref_slice %arg6[%dma_start3A_57] : memref<2000xi32, #tpu.memory_space<vmem>> -> memref<80xi32, #tpu.memory_space<vmem>>
      %dma_start3A_59 = arith.constant 0 : i32
      %dma_start3A_60 = arith.constant 0 : i32
      %dma_start3A_61 = tpu.memref_slice %arg10[%dma_start3A_59, %dma_start3A_60] : memref<10112x128xf32, #tpu.memory_space<vmem_shared>> -> memref<10112x128xf32, #tpu.memory_space<vmem_shared>>
      tpu.enqueue_indirect_dma source(%arg8 : memref<80x128xf32, #tpu.memory_space<vmem>>) target(%dma_start3A_61 : memref<10112x128xf32, #tpu.memory_space<vmem_shared>>) offsets(%dma_start3A_58 : memref<80xi32, #tpu.memory_space<vmem>>) semaphore(%arg15 : memref<!tpu.dma_semaphore, #tpu.memory_space<semaphore_mem>>) {add = true}
      %dma_wait3A_62 = arith.constant 1680 : i32
      %dma_wait3A_63 = tpu.memref_slice %arg6[%dma_wait3A_62] : memref<2000xi32, #tpu.memory_space<vmem>> -> memref<80xi32, #tpu.memory_space<vmem>>
      %dma_wait3A_64 = arith.constant 0 : i32
      %dma_wait3A_65 = arith.constant 0 : i32
      %dma_wait3A_66 = tpu.memref_slice %arg10[%dma_wait3A_64, %dma_wait3A_65] : memref<10112x128xf32, #tpu.memory_space<vmem_shared>> -> memref<10112x128xf32, #tpu.memory_space<vmem_shared>>
      tpu.wait_indirect_dma semaphore(%arg14 : memref<!tpu.dma_semaphore, #tpu.memory_space<semaphore_mem>>) src(%arg7 : memref<80x128xf32, #tpu.memory_space<vmem>>) dst(%dma_wait3A_66 : memref<10112x128xf32, #tpu.memory_space<vmem_shared>>)
      %dma_start3A_67 = arith.constant 1920 : i32
      %dma_start3A_68 = tpu.memref_slice %arg5[%dma_start3A_67] : memref<2000xi32, #tpu.memory_space<vmem>> -> memref<80xi32, #tpu.memory_space<vmem>>
      %dma_start3A_69 = arith.constant 0 : i32
      %dma_start3A_70 = arith.constant 0 : i32
      %dma_start3A_71 = tpu.memref_slice %arg2[%dma_start3A_69, %dma_start3A_70] : memref<10000x128xf32, #tpu.memory_space<hbm>> -> memref<10000x128xf32, #tpu.memory_space<hbm>>
      tpu.enqueue_indirect_dma source(%dma_start3A_71 : memref<10000x128xf32, #tpu.memory_space<hbm>>) target(%arg7 : memref<80x128xf32, #tpu.memory_space<vmem>>) offsets(%dma_start3A_68 : memref<80xi32, #tpu.memory_space<vmem>>) semaphore(%arg11 : memref<!tpu.dma_semaphore, #tpu.memory_space<semaphore_mem>>)
      %dma_wait3A_72 = arith.constant 1840 : i32
      %dma_wait3A_73 = tpu.memref_slice %arg5[%dma_wait3A_72] : memref<2000xi32, #tpu.memory_space<vmem>> -> memref<80xi32, #tpu.memory_space<vmem>>
      %dma_wait3A_74 = arith.constant 0 : i32
      %dma_wait3A_75 = arith.constant 0 : i32
      %dma_wait3A_76 = tpu.memref_slice %arg2[%dma_wait3A_74, %dma_wait3A_75] : memref<10000x128xf32, #tpu.memory_space<hbm>> -> memref<10000x128xf32, #tpu.memory_space<hbm>>
      tpu.wait_indirect_dma semaphore(%arg13 : memref<!tpu.dma_semaphore, #tpu.memory_space<semaphore_mem>>) src(%dma_wait3A_76 : memref<10000x128xf32, #tpu.memory_space<hbm>>) dst(%arg9 : memref<80x128xf32, #tpu.memory_space<vmem>>)
      %dma_start3A_77 = arith.constant 1840 : i32
      %dma_start3A_78 = tpu.memref_slice %arg6[%dma_start3A_77] : memref<2000xi32, #tpu.memory_space<vmem>> -> memref<80xi32, #tpu.memory_space<vmem>>
      %dma_start3A_79 = arith.constant 0 : i32
      %dma_start3A_80 = arith.constant 0 : i32
      %dma_start3A_81 = tpu.memref_slice %arg10[%dma_start3A_79, %dma_start3A_80] : memref<10112x128xf32, #tpu.memory_space<vmem_shared>> -> memref<10112x128xf32, #tpu.memory_space<vmem_shared>>
      tpu.enqueue_indirect_dma source(%arg9 : memref<80x128xf32, #tpu.memory_space<vmem>>) target(%dma_start3A_81 : memref<10112x128xf32, #tpu.memory_space<vmem_shared>>) offsets(%dma_start3A_78 : memref<80xi32, #tpu.memory_space<vmem>>) semaphore(%arg16 : memref<!tpu.dma_semaphore, #tpu.memory_space<semaphore_mem>>) {add = true}
      %dma_wait3A_82 = arith.constant 1760 : i32
      %dma_wait3A_83 = tpu.memref_slice %arg6[%dma_wait3A_82] : memref<2000xi32, #tpu.memory_space<vmem>> -> memref<80xi32, #tpu.memory_space<vmem>>
      %dma_wait3A_84 = arith.constant 0 : i32
      %dma_wait3A_85 = arith.constant 0 : i32
      %dma_wait3A_86 = tpu.memref_slice %arg10[%dma_wait3A_84, %dma_wait3A_85] : memref<10112x128xf32, #tpu.memory_space<vmem_shared>> -> memref<10112x128xf32, #tpu.memory_space<vmem_shared>>
      tpu.wait_indirect_dma semaphore(%arg15 : memref<!tpu.dma_semaphore, #tpu.memory_space<semaphore_mem>>) src(%arg8 : memref<80x128xf32, #tpu.memory_space<vmem>>) dst(%dma_wait3A_86 : memref<10112x128xf32, #tpu.memory_space<vmem_shared>>)
      %dma_wait3A_87 = arith.constant 1920 : i32
      %dma_wait3A_88 = tpu.memref_slice %arg5[%dma_wait3A_87] : memref<2000xi32, #tpu.memory_space<vmem>> -> memref<80xi32, #tpu.memory_space<vmem>>
      %dma_wait3A_89 = arith.constant 0 : i32
      %dma_wait3A_90 = arith.constant 0 : i32
      %dma_wait3A_91 = tpu.memref_slice %arg2[%dma_wait3A_89, %dma_wait3A_90] : memref<10000x128xf32, #tpu.memory_space<hbm>> -> memref<10000x128xf32, #tpu.memory_space<hbm>>
      tpu.wait_indirect_dma semaphore(%arg11 : memref<!tpu.dma_semaphore, #tpu.memory_space<semaphore_mem>>) src(%dma_wait3A_91 : memref<10000x128xf32, #tpu.memory_space<hbm>>) dst(%arg7 : memref<80x128xf32, #tpu.memory_space<vmem>>)
      %dma_start3A_92 = arith.constant 1920 : i32
      %dma_start3A_93 = tpu.memref_slice %arg6[%dma_start3A_92] : memref<2000xi32, #tpu.memory_space<vmem>> -> memref<80xi32, #tpu.memory_space<vmem>>
      %dma_start3A_94 = arith.constant 0 : i32
      %dma_start3A_95 = arith.constant 0 : i32
      %dma_start3A_96 = tpu.memref_slice %arg10[%dma_start3A_94, %dma_start3A_95] : memref<10112x128xf32, #tpu.memory_space<vmem_shared>> -> memref<10112x128xf32, #tpu.memory_space<vmem_shared>>
      tpu.enqueue_indirect_dma source(%arg7 : memref<80x128xf32, #tpu.memory_space<vmem>>) target(%dma_start3A_96 : memref<10112x128xf32, #tpu.memory_space<vmem_shared>>) offsets(%dma_start3A_93 : memref<80xi32, #tpu.memory_space<vmem>>) semaphore(%arg14 : memref<!tpu.dma_semaphore, #tpu.memory_space<semaphore_mem>>) {add = true}
      %dma_wait3A_97 = arith.constant 1840 : i32
      %dma_wait3A_98 = tpu.memref_slice %arg6[%dma_wait3A_97] : memref<2000xi32, #tpu.memory_space<vmem>> -> memref<80xi32, #tpu.memory_space<vmem>>
      %dma_wait3A_99 = arith.constant 0 : i32
      %dma_wait3A_100 = arith.constant 0 : i32
      %dma_wait3A_101 = tpu.memref_slice %arg10[%dma_wait3A_99, %dma_wait3A_100] : memref<10112x128xf32, #tpu.memory_space<vmem_shared>> -> memref<10112x128xf32, #tpu.memory_space<vmem_shared>>
      tpu.wait_indirect_dma semaphore(%arg16 : memref<!tpu.dma_semaphore, #tpu.memory_space<semaphore_mem>>) src(%arg9 : memref<80x128xf32, #tpu.memory_space<vmem>>) dst(%dma_wait3A_101 : memref<10112x128xf32, #tpu.memory_space<vmem_shared>>)
      %dma_wait3A_102 = arith.constant 1920 : i32
      %dma_wait3A_103 = tpu.memref_slice %arg6[%dma_wait3A_102] : memref<2000xi32, #tpu.memory_space<vmem>> -> memref<80xi32, #tpu.memory_space<vmem>>
      %dma_wait3A_104 = arith.constant 0 : i32
      %dma_wait3A_105 = arith.constant 0 : i32
      %dma_wait3A_106 = tpu.memref_slice %arg10[%dma_wait3A_104, %dma_wait3A_105] : memref<10112x128xf32, #tpu.memory_space<vmem_shared>> -> memref<10112x128xf32, #tpu.memory_space<vmem_shared>>
      tpu.wait_indirect_dma semaphore(%arg14 : memref<!tpu.dma_semaphore, #tpu.memory_space<semaphore_mem>>) src(%arg7 : memref<80x128xf32, #tpu.memory_space<vmem>>) dst(%dma_wait3A_106 : memref<10112x128xf32, #tpu.memory_space<vmem_shared>>)
    }
    %scan3A_13 = arith.constant 5 : i32
    %barrier3A_14 = arith.constant 0 : index
    tpu.barrier barrier_id(%barrier3A_14)
    "tpu.region"() ({
      %run_scoped3A = tpu.sem_alloc : memref<!tpu.dma_semaphore, #tpu.memory_space<semaphore_mem>>
      %dma_start3A = arith.constant 0 : i32
      %dma_start3A_15 = arith.constant 0 : i32
      %dma_start3A_16 = tpu.memref_slice %arg4[%arg0, %dma_start3A, %dma_start3A_15] : memref<2x10112x128xf32, #tpu.memory_space<hbm>> -> memref<1x10112x128xf32, #tpu.memory_space<hbm>>
      %dma_start3A_17 = tpu.memref_squeeze %dma_start3A_16 : memref<1x10112x128xf32, #tpu.memory_space<hbm>> -> memref<10112x128xf32, #tpu.memory_space<hbm>>
      %dma_start3A_18 = arith.constant 0 : i32
      %dma_start3A_19 = tpu.memref_slice %dma_start3A_17[%mul3A_2, %dma_start3A_18] : memref<10112x128xf32, #tpu.memory_space<hbm>> -> memref<632x128xf32, #tpu.memory_space<hbm>>
      %dma_start3A_20 = arith.constant 0 : i32
      %dma_start3A_21 = tpu.memref_slice %arg10[%mul3A_2, %dma_start3A_20] : memref<10112x128xf32, #tpu.memory_space<vmem_shared>> -> memref<632x128xf32, #tpu.memory_space<vmem_shared>>
      tpu.enqueue_dma source(%dma_start3A_21 : memref<632x128xf32, #tpu.memory_space<vmem_shared>>) target(%dma_start3A_19 : memref<632x128xf32, #tpu.memory_space<hbm>>) target_semaphore(%run_scoped3A : memref<!tpu.dma_semaphore, #tpu.memory_space<semaphore_mem>>)
      %dma_wait3A = arith.constant 0 : i32
      %dma_wait3A_22 = arith.constant 0 : i32
      %dma_wait3A_23 = tpu.memref_slice %arg4[%arg0, %dma_wait3A, %dma_wait3A_22] : memref<2x10112x128xf32, #tpu.memory_space<hbm>> -> memref<1x10112x128xf32, #tpu.memory_space<hbm>>
      %dma_wait3A_24 = tpu.memref_squeeze %dma_wait3A_23 : memref<1x10112x128xf32, #tpu.memory_space<hbm>> -> memref<10112x128xf32, #tpu.memory_space<hbm>>
      %dma_wait3A_25 = arith.constant 0 : i32
      %dma_wait3A_26 = tpu.memref_slice %dma_wait3A_24[%mul3A_2, %dma_wait3A_25] : memref<10112x128xf32, #tpu.memory_space<hbm>> -> memref<632x128xf32, #tpu.memory_space<hbm>>
      %dma_wait3A_27 = arith.constant 0 : i32
      %dma_wait3A_28 = tpu.memref_slice %arg10[%mul3A_2, %dma_wait3A_27] : memref<10112x128xf32, #tpu.memory_space<vmem_shared>> -> memref<632x128xf32, #tpu.memory_space<vmem_shared>>
      tpu.wait_dma2 semaphore(%run_scoped3A : memref<!tpu.dma_semaphore, #tpu.memory_space<semaphore_mem>>) src(%dma_wait3A_28 : memref<632x128xf32, #tpu.memory_space<vmem_shared>>) dst(%dma_wait3A_26 : memref<632x128xf32, #tpu.memory_space<hbm>>)
      tpu.yield
    }) : () -> ()
    return
  }
}

#map = affine_map<(d0, d1) -> (0, 0)>
#map1 = affine_map<(d0, d1) -> (0)>
#map2 = affine_map<(d0, d1) -> (0, 0, 0)>
module attributes {stable_mosaic.version = 14 : i64} {
  func.func @_sc_edge_agg(%arg0: i32, %arg1: i32, %arg2: memref<10000x128xf32, #tpu.memory_space<hbm>>, %arg3: memref<640000xi32, #tpu.memory_space<hbm>>, %arg4: memref<2x10112x128xf32, #tpu.memory_space<hbm>>, %arg5: memref<2000xi32, #tpu.memory_space<vmem>>, %arg6: memref<2000xi32, #tpu.memory_space<vmem>>, %arg7: memref<80x128xf32, #tpu.memory_space<vmem>>, %arg8: memref<80x128xf32, #tpu.memory_space<vmem>>, %arg9: memref<80x128xf32, #tpu.memory_space<vmem>>, %arg10: memref<10112x128xf32, #tpu.memory_space<vmem_shared>>, %arg11: memref<!tpu.dma_semaphore, #tpu.memory_space<semaphore_mem>>, %arg12: memref<!tpu.dma_semaphore, #tpu.memory_space<semaphore_mem>>, %arg13: memref<!tpu.dma_semaphore, #tpu.memory_space<semaphore_mem>>, %arg14: memref<!tpu.dma_semaphore, #tpu.memory_space<semaphore_mem>>, %arg15: memref<!tpu.dma_semaphore, #tpu.memory_space<semaphore_mem>>, %arg16: memref<!tpu.dma_semaphore, #tpu.memory_space<semaphore_mem>>) attributes {dimension_semantics = [#tpu.dimension_semantics<core_parallel>, #tpu.dimension_semantics<subcore_parallel>], iteration_bounds = array<i64: 2, 16>, scalar_prefetch = 0 : i64, scratch_operands = 12 : i64, tpu.core_type = #tpu.core_type<sc_vector_subcore>, window_params = [{transform_indices = #map}, {transform_indices = #map1}, {transform_indices = #map2}]} {
    %mul3A = arith.constant 2 : i32
    %mul3A_0 = arith.muli %arg1, %mul3A : i32
    %add3A = arith.addi %mul3A_0, %arg0 : i32
    %mul3A_1 = arith.constant 632 : i32
    %mul3A_2 = arith.muli %arg1, %mul3A_1 : i32
    %lt3A = arith.constant 15 : i32
    %lt3A_3 = arith.cmpi slt, %arg1, %lt3A : i32
    %convert_element_type3A = arith.extui %lt3A_3 : i1 to i32
    %cond3A = arith.constant 0 : i32
    %cond3A_4 = arith.cmpi ne, %convert_element_type3A, %cond3A : i32
    scf.if %cond3A_4 {
      "tpu.region"() ({
        %run_scoped3A = tpu.sem_alloc : memref<!tpu.dma_semaphore, #tpu.memory_space<semaphore_mem>>
        %dma_start3A = arith.constant 0 : i32
        %dma_start3A_15 = tpu.memref_slice %arg10[%mul3A_2, %dma_start3A] : memref<10112x128xf32, #tpu.memory_space<vmem_shared>> -> memref<632x128xf32, #tpu.memory_space<vmem_shared>>
        %dma_start3A_16 = arith.constant 0 : i32
        %dma_start3A_17 = tpu.memref_slice %arg2[%mul3A_2, %dma_start3A_16] : memref<10000x128xf32, #tpu.memory_space<hbm>> -> memref<632x128xf32, #tpu.memory_space<hbm>>
        tpu.enqueue_dma source(%dma_start3A_17 : memref<632x128xf32, #tpu.memory_space<hbm>>) target(%dma_start3A_15 : memref<632x128xf32, #tpu.memory_space<vmem_shared>>) target_semaphore(%run_scoped3A : memref<!tpu.dma_semaphore, #tpu.memory_space<semaphore_mem>>)
        %dma_wait3A = arith.constant 0 : i32
        %dma_wait3A_18 = tpu.memref_slice %arg10[%mul3A_2, %dma_wait3A] : memref<10112x128xf32, #tpu.memory_space<vmem_shared>> -> memref<632x128xf32, #tpu.memory_space<vmem_shared>>
        %dma_wait3A_19 = arith.constant 0 : i32
        %dma_wait3A_20 = tpu.memref_slice %arg2[%mul3A_2, %dma_wait3A_19] : memref<10000x128xf32, #tpu.memory_space<hbm>> -> memref<632x128xf32, #tpu.memory_space<hbm>>
        tpu.wait_dma2 semaphore(%run_scoped3A : memref<!tpu.dma_semaphore, #tpu.memory_space<semaphore_mem>>) src(%dma_wait3A_20 : memref<632x128xf32, #tpu.memory_space<hbm>>) dst(%dma_wait3A_18 : memref<632x128xf32, #tpu.memory_space<vmem_shared>>)
        tpu.yield
      }) : () -> ()
    } else {
    }
    %eq3A = arith.constant 15 : i32
    %eq3A_5 = arith.cmpi eq, %arg1, %eq3A : i32
    %convert_element_type3A_6 = arith.extui %eq3A_5 : i1 to i32
    %cond3A_7 = arith.constant 0 : i32
    %cond3A_8 = arith.cmpi ne, %convert_element_type3A_6, %cond3A_7 : i32
    scf.if %cond3A_8 {
      "tpu.region"() ({
        %run_scoped3A = tpu.sem_alloc : memref<!tpu.dma_semaphore, #tpu.memory_space<semaphore_mem>>
        %dma_start3A = arith.constant 9480 : i32
        %dma_start3A_15 = arith.constant 0 : i32
        %dma_start3A_16 = tpu.memref_slice %arg10[%dma_start3A, %dma_start3A_15] : memref<10112x128xf32, #tpu.memory_space<vmem_shared>> -> memref<520x128xf32, #tpu.memory_space<vmem_shared>>
        %dma_start3A_17 = arith.constant 9480 : i32
        %dma_start3A_18 = arith.constant 0 : i32
        %dma_start3A_19 = tpu.memref_slice %arg2[%dma_start3A_17, %dma_start3A_18] : memref<10000x128xf32, #tpu.memory_space<hbm>> -> memref<520x128xf32, #tpu.memory_space<hbm>>
        tpu.enqueue_dma source(%dma_start3A_19 : memref<520x128xf32, #tpu.memory_space<hbm>>) target(%dma_start3A_16 : memref<520x128xf32, #tpu.memory_space<vmem_shared>>) target_semaphore(%run_scoped3A : memref<!tpu.dma_semaphore, #tpu.memory_space<semaphore_mem>>)
        %dma_wait3A = arith.constant 9480 : i32
        %dma_wait3A_20 = arith.constant 0 : i32
        %dma_wait3A_21 = tpu.memref_slice %arg10[%dma_wait3A, %dma_wait3A_20] : memref<10112x128xf32, #tpu.memory_space<vmem_shared>> -> memref<520x128xf32, #tpu.memory_space<vmem_shared>>
        %dma_wait3A_22 = arith.constant 9480 : i32
        %dma_wait3A_23 = arith.constant 0 : i32
        %dma_wait3A_24 = tpu.memref_slice %arg2[%dma_wait3A_22, %dma_wait3A_23] : memref<10000x128xf32, #tpu.memory_space<hbm>> -> memref<520x128xf32, #tpu.memory_space<hbm>>
        tpu.wait_dma2 semaphore(%run_scoped3A : memref<!tpu.dma_semaphore, #tpu.memory_space<semaphore_mem>>) src(%dma_wait3A_24 : memref<520x128xf32, #tpu.memory_space<hbm>>) dst(%dma_wait3A_21 : memref<520x128xf32, #tpu.memory_space<vmem_shared>>)
        tpu.yield
      }) : () -> ()
    } else {
    }
    %barrier3A = arith.constant 0 : index
    tpu.barrier barrier_id(%barrier3A)
    %scan3A = arith.constant 0 : i32
    %scan3A_9 = arith.constant 0 : i32
    %scan3A_10 = arith.constant 5 : i32
    %scan3A_11 = arith.addi %scan3A_9, %scan3A_10 : i32
    %scan3A_12 = arith.constant 1 : i32
    scf.for %scan3A_15 = %scan3A_9 to %scan3A_11 step %scan3A_12  : i32 {
      %mul3A_16 = arith.constant 10000 : i32
      %mul3A_17 = arith.muli %add3A, %mul3A_16 : i32
      %mul3A_18 = arith.constant 2000 : i32
      %mul3A_19 = arith.muli %scan3A_15, %mul3A_18 : i32
      %add3A_20 = arith.addi %mul3A_17, %mul3A_19 : i32
      "tpu.region"() ({
        %run_scoped3A = tpu.sem_alloc : memref<!tpu.dma_semaphore, #tpu.memory_space<semaphore_mem>>
        %dma_start3A_107 = tpu.memref_slice %arg3[%add3A_20] : memref<640000xi32, #tpu.memory_space<hbm>> -> memref<2000xi32, #tpu.memory_space<hbm>>
        %dma_start3A_108 = tpu.memref_slice %arg3[%add3A_20] : memref<640000xi32, #tpu.memory_space<hbm>> -> memref<2000xi32, #tpu.memory_space<hbm>>
        tpu.enqueue_dma source(%dma_start3A_108 : memref<2000xi32, #tpu.memory_space<hbm>>) target(%arg5 : memref<2000xi32, #tpu.memory_space<vmem>>) target_semaphore(%run_scoped3A : memref<!tpu.dma_semaphore, #tpu.memory_space<semaphore_mem>>)
        %dma_wait3A_109 = tpu.memref_slice %arg3[%add3A_20] : memref<640000xi32, #tpu.memory_space<hbm>> -> memref<2000xi32, #tpu.memory_space<hbm>>
        %dma_wait3A_110 = tpu.memref_slice %arg3[%add3A_20] : memref<640000xi32, #tpu.memory_space<hbm>> -> memref<2000xi32, #tpu.memory_space<hbm>>
        tpu.wait_dma2 semaphore(%run_scoped3A : memref<!tpu.dma_semaphore, #tpu.memory_space<semaphore_mem>>) src(%dma_wait3A_110 : memref<2000xi32, #tpu.memory_space<hbm>>) dst(%arg5 : memref<2000xi32, #tpu.memory_space<vmem>>)
        tpu.yield
      }) : () -> ()
      %add3A_21 = arith.constant 320000 : i32
      %add3A_22 = arith.addi %add3A_21, %add3A_20 : i32
      "tpu.region"() ({
        %run_scoped3A = tpu.sem_alloc : memref<!tpu.dma_semaphore, #tpu.memory_space<semaphore_mem>>
        %dma_start3A_107 = tpu.memref_slice %arg3[%add3A_22] : memref<640000xi32, #tpu.memory_space<hbm>> -> memref<2000xi32, #tpu.memory_space<hbm>>
        %dma_start3A_108 = tpu.memref_slice %arg3[%add3A_22] : memref<640000xi32, #tpu.memory_space<hbm>> -> memref<2000xi32, #tpu.memory_space<hbm>>
        tpu.enqueue_dma source(%dma_start3A_108 : memref<2000xi32, #tpu.memory_space<hbm>>) target(%arg6 : memref<2000xi32, #tpu.memory_space<vmem>>) target_semaphore(%run_scoped3A : memref<!tpu.dma_semaphore, #tpu.memory_space<semaphore_mem>>)
        %dma_wait3A_109 = tpu.memref_slice %arg3[%add3A_22] : memref<640000xi32, #tpu.memory_space<hbm>> -> memref<2000xi32, #tpu.memory_space<hbm>>
        %dma_wait3A_110 = tpu.memref_slice %arg3[%add3A_22] : memref<640000xi32, #tpu.memory_space<hbm>> -> memref<2000xi32, #tpu.memory_space<hbm>>
        tpu.wait_dma2 semaphore(%run_scoped3A : memref<!tpu.dma_semaphore, #tpu.memory_space<semaphore_mem>>) src(%dma_wait3A_110 : memref<2000xi32, #tpu.memory_space<hbm>>) dst(%arg6 : memref<2000xi32, #tpu.memory_space<vmem>>)
        tpu.yield
      }) : () -> ()
      %dma_start3A = arith.constant 0 : i32
      %dma_start3A_23 = tpu.memref_slice %arg5[%dma_start3A] : memref<2000xi32, #tpu.memory_space<vmem>> -> memref<80xi32, #tpu.memory_space<vmem>>
      %dma_start3A_24 = arith.constant 0 : i32
      %dma_start3A_25 = arith.constant 0 : i32
      %dma_start3A_26 = tpu.memref_slice %arg2[%dma_start3A_24, %dma_start3A_25] : memref<10000x128xf32, #tpu.memory_space<hbm>> -> memref<10000x128xf32, #tpu.memory_space<hbm>>
      tpu.enqueue_indirect_dma source(%dma_start3A_26 : memref<10000x128xf32, #tpu.memory_space<hbm>>) target(%arg7 : memref<80x128xf32, #tpu.memory_space<vmem>>) offsets(%dma_start3A_23 : memref<80xi32, #tpu.memory_space<vmem>>) semaphore(%arg11 : memref<!tpu.dma_semaphore, #tpu.memory_space<semaphore_mem>>)
      %dma_start3A_27 = arith.constant 80 : i32
      %dma_start3A_28 = tpu.memref_slice %arg5[%dma_start3A_27] : memref<2000xi32, #tpu.memory_space<vmem>> -> memref<80xi32, #tpu.memory_space<vmem>>
      %dma_start3A_29 = arith.constant 0 : i32
      %dma_start3A_30 = arith.constant 0 : i32
      %dma_start3A_31 = tpu.memref_slice %arg2[%dma_start3A_29, %dma_start3A_30] : memref<10000x128xf32, #tpu.memory_space<hbm>> -> memref<10000x128xf32, #tpu.memory_space<hbm>>
      tpu.enqueue_indirect_dma source(%dma_start3A_31 : memref<10000x128xf32, #tpu.memory_space<hbm>>) target(%arg8 : memref<80x128xf32, #tpu.memory_space<vmem>>) offsets(%dma_start3A_28 : memref<80xi32, #tpu.memory_space<vmem>>) semaphore(%arg12 : memref<!tpu.dma_semaphore, #tpu.memory_space<semaphore_mem>>)
      %dma_wait3A = arith.constant 0 : i32
      %dma_wait3A_32 = tpu.memref_slice %arg5[%dma_wait3A] : memref<2000xi32, #tpu.memory_space<vmem>> -> memref<80xi32, #tpu.memory_space<vmem>>
      %dma_wait3A_33 = arith.constant 0 : i32
      %dma_wait3A_34 = arith.constant 0 : i32
      %dma_wait3A_35 = tpu.memref_slice %arg2[%dma_wait3A_33, %dma_wait3A_34] : memref<10000x128xf32, #tpu.memory_space<hbm>> -> memref<10000x128xf32, #tpu.memory_space<hbm>>
      tpu.wait_indirect_dma semaphore(%arg11 : memref<!tpu.dma_semaphore, #tpu.memory_space<semaphore_mem>>) src(%dma_wait3A_35 : memref<10000x128xf32, #tpu.memory_space<hbm>>) dst(%arg7 : memref<80x128xf32, #tpu.memory_space<vmem>>)
      %dma_start3A_36 = arith.constant 0 : i32
      %dma_start3A_37 = tpu.memref_slice %arg6[%dma_start3A_36] : memref<2000xi32, #tpu.memory_space<vmem>> -> memref<80xi32, #tpu.memory_space<vmem>>
      %dma_start3A_38 = arith.constant 0 : i32
      %dma_start3A_39 = arith.constant 0 : i32
      %dma_start3A_40 = tpu.memref_slice %arg10[%dma_start3A_38, %dma_start3A_39] : memref<10112x128xf32, #tpu.memory_space<vmem_shared>> -> memref<10112x128xf32, #tpu.memory_space<vmem_shared>>
      tpu.enqueue_indirect_dma source(%arg7 : memref<80x128xf32, #tpu.memory_space<vmem>>) target(%dma_start3A_40 : memref<10112x128xf32, #tpu.memory_space<vmem_shared>>) offsets(%dma_start3A_37 : memref<80xi32, #tpu.memory_space<vmem>>) semaphore(%arg14 : memref<!tpu.dma_semaphore, #tpu.memory_space<semaphore_mem>>) {add = true}
      %dma_start3A_41 = arith.constant 160 : i32
      %dma_start3A_42 = tpu.memref_slice %arg5[%dma_start3A_41] : memref<2000xi32, #tpu.memory_space<vmem>> -> memref<80xi32, #tpu.memory_space<vmem>>
      %dma_start3A_43 = arith.constant 0 : i32
      %dma_start3A_44 = arith.constant 0 : i32
      %dma_start3A_45 = tpu.memref_slice %arg2[%dma_start3A_43, %dma_start3A_44] : memref<10000x128xf32, #tpu.memory_space<hbm>> -> memref<10000x128xf32, #tpu.memory_space<hbm>>
      tpu.enqueue_indirect_dma source(%dma_start3A_45 : memref<10000x128xf32, #tpu.memory_space<hbm>>) target(%arg9 : memref<80x128xf32, #tpu.memory_space<vmem>>) offsets(%dma_start3A_42 : memref<80xi32, #tpu.memory_space<vmem>>) semaphore(%arg13 : memref<!tpu.dma_semaphore, #tpu.memory_space<semaphore_mem>>)
      %scan3A_46 = arith.constant 0 : i32
      %scan3A_47 = arith.constant 0 : i32
      %scan3A_48 = arith.constant 7 : i32
      %scan3A_49 = arith.addi %scan3A_47, %scan3A_48 : i32
      %scan3A_50 = arith.constant 1 : i32
      scf.for %scan3A_107 = %scan3A_47 to %scan3A_49 step %scan3A_50  : i32 {
        %mul3A_108 = arith.constant 3 : i32
        %mul3A_109 = arith.muli %scan3A_107, %mul3A_108 : i32
        %add3A_110 = arith.constant 1 : i32
        %add3A_111 = arith.addi %mul3A_109, %add3A_110 : i32
        %add3A_112 = arith.constant 0 : i32
        %add3A_113 = arith.addi %add3A_111, %add3A_112 : i32
        %mul3A_114 = arith.constant 80 : i32
        %mul3A_115 = arith.muli %add3A_113, %mul3A_114 : i32
        %dma_wait3A_116 = tpu.memref_slice %arg5[%mul3A_115] : memref<2000xi32, #tpu.memory_space<vmem>> -> memref<80xi32, #tpu.memory_space<vmem>>
        %dma_wait3A_117 = arith.constant 0 : i32
        %dma_wait3A_118 = arith.constant 0 : i32
        %dma_wait3A_119 = tpu.memref_slice %arg2[%dma_wait3A_117, %dma_wait3A_118] : memref<10000x128xf32, #tpu.memory_space<hbm>> -> memref<10000x128xf32, #tpu.memory_space<hbm>>
        tpu.wait_indirect_dma semaphore(%arg12 : memref<!tpu.dma_semaphore, #tpu.memory_space<semaphore_mem>>) src(%dma_wait3A_119 : memref<10000x128xf32, #tpu.memory_space<hbm>>) dst(%arg8 : memref<80x128xf32, #tpu.memory_space<vmem>>)
        %mul3A_120 = arith.constant 80 : i32
        %mul3A_121 = arith.muli %add3A_113, %mul3A_120 : i32
        %dma_start3A_122 = tpu.memref_slice %arg6[%mul3A_121] : memref<2000xi32, #tpu.memory_space<vmem>> -> memref<80xi32, #tpu.memory_space<vmem>>
        %dma_start3A_123 = arith.constant 0 : i32
        %dma_start3A_124 = arith.constant 0 : i32
        %dma_start3A_125 = tpu.memref_slice %arg10[%dma_start3A_123, %dma_start3A_124] : memref<10112x128xf32, #tpu.memory_space<vmem_shared>> -> memref<10112x128xf32, #tpu.memory_space<vmem_shared>>
        tpu.enqueue_indirect_dma source(%arg8 : memref<80x128xf32, #tpu.memory_space<vmem>>) target(%dma_start3A_125 : memref<10112x128xf32, #tpu.memory_space<vmem_shared>>) offsets(%dma_start3A_122 : memref<80xi32, #tpu.memory_space<vmem>>) semaphore(%arg15 : memref<!tpu.dma_semaphore, #tpu.memory_space<semaphore_mem>>) {add = true}
        %sub3A = arith.constant 1 : i32
        %sub3A_126 = arith.subi %add3A_113, %sub3A : i32
        %mul3A_127 = arith.constant 80 : i32
        %mul3A_128 = arith.muli %sub3A_126, %mul3A_127 : i32
        %dma_wait3A_129 = tpu.memref_slice %arg6[%mul3A_128] : memref<2000xi32, #tpu.memory_space<vmem>> -> memref<80xi32, #tpu.memory_space<vmem>>
        %dma_wait3A_130 = arith.constant 0 : i32
        %dma_wait3A_131 = arith.constant 0 : i32
        %dma_wait3A_132 = tpu.memref_slice %arg10[%dma_wait3A_130, %dma_wait3A_131] : memref<10112x128xf32, #tpu.memory_space<vmem_shared>> -> memref<10112x128xf32, #tpu.memory_space<vmem_shared>>
        tpu.wait_indirect_dma semaphore(%arg14 : memref<!tpu.dma_semaphore, #tpu.memory_space<semaphore_mem>>) src(%arg7 : memref<80x128xf32, #tpu.memory_space<vmem>>) dst(%dma_wait3A_132 : memref<10112x128xf32, #tpu.memory_space<vmem_shared>>)
        %add3A_133 = arith.constant 2 : i32
        %add3A_134 = arith.addi %add3A_113, %add3A_133 : i32
        %mul3A_135 = arith.constant 80 : i32
        %mul3A_136 = arith.muli %add3A_134, %mul3A_135 : i32
        %dma_start3A_137 = tpu.memref_slice %arg5[%mul3A_136] : memref<2000xi32, #tpu.memory_space<vmem>> -> memref<80xi32, #tpu.memory_space<vmem>>
        %dma_start3A_138 = arith.constant 0 : i32
        %dma_start3A_139 = arith.constant 0 : i32
        %dma_start3A_140 = tpu.memref_slice %arg2[%dma_start3A_138, %dma_start3A_139] : memref<10000x128xf32, #tpu.memory_space<hbm>> -> memref<10000x128xf32, #tpu.memory_space<hbm>>
        tpu.enqueue_indirect_dma source(%dma_start3A_140 : memref<10000x128xf32, #tpu.memory_space<hbm>>) target(%arg7 : memref<80x128xf32, #tpu.memory_space<vmem>>) offsets(%dma_start3A_137 : memref<80xi32, #tpu.memory_space<vmem>>) semaphore(%arg11 : memref<!tpu.dma_semaphore, #tpu.memory_space<semaphore_mem>>)
        %mul3A_141 = arith.constant 3 : i32
        %mul3A_142 = arith.muli %scan3A_107, %mul3A_141 : i32
        %add3A_143 = arith.constant 1 : i32
        %add3A_144 = arith.addi %mul3A_142, %add3A_143 : i32
        %add3A_145 = arith.constant 1 : i32
        %add3A_146 = arith.addi %add3A_144, %add3A_145 : i32
        %mul3A_147 = arith.constant 80 : i32
        %mul3A_148 = arith.muli %add3A_146, %mul3A_147 : i32
        %dma_wait3A_149 = tpu.memref_slice %arg5[%mul3A_148] : memref<2000xi32, #tpu.memory_space<vmem>> -> memref<80xi32, #tpu.memory_space<vmem>>
        %dma_wait3A_150 = arith.constant 0 : i32
        %dma_wait3A_151 = arith.constant 0 : i32
        %dma_wait3A_152 = tpu.memref_slice %arg2[%dma_wait3A_150, %dma_wait3A_151] : memref<10000x128xf32, #tpu.memory_space<hbm>> -> memref<10000x128xf32, #tpu.memory_space<hbm>>
        tpu.wait_indirect_dma semaphore(%arg13 : memref<!tpu.dma_semaphore, #tpu.memory_space<semaphore_mem>>) src(%dma_wait3A_152 : memref<10000x128xf32, #tpu.memory_space<hbm>>) dst(%arg9 : memref<80x128xf32, #tpu.memory_space<vmem>>)
        %mul3A_153 = arith.constant 80 : i32
        %mul3A_154 = arith.muli %add3A_146, %mul3A_153 : i32
        %dma_start3A_155 = tpu.memref_slice %arg6[%mul3A_154] : memref<2000xi32, #tpu.memory_space<vmem>> -> memref<80xi32, #tpu.memory_space<vmem>>
        %dma_start3A_156 = arith.constant 0 : i32
        %dma_start3A_157 = arith.constant 0 : i32
        %dma_start3A_158 = tpu.memref_slice %arg10[%dma_start3A_156, %dma_start3A_157] : memref<10112x128xf32, #tpu.memory_space<vmem_shared>> -> memref<10112x128xf32, #tpu.memory_space<vmem_shared>>
        tpu.enqueue_indirect_dma source(%arg9 : memref<80x128xf32, #tpu.memory_space<vmem>>) target(%dma_start3A_158 : memref<10112x128xf32, #tpu.memory_space<vmem_shared>>) offsets(%dma_start3A_155 : memref<80xi32, #tpu.memory_space<vmem>>) semaphore(%arg16 : memref<!tpu.dma_semaphore, #tpu.memory_space<semaphore_mem>>) {add = true}
        %sub3A_159 = arith.constant 1 : i32
        %sub3A_160 = arith.subi %add3A_146, %sub3A_159 : i32
        %mul3A_161 = arith.constant 80 : i32
        %mul3A_162 = arith.muli %sub3A_160, %mul3A_161 : i32
        %dma_wait3A_163 = tpu.memref_slice %arg6[%mul3A_162] : memref<2000xi32, #tpu.memory_space<vmem>> -> memref<80xi32, #tpu.memory_space<vmem>>
        %dma_wait3A_164 = arith.constant 0 : i32
        %dma_wait3A_165 = arith.constant 0 : i32
        %dma_wait3A_166 = tpu.memref_slice %arg10[%dma_wait3A_164, %dma_wait3A_165] : memref<10112x128xf32, #tpu.memory_space<vmem_shared>> -> memref<10112x128xf32, #tpu.memory_space<vmem_shared>>
        tpu.wait_indirect_dma semaphore(%arg15 : memref<!tpu.dma_semaphore, #tpu.memory_space<semaphore_mem>>) src(%arg8 : memref<80x128xf32, #tpu.memory_space<vmem>>) dst(%dma_wait3A_166 : memref<10112x128xf32, #tpu.memory_space<vmem_shared>>)
        %add3A_167 = arith.constant 2 : i32
        %add3A_168 = arith.addi %add3A_146, %add3A_167 : i32
        %mul3A_169 = arith.constant 80 : i32
        %mul3A_170 = arith.muli %add3A_168, %mul3A_169 : i32
        %dma_start3A_171 = tpu.memref_slice %arg5[%mul3A_170] : memref<2000xi32, #tpu.memory_space<vmem>> -> memref<80xi32, #tpu.memory_space<vmem>>
        %dma_start3A_172 = arith.constant 0 : i32
        %dma_start3A_173 = arith.constant 0 : i32
        %dma_start3A_174 = tpu.memref_slice %arg2[%dma_start3A_172, %dma_start3A_173] : memref<10000x128xf32, #tpu.memory_space<hbm>> -> memref<10000x128xf32, #tpu.memory_space<hbm>>
        tpu.enqueue_indirect_dma source(%dma_start3A_174 : memref<10000x128xf32, #tpu.memory_space<hbm>>) target(%arg8 : memref<80x128xf32, #tpu.memory_space<vmem>>) offsets(%dma_start3A_171 : memref<80xi32, #tpu.memory_space<vmem>>) semaphore(%arg12 : memref<!tpu.dma_semaphore, #tpu.memory_space<semaphore_mem>>)
        %mul3A_175 = arith.constant 3 : i32
        %mul3A_176 = arith.muli %scan3A_107, %mul3A_175 : i32
        %add3A_177 = arith.constant 1 : i32
        %add3A_178 = arith.addi %mul3A_176, %add3A_177 : i32
        %add3A_179 = arith.constant 2 : i32
        %add3A_180 = arith.addi %add3A_178, %add3A_179 : i32
        %mul3A_181 = arith.constant 80 : i32
        %mul3A_182 = arith.muli %add3A_180, %mul3A_181 : i32
        %dma_wait3A_183 = tpu.memref_slice %arg5[%mul3A_182] : memref<2000xi32, #tpu.memory_space<vmem>> -> memref<80xi32, #tpu.memory_space<vmem>>
        %dma_wait3A_184 = arith.constant 0 : i32
        %dma_wait3A_185 = arith.constant 0 : i32
        %dma_wait3A_186 = tpu.memref_slice %arg2[%dma_wait3A_184, %dma_wait3A_185] : memref<10000x128xf32, #tpu.memory_space<hbm>> -> memref<10000x128xf32, #tpu.memory_space<hbm>>
        tpu.wait_indirect_dma semaphore(%arg11 : memref<!tpu.dma_semaphore, #tpu.memory_space<semaphore_mem>>) src(%dma_wait3A_186 : memref<10000x128xf32, #tpu.memory_space<hbm>>) dst(%arg7 : memref<80x128xf32, #tpu.memory_space<vmem>>)
        %mul3A_187 = arith.constant 80 : i32
        %mul3A_188 = arith.muli %add3A_180, %mul3A_187 : i32
        %dma_start3A_189 = tpu.memref_slice %arg6[%mul3A_188] : memref<2000xi32, #tpu.memory_space<vmem>> -> memref<80xi32, #tpu.memory_space<vmem>>
        %dma_start3A_190 = arith.constant 0 : i32
        %dma_start3A_191 = arith.constant 0 : i32
        %dma_start3A_192 = tpu.memref_slice %arg10[%dma_start3A_190, %dma_start3A_191] : memref<10112x128xf32, #tpu.memory_space<vmem_shared>> -> memref<10112x128xf32, #tpu.memory_space<vmem_shared>>
        tpu.enqueue_indirect_dma source(%arg7 : memref<80x128xf32, #tpu.memory_space<vmem>>) target(%dma_start3A_192 : memref<10112x128xf32, #tpu.memory_space<vmem_shared>>) offsets(%dma_start3A_189 : memref<80xi32, #tpu.memory_space<vmem>>) semaphore(%arg14 : memref<!tpu.dma_semaphore, #tpu.memory_space<semaphore_mem>>) {add = true}
        %sub3A_193 = arith.constant 1 : i32
        %sub3A_194 = arith.subi %add3A_180, %sub3A_193 : i32
        %mul3A_195 = arith.constant 80 : i32
        %mul3A_196 = arith.muli %sub3A_194, %mul3A_195 : i32
        %dma_wait3A_197 = tpu.memref_slice %arg6[%mul3A_196] : memref<2000xi32, #tpu.memory_space<vmem>> -> memref<80xi32, #tpu.memory_space<vmem>>
        %dma_wait3A_198 = arith.constant 0 : i32
        %dma_wait3A_199 = arith.constant 0 : i32
        %dma_wait3A_200 = tpu.memref_slice %arg10[%dma_wait3A_198, %dma_wait3A_199] : memref<10112x128xf32, #tpu.memory_space<vmem_shared>> -> memref<10112x128xf32, #tpu.memory_space<vmem_shared>>
        tpu.wait_indirect_dma semaphore(%arg16 : memref<!tpu.dma_semaphore, #tpu.memory_space<semaphore_mem>>) src(%arg9 : memref<80x128xf32, #tpu.memory_space<vmem>>) dst(%dma_wait3A_200 : memref<10112x128xf32, #tpu.memory_space<vmem_shared>>)
        %add3A_201 = arith.constant 2 : i32
        %add3A_202 = arith.addi %add3A_180, %add3A_201 : i32
        %mul3A_203 = arith.constant 80 : i32
        %mul3A_204 = arith.muli %add3A_202, %mul3A_203 : i32
        %dma_start3A_205 = tpu.memref_slice %arg5[%mul3A_204] : memref<2000xi32, #tpu.memory_space<vmem>> -> memref<80xi32, #tpu.memory_space<vmem>>
        %dma_start3A_206 = arith.constant 0 : i32
        %dma_start3A_207 = arith.constant 0 : i32
        %dma_start3A_208 = tpu.memref_slice %arg2[%dma_start3A_206, %dma_start3A_207] : memref<10000x128xf32, #tpu.memory_space<hbm>> -> memref<10000x128xf32, #tpu.memory_space<hbm>>
        tpu.enqueue_indirect_dma source(%dma_start3A_208 : memref<10000x128xf32, #tpu.memory_space<hbm>>) target(%arg9 : memref<80x128xf32, #tpu.memory_space<vmem>>) offsets(%dma_start3A_205 : memref<80xi32, #tpu.memory_space<vmem>>) semaphore(%arg13 : memref<!tpu.dma_semaphore, #tpu.memory_space<semaphore_mem>>)
      }
      %scan3A_51 = arith.constant 7 : i32
      %dma_wait3A_52 = arith.constant 1760 : i32
      %dma_wait3A_53 = tpu.memref_slice %arg5[%dma_wait3A_52] : memref<2000xi32, #tpu.memory_space<vmem>> -> memref<80xi32, #tpu.memory_space<vmem>>
      %dma_wait3A_54 = arith.constant 0 : i32
      %dma_wait3A_55 = arith.constant 0 : i32
      %dma_wait3A_56 = tpu.memref_slice %arg2[%dma_wait3A_54, %dma_wait3A_55] : memref<10000x128xf32, #tpu.memory_space<hbm>> -> memref<10000x128xf32, #tpu.memory_space<hbm>>
      tpu.wait_indirect_dma semaphore(%arg12 : memref<!tpu.dma_semaphore, #tpu.memory_space<semaphore_mem>>) src(%dma_wait3A_56 : memref<10000x128xf32, #tpu.memory_space<hbm>>) dst(%arg8 : memref<80x128xf32, #tpu.memory_space<vmem>>)
      %dma_start3A_57 = arith.constant 1760 : i32
      %dma_start3A_58 = tpu.memref_slice %arg6[%dma_start3A_57] : memref<2000xi32, #tpu.memory_space<vmem>> -> memref<80xi32, #tpu.memory_space<vmem>>
      %dma_start3A_59 = arith.constant 0 : i32
      %dma_start3A_60 = arith.constant 0 : i32
      %dma_start3A_61 = tpu.memref_slice %arg10[%dma_start3A_59, %dma_start3A_60] : memref<10112x128xf32, #tpu.memory_space<vmem_shared>> -> memref<10112x128xf32, #tpu.memory_space<vmem_shared>>
      tpu.enqueue_indirect_dma source(%arg8 : memref<80x128xf32, #tpu.memory_space<vmem>>) target(%dma_start3A_61 : memref<10112x128xf32, #tpu.memory_space<vmem_shared>>) offsets(%dma_start3A_58 : memref<80xi32, #tpu.memory_space<vmem>>) semaphore(%arg15 : memref<!tpu.dma_semaphore, #tpu.memory_space<semaphore_mem>>) {add = true}
      %dma_wait3A_62 = arith.constant 1680 : i32
      %dma_wait3A_63 = tpu.memref_slice %arg6[%dma_wait3A_62] : memref<2000xi32, #tpu.memory_space<vmem>> -> memref<80xi32, #tpu.memory_space<vmem>>
      %dma_wait3A_64 = arith.constant 0 : i32
      %dma_wait3A_65 = arith.constant 0 : i32
      %dma_wait3A_66 = tpu.memref_slice %arg10[%dma_wait3A_64, %dma_wait3A_65] : memref<10112x128xf32, #tpu.memory_space<vmem_shared>> -> memref<10112x128xf32, #tpu.memory_space<vmem_shared>>
      tpu.wait_indirect_dma semaphore(%arg14 : memref<!tpu.dma_semaphore, #tpu.memory_space<semaphore_mem>>) src(%arg7 : memref<80x128xf32, #tpu.memory_space<vmem>>) dst(%dma_wait3A_66 : memref<10112x128xf32, #tpu.memory_space<vmem_shared>>)
      %dma_start3A_67 = arith.constant 1920 : i32
      %dma_start3A_68 = tpu.memref_slice %arg5[%dma_start3A_67] : memref<2000xi32, #tpu.memory_space<vmem>> -> memref<80xi32, #tpu.memory_space<vmem>>
      %dma_start3A_69 = arith.constant 0 : i32
      %dma_start3A_70 = arith.constant 0 : i32
      %dma_start3A_71 = tpu.memref_slice %arg2[%dma_start3A_69, %dma_start3A_70] : memref<10000x128xf32, #tpu.memory_space<hbm>> -> memref<10000x128xf32, #tpu.memory_space<hbm>>
      tpu.enqueue_indirect_dma source(%dma_start3A_71 : memref<10000x128xf32, #tpu.memory_space<hbm>>) target(%arg7 : memref<80x128xf32, #tpu.memory_space<vmem>>) offsets(%dma_start3A_68 : memref<80xi32, #tpu.memory_space<vmem>>) semaphore(%arg11 : memref<!tpu.dma_semaphore, #tpu.memory_space<semaphore_mem>>)
      %dma_wait3A_72 = arith.constant 1840 : i32
      %dma_wait3A_73 = tpu.memref_slice %arg5[%dma_wait3A_72] : memref<2000xi32, #tpu.memory_space<vmem>> -> memref<80xi32, #tpu.memory_space<vmem>>
      %dma_wait3A_74 = arith.constant 0 : i32
      %dma_wait3A_75 = arith.constant 0 : i32
      %dma_wait3A_76 = tpu.memref_slice %arg2[%dma_wait3A_74, %dma_wait3A_75] : memref<10000x128xf32, #tpu.memory_space<hbm>> -> memref<10000x128xf32, #tpu.memory_space<hbm>>
      tpu.wait_indirect_dma semaphore(%arg13 : memref<!tpu.dma_semaphore, #tpu.memory_space<semaphore_mem>>) src(%dma_wait3A_76 : memref<10000x128xf32, #tpu.memory_space<hbm>>) dst(%arg9 : memref<80x128xf32, #tpu.memory_space<vmem>>)
      %dma_start3A_77 = arith.constant 1840 : i32
      %dma_start3A_78 = tpu.memref_slice %arg6[%dma_start3A_77] : memref<2000xi32, #tpu.memory_space<vmem>> -> memref<80xi32, #tpu.memory_space<vmem>>
      %dma_start3A_79 = arith.constant 0 : i32
      %dma_start3A_80 = arith.constant 0 : i32
      %dma_start3A_81 = tpu.memref_slice %arg10[%dma_start3A_79, %dma_start3A_80] : memref<10112x128xf32, #tpu.memory_space<vmem_shared>> -> memref<10112x128xf32, #tpu.memory_space<vmem_shared>>
      tpu.enqueue_indirect_dma source(%arg9 : memref<80x128xf32, #tpu.memory_space<vmem>>) target(%dma_start3A_81 : memref<10112x128xf32, #tpu.memory_space<vmem_shared>>) offsets(%dma_start3A_78 : memref<80xi32, #tpu.memory_space<vmem>>) semaphore(%arg16 : memref<!tpu.dma_semaphore, #tpu.memory_space<semaphore_mem>>) {add = true}
      %dma_wait3A_82 = arith.constant 1760 : i32
      %dma_wait3A_83 = tpu.memref_slice %arg6[%dma_wait3A_82] : memref<2000xi32, #tpu.memory_space<vmem>> -> memref<80xi32, #tpu.memory_space<vmem>>
      %dma_wait3A_84 = arith.constant 0 : i32
      %dma_wait3A_85 = arith.constant 0 : i32
      %dma_wait3A_86 = tpu.memref_slice %arg10[%dma_wait3A_84, %dma_wait3A_85] : memref<10112x128xf32, #tpu.memory_space<vmem_shared>> -> memref<10112x128xf32, #tpu.memory_space<vmem_shared>>
      tpu.wait_indirect_dma semaphore(%arg15 : memref<!tpu.dma_semaphore, #tpu.memory_space<semaphore_mem>>) src(%arg8 : memref<80x128xf32, #tpu.memory_space<vmem>>) dst(%dma_wait3A_86 : memref<10112x128xf32, #tpu.memory_space<vmem_shared>>)
      %dma_wait3A_87 = arith.constant 1920 : i32
      %dma_wait3A_88 = tpu.memref_slice %arg5[%dma_wait3A_87] : memref<2000xi32, #tpu.memory_space<vmem>> -> memref<80xi32, #tpu.memory_space<vmem>>
      %dma_wait3A_89 = arith.constant 0 : i32
      %dma_wait3A_90 = arith.constant 0 : i32
      %dma_wait3A_91 = tpu.memref_slice %arg2[%dma_wait3A_89, %dma_wait3A_90] : memref<10000x128xf32, #tpu.memory_space<hbm>> -> memref<10000x128xf32, #tpu.memory_space<hbm>>
      tpu.wait_indirect_dma semaphore(%arg11 : memref<!tpu.dma_semaphore, #tpu.memory_space<semaphore_mem>>) src(%dma_wait3A_91 : memref<10000x128xf32, #tpu.memory_space<hbm>>) dst(%arg7 : memref<80x128xf32, #tpu.memory_space<vmem>>)
      %dma_start3A_92 = arith.constant 1920 : i32
      %dma_start3A_93 = tpu.memref_slice %arg6[%dma_start3A_92] : memref<2000xi32, #tpu.memory_space<vmem>> -> memref<80xi32, #tpu.memory_space<vmem>>
      %dma_start3A_94 = arith.constant 0 : i32
      %dma_start3A_95 = arith.constant 0 : i32
      %dma_start3A_96 = tpu.memref_slice %arg10[%dma_start3A_94, %dma_start3A_95] : memref<10112x128xf32, #tpu.memory_space<vmem_shared>> -> memref<10112x128xf32, #tpu.memory_space<vmem_shared>>
      tpu.enqueue_indirect_dma source(%arg7 : memref<80x128xf32, #tpu.memory_space<vmem>>) target(%dma_start3A_96 : memref<10112x128xf32, #tpu.memory_space<vmem_shared>>) offsets(%dma_start3A_93 : memref<80xi32, #tpu.memory_space<vmem>>) semaphore(%arg14 : memref<!tpu.dma_semaphore, #tpu.memory_space<semaphore_mem>>) {add = true}
      %dma_wait3A_97 = arith.constant 1840 : i32
      %dma_wait3A_98 = tpu.memref_slice %arg6[%dma_wait3A_97] : memref<2000xi32, #tpu.memory_space<vmem>> -> memref<80xi32, #tpu.memory_space<vmem>>
      %dma_wait3A_99 = arith.constant 0 : i32
      %dma_wait3A_100 = arith.constant 0 : i32
      %dma_wait3A_101 = tpu.memref_slice %arg10[%dma_wait3A_99, %dma_wait3A_100] : memref<10112x128xf32, #tpu.memory_space<vmem_shared>> -> memref<10112x128xf32, #tpu.memory_space<vmem_shared>>
      tpu.wait_indirect_dma semaphore(%arg16 : memref<!tpu.dma_semaphore, #tpu.memory_space<semaphore_mem>>) src(%arg9 : memref<80x128xf32, #tpu.memory_space<vmem>>) dst(%dma_wait3A_101 : memref<10112x128xf32, #tpu.memory_space<vmem_shared>>)
      %dma_wait3A_102 = arith.constant 1920 : i32
      %dma_wait3A_103 = tpu.memref_slice %arg6[%dma_wait3A_102] : memref<2000xi32, #tpu.memory_space<vmem>> -> memref<80xi32, #tpu.memory_space<vmem>>
      %dma_wait3A_104 = arith.constant 0 : i32
      %dma_wait3A_105 = arith.constant 0 : i32
      %dma_wait3A_106 = tpu.memref_slice %arg10[%dma_wait3A_104, %dma_wait3A_105] : memref<10112x128xf32, #tpu.memory_space<vmem_shared>> -> memref<10112x128xf32, #tpu.memory_space<vmem_shared>>
      tpu.wait_indirect_dma semaphore(%arg14 : memref<!tpu.dma_semaphore, #tpu.memory_space<semaphore_mem>>) src(%arg7 : memref<80x128xf32, #tpu.memory_space<vmem>>) dst(%dma_wait3A_106 : memref<10112x128xf32, #tpu.memory_space<vmem_shared>>)
    }
    %scan3A_13 = arith.constant 5 : i32
    %barrier3A_14 = arith.constant 0 : index
    tpu.barrier barrier_id(%barrier3A_14)
    "tpu.region"() ({
      %run_scoped3A = tpu.sem_alloc : memref<!tpu.dma_semaphore, #tpu.memory_space<semaphore_mem>>
      %dma_start3A = arith.constant 0 : i32
      %dma_start3A_15 = arith.constant 0 : i32
      %dma_start3A_16 = tpu.memref_slice %arg4[%arg0, %dma_start3A, %dma_start3A_15] : memref<2x10112x128xf32, #tpu.memory_space<hbm>> -> memref<1x10112x128xf32, #tpu.memory_space<hbm>>
      %dma_start3A_17 = tpu.memref_squeeze %dma_start3A_16 : memref<1x10112x128xf32, #tpu.memory_space<hbm>> -> memref<10112x128xf32, #tpu.memory_space<hbm>>
      %dma_start3A_18 = arith.constant 0 : i32
      %dma_start3A_19 = tpu.memref_slice %dma_start3A_17[%mul3A_2, %dma_start3A_18] : memref<10112x128xf32, #tpu.memory_space<hbm>> -> memref<632x128xf32, #tpu.memory_space<hbm>>
      %dma_start3A_20 = arith.constant 0 : i32
      %dma_start3A_21 = tpu.memref_slice %arg10[%mul3A_2, %dma_start3A_20] : memref<10112x128xf32, #tpu.memory_space<vmem_shared>> -> memref<632x128xf32, #tpu.memory_space<vmem_shared>>
      tpu.enqueue_dma source(%dma_start3A_21 : memref<632x128xf32, #tpu.memory_space<vmem_shared>>) target(%dma_start3A_19 : memref<632x128xf32, #tpu.memory_space<hbm>>) target_semaphore(%run_scoped3A : memref<!tpu.dma_semaphore, #tpu.memory_space<semaphore_mem>>)
      %dma_wait3A = arith.constant 0 : i32
      %dma_wait3A_22 = arith.constant 0 : i32
      %dma_wait3A_23 = tpu.memref_slice %arg4[%arg0, %dma_wait3A, %dma_wait3A_22] : memref<2x10112x128xf32, #tpu.memory_space<hbm>> -> memref<1x10112x128xf32, #tpu.memory_space<hbm>>
      %dma_wait3A_24 = tpu.memref_squeeze %dma_wait3A_23 : memref<1x10112x128xf32, #tpu.memory_space<hbm>> -> memref<10112x128xf32, #tpu.memory_space<hbm>>
      %dma_wait3A_25 = arith.constant 0 : i32
      %dma_wait3A_26 = tpu.memref_slice %dma_wait3A_24[%mul3A_2, %dma_wait3A_25] : memref<10112x128xf32, #tpu.memory_space<hbm>> -> memref<632x128xf32, #tpu.memory_space<hbm>>
      %dma_wait3A_27 = arith.constant 0 : i32
      %dma_wait3A_28 = tpu.memref_slice %arg10[%mul3A_2, %dma_wait3A_27] : memref<10112x128xf32, #tpu.memory_space<vmem_shared>> -> memref<632x128xf32, #tpu.memory_space<vmem_shared>>
      tpu.wait_dma2 semaphore(%run_scoped3A : memref<!tpu.dma_semaphore, #tpu.memory_space<semaphore_mem>>) src(%dma_wait3A_28 : memref<632x128xf32, #tpu.memory_space<vmem_shared>>) dst(%dma_wait3A_26 : memref<632x128xf32, #tpu.memory_space<hbm>>)
      tpu.yield
    }) : () -> ()
    return
  }
}

#map = affine_map<(d0, d1) -> (0)>
module attributes {stable_mosaic.version = 14 : i64} {
  func.func @_sc_degree(%arg0: i32, %arg1: i32, %arg2: memref<640000xi32, #tpu.memory_space<hbm>>, %arg3: memref<323584xf32, #tpu.memory_space<hbm>>, %arg4: memref<10000xi32, #tpu.memory_space<vmem>>, %arg5: memref<10000xf32, #tpu.memory_space<vmem>>) attributes {dimension_semantics = [#tpu.dimension_semantics<core_parallel>, #tpu.dimension_semantics<subcore_parallel>], iteration_bounds = array<i64: 2, 16>, scalar_prefetch = 0 : i64, scratch_operands = 2 : i64, tpu.core_type = #tpu.core_type<sc_vector_subcore>, window_params = [{transform_indices = #map}, {transform_indices = #map}]} {
    %mul3A = arith.constant 2 : i32
    %mul3A_0 = arith.muli %arg1, %mul3A : i32
    %add3A = arith.addi %mul3A_0, %arg0 : i32
    %mul3A_1 = arith.constant 10000 : i32
    %mul3A_2 = arith.muli %add3A, %mul3A_1 : i32
    %add3A_3 = arith.constant 320000 : i32
    %add3A_4 = arith.addi %add3A_3, %mul3A_2 : i32
    "tpu.region"() ({
      %run_scoped3A = tpu.sem_alloc : memref<!tpu.dma_semaphore, #tpu.memory_space<semaphore_mem>>
      %dma_start3A = tpu.memref_slice %arg2[%add3A_4] : memref<640000xi32, #tpu.memory_space<hbm>> -> memref<10000xi32, #tpu.memory_space<hbm>>
      %dma_start3A_19 = tpu.memref_slice %arg2[%add3A_4] : memref<640000xi32, #tpu.memory_space<hbm>> -> memref<10000xi32, #tpu.memory_space<hbm>>
      tpu.enqueue_dma source(%dma_start3A_19 : memref<10000xi32, #tpu.memory_space<hbm>>) target(%arg4 : memref<10000xi32, #tpu.memory_space<vmem>>) target_semaphore(%run_scoped3A : memref<!tpu.dma_semaphore, #tpu.memory_space<semaphore_mem>>)
      %dma_wait3A = tpu.memref_slice %arg2[%add3A_4] : memref<640000xi32, #tpu.memory_space<hbm>> -> memref<10000xi32, #tpu.memory_space<hbm>>
      %dma_wait3A_20 = tpu.memref_slice %arg2[%add3A_4] : memref<640000xi32, #tpu.memory_space<hbm>> -> memref<10000xi32, #tpu.memory_space<hbm>>
      tpu.wait_dma2 semaphore(%run_scoped3A : memref<!tpu.dma_semaphore, #tpu.memory_space<semaphore_mem>>) src(%dma_wait3A_20 : memref<10000xi32, #tpu.memory_space<hbm>>) dst(%arg4 : memref<10000xi32, #tpu.memory_space<vmem>>)
      tpu.yield
    }) : () -> ()
    %scan3A = arith.constant 0 : i32
    %scan3A_5 = arith.constant 0 : i32
    %scan3A_6 = arith.constant 625 : i32
    %scan3A_7 = arith.addi %scan3A_5, %scan3A_6 : i32
    %scan3A_8 = arith.constant 1 : i32
    scf.for %scan3A_19 = %scan3A_5 to %scan3A_7 step %scan3A_8  : i32 {
      %broadcast_in_dim3A_20 = arith.constant 0.000000e+00 : f32
      %broadcast_in_dim3A_21 = vector.broadcast %broadcast_in_dim3A_20 : f32 to vector<16xf32>
      %mul3A_22 = arith.constant 16 : i32
      %mul3A_23 = arith.muli %scan3A_19, %mul3A_22 : i32
      %swap3A = arith.index_cast %mul3A_23 : i32 to index
      %swap3A_24 = tpu.vector_load %arg5[%swap3A] {strides = array<i32>} : memref<10000xf32, #tpu.memory_space<vmem>>, vector<16xf32>,
      tpu.vector_store %arg5[%swap3A], %broadcast_in_dim3A_21 {strides = array<i32>} : memref<10000xf32, #tpu.memory_space<vmem>>, vector<16xf32>,
    }
    %scan3A_9 = arith.constant 625 : i32
    %broadcast_in_dim3A = arith.constant 1.000000e+00 : f32
    %broadcast_in_dim3A_10 = vector.broadcast %broadcast_in_dim3A : f32 to vector<16xf32>
    %scan3A_11 = arith.constant 0 : i32
    %scan3A_12 = arith.constant 0 : i32
    %scan3A_13 = arith.constant 625 : i32
    %scan3A_14 = arith.addi %scan3A_12, %scan3A_13 : i32
    %scan3A_15 = arith.constant 1 : i32
    scf.for %scan3A_19 = %scan3A_12 to %scan3A_14 step %scan3A_15  : i32 {
      %mul3A_20 = arith.constant 16 : i32
      %mul3A_21 = arith.muli %scan3A_19, %mul3A_20 : i32
      %get3A = arith.index_cast %mul3A_21 : i32 to index
      %get3A_22 = tpu.vector_load %arg4[%get3A] {strides = array<i32>} : memref<10000xi32, #tpu.memory_space<vmem>>, vector<16xi32>,
      tpu.vector_store_idx %arg5[%get3A_22], %broadcast_in_dim3A_10 {add = true} : memref<10000xf32, #tpu.memory_space<vmem>>[vector<16xi32>], vector<16xf32>,
    }
    %scan3A_16 = arith.constant 625 : i32
    %mul3A_17 = arith.constant 10112 : i32
    %mul3A_18 = arith.muli %add3A, %mul3A_17 : i32
    "tpu.region"() ({
      %run_scoped3A = tpu.sem_alloc : memref<!tpu.dma_semaphore, #tpu.memory_space<semaphore_mem>>
      %dma_start3A = tpu.memref_slice %arg3[%mul3A_18] : memref<323584xf32, #tpu.memory_space<hbm>> -> memref<10000xf32, #tpu.memory_space<hbm>>
      %dma_start3A_19 = tpu.memref_slice %arg3[%mul3A_18] : memref<323584xf32, #tpu.memory_space<hbm>> -> memref<10000xf32, #tpu.memory_space<hbm>>
      tpu.enqueue_dma source(%arg5 : memref<10000xf32, #tpu.memory_space<vmem>>) target(%dma_start3A_19 : memref<10000xf32, #tpu.memory_space<hbm>>) target_semaphore(%run_scoped3A : memref<!tpu.dma_semaphore, #tpu.memory_space<semaphore_mem>>)
      %dma_wait3A = tpu.memref_slice %arg3[%mul3A_18] : memref<323584xf32, #tpu.memory_space<hbm>> -> memref<10000xf32, #tpu.memory_space<hbm>>
      %dma_wait3A_20 = tpu.memref_slice %arg3[%mul3A_18] : memref<323584xf32, #tpu.memory_space<hbm>> -> memref<10000xf32, #tpu.memory_space<hbm>>
      tpu.wait_dma2 semaphore(%run_scoped3A : memref<!tpu.dma_semaphore, #tpu.memory_space<semaphore_mem>>) src(%arg5 : memref<10000xf32, #tpu.memory_space<vmem>>) dst(%dma_wait3A_20 : memref<10000xf32, #tpu.memory_space<hbm>>)
      tpu.yield
    }) : () -> ()
    return
  }
}

module attributes {stable_mosaic.version = 14 : i64} {
  func.func @_tc_pre_body(%arg0: memref<32x10112xf32, #tpu.memory_space<vmem>>, %arg1: memref<10000x4xf32, #tpu.memory_space<vmem>>, %arg2: memref<4x128xf32, #tpu.memory_space<vmem>>, %arg3: memref<128xf32, #tpu.memory_space<vmem>>, %arg4: memref<128x128xf32, #tpu.memory_space<vmem>>, %arg5: memref<10000x1xf32, #tpu.memory_space<vmem>>, %arg6: memref<10000x128xf32, #tpu.memory_space<vmem>>) attributes {dimension_semantics = [], scalar_prefetch = 0 : i64, scratch_operands = 0 : i64, tpu.core_type = #tpu.core_type<tc>} {
    %get3A = arith.constant 0 : index
    %get3A_0 = arith.constant 0 : index
    %get3A_1 = vector.load %arg0[%get3A, %get3A_0] : memref<32x10112xf32, #tpu.memory_space<vmem>>, vector<32x10112xf32>
    %reduce_sum3A = arith.constant dense<0.000000e+00> : vector<10112xf32>
    %reduce_sum3A_2 = vector.multi_reduction <add>, %get3A_1, %reduce_sum3A [0] : vector<32x10112xf32> to vector<10112xf32>
    %slice3A = vector.extract_strided_slice %reduce_sum3A_2 {offsets = [0], sizes = [10000], strides = [1]} : vector<10112xf32> to vector<10000xf32>
    %add3A = arith.constant 1.000000e+00 : f32
    %add3A_3 = vector.broadcast %add3A : f32 to vector<10000xf32>
    %add3A_4 = arith.addf %slice3A, %add3A_3 : vector<10000xf32>
    %rsqrt3A = math.rsqrt %add3A_4 : vector<10000xf32>
    %broadcast_in_dim3A = vector.shape_cast %rsqrt3A : vector<10000xf32> to vector<10000x1xf32>
    %swap3A = arith.constant 0 : index
    %swap3A_5 = arith.constant 0 : index
    %swap3A_6 = vector.load %arg5[%swap3A, %swap3A_5] : memref<10000x1xf32, #tpu.memory_space<vmem>>, vector<10000x1xf32>
    tpu.vector_store %arg5[%swap3A, %swap3A_5], %broadcast_in_dim3A {strides = array<i32>} : memref<10000x1xf32, #tpu.memory_space<vmem>>, vector<10000x1xf32>,
    %get3A_7 = arith.constant 0 : index
    %get3A_8 = arith.constant 0 : index
    %get3A_9 = vector.load %arg1[%get3A_7, %get3A_8] : memref<10000x4xf32, #tpu.memory_space<vmem>>, vector<10000x4xf32>
    %get3A_10 = arith.constant 0 : index
    %get3A_11 = arith.constant 0 : index
    %get3A_12 = vector.load %arg2[%get3A_10, %get3A_11] : memref<4x128xf32, #tpu.memory_space<vmem>>, vector<4x128xf32>
    %dot_general3A = arith.constant dense<0.000000e+00> : vector<10000x128xf32>
    %dot_general3A_13 = tpu.matmul %get3A_9, %get3A_12, %dot_general3A {dimension_numbers = #tpu.dot_dimension_numbers<[1], [0], [0], [1], [0, 0, 1, 1], [], []>, transpose_lhs_hint = false} : vector<10000x4xf32>, vector<4x128xf32>, vector<10000x128xf32> -> vector<10000x128xf32>
    %get3A_14 = arith.constant 0 : index
    %get3A_15 = vector.load %arg3[%get3A_14] : memref<128xf32, #tpu.memory_space<vmem>>, vector<128xf32>
    %broadcast_in_dim3A_16 = vector.shape_cast %get3A_15 : vector<128xf32> to vector<1x128xf32>
    %add3A_17 = vector.broadcast %broadcast_in_dim3A_16 : vector<1x128xf32> to vector<10000x128xf32>
    %add3A_18 = arith.addf %dot_general3A_13, %add3A_17 : vector<10000x128xf32>
    %max3A = arith.constant 0.000000e+00 : f32
    %max3A_19 = vector.broadcast %max3A : f32 to vector<10000x128xf32>
    %max3A_20 = arith.maximumf %add3A_18, %max3A_19 : vector<10000x128xf32>
    %get3A_21 = arith.constant 0 : index
    %get3A_22 = arith.constant 0 : index
    %get3A_23 = vector.load %arg4[%get3A_21, %get3A_22] : memref<128x128xf32, #tpu.memory_space<vmem>>, vector<128x128xf32>
    %dot_general3A_24 = arith.constant dense<0.000000e+00> : vector<10000x128xf32>
    %dot_general3A_25 = tpu.matmul %max3A_20, %get3A_23, %dot_general3A_24 {dimension_numbers = #tpu.dot_dimension_numbers<[1], [0], [0], [1], [0, 0, 1, 1], [], []>, transpose_lhs_hint = false} : vector<10000x128xf32>, vector<128x128xf32>, vector<10000x128xf32> -> vector<10000x128xf32>
    %broadcast_in_dim3A_26 = vector.shape_cast %rsqrt3A : vector<10000xf32> to vector<10000x1xf32>
    %mul3A = vector.broadcast %broadcast_in_dim3A_26 : vector<10000x1xf32> to vector<10000x128xf32>
    %mul3A_27 = arith.mulf %dot_general3A_25, %mul3A : vector<10000x128xf32>
    %swap3A_28 = arith.constant 0 : index
    %swap3A_29 = arith.constant 0 : index
    %swap3A_30 = vector.load %arg6[%swap3A_28, %swap3A_29] : memref<10000x128xf32, #tpu.memory_space<vmem>>, vector<10000x128xf32>
    tpu.vector_store %arg6[%swap3A_28, %swap3A_29], %mul3A_27 {strides = array<i32>} : memref<10000x128xf32, #tpu.memory_space<vmem>>, vector<10000x128xf32>,
    return
  }
}

module attributes {stable_mosaic.version = 14 : i64} {
  func.func @_tc_mid_body(%arg0: memref<2x10112x128xf32, #tpu.memory_space<vmem>>, %arg1: memref<10000x128xf32, #tpu.memory_space<vmem>>, %arg2: memref<10000x1xf32, #tpu.memory_space<vmem>>, %arg3: memref<128xf32, #tpu.memory_space<vmem>>, %arg4: memref<128x128xf32, #tpu.memory_space<vmem>>, %arg5: memref<10000x128xf32, #tpu.memory_space<vmem>>) attributes {dimension_semantics = [], scalar_prefetch = 0 : i64, scratch_operands = 0 : i64, tpu.core_type = #tpu.core_type<tc>} {
    %get3A = arith.constant 0 : index
    %get3A_0 = arith.constant 0 : index
    %get3A_1 = vector.load %arg2[%get3A, %get3A_0] : memref<10000x1xf32, #tpu.memory_space<vmem>>, vector<10000x1xf32>
    %get3A_2 = arith.constant 0 : index
    %get3A_3 = arith.constant 0 : index
    %get3A_4 = arith.constant 0 : index
    %get3A_5 = vector.load %arg0[%get3A_2, %get3A_3, %get3A_4] : memref<2x10112x128xf32, #tpu.memory_space<vmem>>, vector<1x10112x128xf32>
    %get3A_6 = vector.shape_cast %get3A_5 : vector<1x10112x128xf32> to vector<10112x128xf32>
    %get3A_7 = arith.constant 1 : index
    %get3A_8 = arith.constant 0 : index
    %get3A_9 = arith.constant 0 : index
    %get3A_10 = vector.load %arg0[%get3A_7, %get3A_8, %get3A_9] : memref<2x10112x128xf32, #tpu.memory_space<vmem>>, vector<1x10112x128xf32>
    %get3A_11 = vector.shape_cast %get3A_10 : vector<1x10112x128xf32> to vector<10112x128xf32>
    %add3A = arith.addf %get3A_6, %get3A_11 : vector<10112x128xf32>
    %slice3A = vector.extract_strided_slice %add3A {offsets = [0, 0], sizes = [10000, 128], strides = [1, 1]} : vector<10112x128xf32> to vector<10000x128xf32>
    %get3A_12 = arith.constant 0 : index
    %get3A_13 = arith.constant 0 : index
    %get3A_14 = vector.load %arg1[%get3A_12, %get3A_13] : memref<10000x128xf32, #tpu.memory_space<vmem>>, vector<10000x128xf32>
    %sub3A = arith.subf %slice3A, %get3A_14 : vector<10000x128xf32>
    %mul3A = vector.broadcast %get3A_1 : vector<10000x1xf32> to vector<10000x128xf32>
    %mul3A_15 = arith.mulf %mul3A, %sub3A : vector<10000x128xf32>
    %get3A_16 = arith.constant 0 : index
    %get3A_17 = vector.load %arg3[%get3A_16] : memref<128xf32, #tpu.memory_space<vmem>>, vector<128xf32>
    %broadcast_in_dim3A = vector.shape_cast %get3A_17 : vector<128xf32> to vector<1x128xf32>
    %add3A_18 = vector.broadcast %broadcast_in_dim3A : vector<1x128xf32> to vector<10000x128xf32>
    %add3A_19 = arith.addf %mul3A_15, %add3A_18 : vector<10000x128xf32>
    %max3A = arith.constant 0.000000e+00 : f32
    %max3A_20 = vector.broadcast %max3A : f32 to vector<10000x128xf32>
    %max3A_21 = arith.maximumf %add3A_19, %max3A_20 : vector<10000x128xf32>
    %get3A_22 = arith.constant 0 : index
    %get3A_23 = arith.constant 0 : index
    %get3A_24 = vector.load %arg4[%get3A_22, %get3A_23] : memref<128x128xf32, #tpu.memory_space<vmem>>, vector<128x128xf32>
    %dot_general3A = arith.constant dense<0.000000e+00> : vector<10000x128xf32>
    %dot_general3A_25 = tpu.matmul %max3A_21, %get3A_24, %dot_general3A {dimension_numbers = #tpu.dot_dimension_numbers<[1], [0], [0], [1], [0, 0, 1, 1], [], []>, transpose_lhs_hint = false} : vector<10000x128xf32>, vector<128x128xf32>, vector<10000x128xf32> -> vector<10000x128xf32>
    %mul3A_26 = vector.broadcast %get3A_1 : vector<10000x1xf32> to vector<10000x128xf32>
    %mul3A_27 = arith.mulf %dot_general3A_25, %mul3A_26 : vector<10000x128xf32>
    %swap3A = arith.constant 0 : index
    %swap3A_28 = arith.constant 0 : index
    %swap3A_29 = vector.load %arg5[%swap3A, %swap3A_28] : memref<10000x128xf32, #tpu.memory_space<vmem>>, vector<10000x128xf32>
    tpu.vector_store %arg5[%swap3A, %swap3A_28], %mul3A_27 {strides = array<i32>} : memref<10000x128xf32, #tpu.memory_space<vmem>>, vector<10000x128xf32>,
    return
  }
}

module attributes {stable_mosaic.version = 14 : i64} {
  func.func @_tc_final_body(%arg0: memref<2x10112x128xf32, #tpu.memory_space<vmem>>, %arg1: memref<10000x128xf32, #tpu.memory_space<vmem>>, %arg2: memref<10000x1xf32, #tpu.memory_space<vmem>>, %arg3: memref<128xf32, #tpu.memory_space<vmem>>, %arg4: memref<1x10000xi32, #tpu.memory_space<vmem>>, %arg5: memref<64x16xf32, #tpu.memory_space<vmem>>, %arg6: memref<16x128xf32, #tpu.memory_space<vmem>>, %arg7: memref<128xf32, #tpu.memory_space<vmem>>, %arg8: memref<256x128xf32, #tpu.memory_space<vmem>>, %arg9: memref<128xf32, #tpu.memory_space<vmem>>, %arg10: memref<128x64xf32, #tpu.memory_space<vmem>>, %arg11: memref<64xf32, #tpu.memory_space<vmem>>, %arg12: memref<64x64xf32, #tpu.memory_space<vmem>>) attributes {dimension_semantics = [], scalar_prefetch = 0 : i64, scratch_operands = 0 : i64, tpu.core_type = #tpu.core_type<tc>} {
    %get3A = arith.constant 0 : index
    %get3A_0 = arith.constant 0 : index
    %get3A_1 = vector.load %arg2[%get3A, %get3A_0] : memref<10000x1xf32, #tpu.memory_space<vmem>>, vector<10000x1xf32>
    %get3A_2 = arith.constant 0 : index
    %get3A_3 = arith.constant 0 : index
    %get3A_4 = arith.constant 0 : index
    %get3A_5 = vector.load %arg0[%get3A_2, %get3A_3, %get3A_4] : memref<2x10112x128xf32, #tpu.memory_space<vmem>>, vector<1x10112x128xf32>
    %get3A_6 = vector.shape_cast %get3A_5 : vector<1x10112x128xf32> to vector<10112x128xf32>
    %get3A_7 = arith.constant 1 : index
    %get3A_8 = arith.constant 0 : index
    %get3A_9 = arith.constant 0 : index
    %get3A_10 = vector.load %arg0[%get3A_7, %get3A_8, %get3A_9] : memref<2x10112x128xf32, #tpu.memory_space<vmem>>, vector<1x10112x128xf32>
    %get3A_11 = vector.shape_cast %get3A_10 : vector<1x10112x128xf32> to vector<10112x128xf32>
    %add3A = arith.addf %get3A_6, %get3A_11 : vector<10112x128xf32>
    %slice3A = vector.extract_strided_slice %add3A {offsets = [0, 0], sizes = [10000, 128], strides = [1, 1]} : vector<10112x128xf32> to vector<10000x128xf32>
    %get3A_12 = arith.constant 0 : index
    %get3A_13 = arith.constant 0 : index
    %get3A_14 = vector.load %arg1[%get3A_12, %get3A_13] : memref<10000x128xf32, #tpu.memory_space<vmem>>, vector<10000x128xf32>
    %sub3A = arith.subf %slice3A, %get3A_14 : vector<10000x128xf32>
    %mul3A = vector.broadcast %get3A_1 : vector<10000x1xf32> to vector<10000x128xf32>
    %mul3A_15 = arith.mulf %mul3A, %sub3A : vector<10000x128xf32>
    %get3A_16 = arith.constant 0 : index
    %get3A_17 = vector.load %arg3[%get3A_16] : memref<128xf32, #tpu.memory_space<vmem>>, vector<128xf32>
    %broadcast_in_dim3A = vector.shape_cast %get3A_17 : vector<128xf32> to vector<1x128xf32>
    %add3A_18 = vector.broadcast %broadcast_in_dim3A : vector<1x128xf32> to vector<10000x128xf32>
    %add3A_19 = arith.addf %mul3A_15, %add3A_18 : vector<10000x128xf32>
    %max3A = arith.constant 0.000000e+00 : f32
    %max3A_20 = vector.broadcast %max3A : f32 to vector<10000x128xf32>
    %max3A_21 = arith.maximumf %add3A_19, %max3A_20 : vector<10000x128xf32>
    %iota3A = tpu.iota {dimensions = array<i32: 0>} : vector<64x10000xi32>
    %get3A_22 = arith.constant 0 : index
    %get3A_23 = arith.constant 0 : index
    %get3A_24 = vector.load %arg4[%get3A_22, %get3A_23] : memref<1x10000xi32, #tpu.memory_space<vmem>>, vector<1x10000xi32>
    %eq3A = vector.broadcast %get3A_24 : vector<1x10000xi32> to vector<64x10000xi32>
    %eq3A_25 = arith.cmpi eq, %iota3A, %eq3A : vector<64x10000xi32>
    %convert_element_type3A = arith.extui %eq3A_25 : vector<64x10000xi1> to vector<64x10000xi32>
    %convert_element_type3A_26 = arith.sitofp %convert_element_type3A : vector<64x10000xi32> to vector<64x10000xf32>
    %dot_general3A = arith.constant dense<0.000000e+00> : vector<64x128xf32>
    %dot_general3A_27 = tpu.matmul %convert_element_type3A_26, %max3A_21, %dot_general3A {dimension_numbers = #tpu.dot_dimension_numbers<[1], [0], [0], [1], [0, 0, 1, 1], [], []>, transpose_lhs_hint = false} : vector<64x10000xf32>, vector<10000x128xf32>, vector<64x128xf32> -> vector<64x128xf32>
    %reduce_sum3A = arith.constant dense<0.000000e+00> : vector<64xf32>
    %reduce_sum3A_28 = vector.multi_reduction <add>, %convert_element_type3A_26, %reduce_sum3A [1] : vector<64x10000xf32> to vector<64xf32>
    %max3A_29 = arith.constant 1.000000e+00 : f32
    %max3A_30 = vector.broadcast %max3A_29 : f32 to vector<64xf32>
    %max3A_31 = arith.maximumf %reduce_sum3A_28, %max3A_30 : vector<64xf32>
    %broadcast_in_dim3A_32 = vector.shape_cast %max3A_31 : vector<64xf32> to vector<64x1xf32>
    %div3A = vector.broadcast %broadcast_in_dim3A_32 : vector<64x1xf32> to vector<64x128xf32>
    %div3A_33 = arith.divf %dot_general3A_27, %div3A : vector<64x128xf32>
    %get3A_34 = arith.constant 0 : index
    %get3A_35 = arith.constant 0 : index
    %get3A_36 = vector.load %arg5[%get3A_34, %get3A_35] : memref<64x16xf32, #tpu.memory_space<vmem>>, vector<64x16xf32>
    %get3A_37 = arith.constant 0 : index
    %get3A_38 = arith.constant 0 : index
    %get3A_39 = vector.load %arg6[%get3A_37, %get3A_38] : memref<16x128xf32, #tpu.memory_space<vmem>>, vector<16x128xf32>
    %dot_general3A_40 = arith.constant dense<0.000000e+00> : vector<64x128xf32>
    %dot_general3A_41 = tpu.matmul %get3A_36, %get3A_39, %dot_general3A_40 {dimension_numbers = #tpu.dot_dimension_numbers<[1], [0], [0], [1], [0, 0, 1, 1], [], []>, transpose_lhs_hint = false} : vector<64x16xf32>, vector<16x128xf32>, vector<64x128xf32> -> vector<64x128xf32>
    %get3A_42 = arith.constant 0 : index
    %get3A_43 = vector.load %arg7[%get3A_42] : memref<128xf32, #tpu.memory_space<vmem>>, vector<128xf32>
    %broadcast_in_dim3A_44 = vector.shape_cast %get3A_43 : vector<128xf32> to vector<1x128xf32>
    %add3A_45 = vector.broadcast %broadcast_in_dim3A_44 : vector<1x128xf32> to vector<64x128xf32>
    %add3A_46 = arith.addf %dot_general3A_41, %add3A_45 : vector<64x128xf32>
    %max3A_47 = arith.constant 0.000000e+00 : f32
    %max3A_48 = vector.broadcast %max3A_47 : f32 to vector<64x128xf32>
    %max3A_49 = arith.maximumf %add3A_46, %max3A_48 : vector<64x128xf32>
    %concatenate3A = tpu.concatenate %div3A_33, %max3A_49 in 1 : vector<64x128xf32>, vector<64x128xf32> -> vector<64x256xf32>
    %get3A_50 = arith.constant 0 : index
    %get3A_51 = arith.constant 0 : index
    %get3A_52 = vector.load %arg8[%get3A_50, %get3A_51] : memref<256x128xf32, #tpu.memory_space<vmem>>, vector<256x128xf32>
    %dot_general3A_53 = arith.constant dense<0.000000e+00> : vector<64x128xf32>
    %dot_general3A_54 = tpu.matmul %concatenate3A, %get3A_52, %dot_general3A_53 {dimension_numbers = #tpu.dot_dimension_numbers<[1], [0], [0], [1], [0, 0, 1, 1], [], []>, transpose_lhs_hint = false} : vector<64x256xf32>, vector<256x128xf32>, vector<64x128xf32> -> vector<64x128xf32>
    %get3A_55 = arith.constant 0 : index
    %get3A_56 = vector.load %arg9[%get3A_55] : memref<128xf32, #tpu.memory_space<vmem>>, vector<128xf32>
    %broadcast_in_dim3A_57 = vector.shape_cast %get3A_56 : vector<128xf32> to vector<1x128xf32>
    %add3A_58 = vector.broadcast %broadcast_in_dim3A_57 : vector<1x128xf32> to vector<64x128xf32>
    %add3A_59 = arith.addf %dot_general3A_54, %add3A_58 : vector<64x128xf32>
    %max3A_60 = arith.constant 0.000000e+00 : f32
    %max3A_61 = vector.broadcast %max3A_60 : f32 to vector<64x128xf32>
    %max3A_62 = arith.maximumf %add3A_59, %max3A_61 : vector<64x128xf32>
    %get3A_63 = arith.constant 0 : index
    %get3A_64 = arith.constant 0 : index
    %get3A_65 = vector.load %arg10[%get3A_63, %get3A_64] : memref<128x64xf32, #tpu.memory_space<vmem>>, vector<128x64xf32>
    %dot_general3A_66 = arith.constant dense<0.000000e+00> : vector<64x64xf32>
    %dot_general3A_67 = tpu.matmul %max3A_62, %get3A_65, %dot_general3A_66 {dimension_numbers = #tpu.dot_dimension_numbers<[1], [0], [0], [1], [0, 0, 1, 1], [], []>, transpose_lhs_hint = false} : vector<64x128xf32>, vector<128x64xf32>, vector<64x64xf32> -> vector<64x64xf32>
    %get3A_68 = arith.constant 0 : index
    %get3A_69 = vector.load %arg11[%get3A_68] : memref<64xf32, #tpu.memory_space<vmem>>, vector<64xf32>
    %broadcast_in_dim3A_70 = vector.shape_cast %get3A_69 : vector<64xf32> to vector<1x64xf32>
    %add3A_71 = vector.broadcast %broadcast_in_dim3A_70 : vector<1x64xf32> to vector<64x64xf32>
    %add3A_72 = arith.addf %dot_general3A_67, %add3A_71 : vector<64x64xf32>
    %swap3A = arith.constant 0 : index
    %swap3A_73 = arith.constant 0 : index
    %swap3A_74 = vector.load %arg12[%swap3A, %swap3A_73] : memref<64x64xf32, #tpu.memory_space<vmem>>, vector<64x64xf32>
    tpu.vector_store %arg12[%swap3A, %swap3A_73], %add3A_72 {strides = array<i32>} : memref<64x64xf32, #tpu.memory_space<vmem>>, vector<64x64xf32>,
    return
  }
}

</mosaic_0001>

<sc_bundles>
// kernel: kernel.11.cloned.1.call-start
scs
__scs_entry_jumppad:
0x0: {  	(pc) =	sbr.rel $0x88, $3  }
0x1: {  	(tag) =	ssettag $0x0;
	lr =	simm.s32 $0x1  }
0x2: {  	[smem:$0x3F91] =	sst lr;
	_ =	strace $0xD0000000  }
0x3: {  	_ = 	snop  }
0x4: {  	_ = 	snop  }
0x5: {  	_ = 	snop  }
0x6: {  	_ = 	snop  }
0x7: {  	_ = 	snop  }
__scs_overlays_trampoline_lowered:
0x8: {  	[smem:$0x3FA0] =	sst s0  }
0x9: {  	[smem:$0x3FA1] =	sst s1  }
0xa: {  	[smem:$0x3FA2] =	sst s2  }
0xb: {  	[smem:$0x3FA3] =	sst s3  }
0xc: {  	[smem:$0x3FA4] =	sst s4  }
0xd: {  	[smem:$0x3FA5] =	sst s5  }
0xe: {  	[smem:$0x3FA6] =	sst s6  }
0xf: {  	[smem:$0x3FA7] =	sst s7  }
0x10: {  	[smem:$0x3FA8] =	sst s8  }
0x11: {  	[smem:$0x3FA9] =	sst s9;
	s0 =	simm.s32 @!p0 $0x0  }
0x12: {  	s1 =	sld [smem:$0x3F8F];
	s0 =	simm.s32 @p0 $0x1  }
0x13: {  	[smem:$0x3FAA] =	sst s0;
	s0 =	simm.s32 @!p1 $0x0  }
0x14: {  	s2 =	sld [smem:$0x3F8E];
	s0 =	simm.s32 @p1 $0x1  }
0x15: {  	[smem:$0x3FAB] =	sst s0;
	s0 =	simm.s32 @!p2 $0x0  }
0x16: {  	s3 =	sld [smem:$0x3FDB];
	s0 =	simm.s32 @p2 $0x1  }
0x17: {  	s4 =	simm.s32 $0x1BF5;
	[smem:$0x3FAD] =	sst s0  }
0x18: {  	s0 =	sld [smem:$0x3F90];
	_ =	swait.ge [sflag:s4], $0x0  }
0x19: {  	s7 =	sld [smem:$0x3F91]  }
0x1a: {  	s8 =	sadd.s32 $0xFFFFE003, lr  }
0x1b: {  	s9 =	sadd.s32 $0xFFFFFEF7, lr;
	s5 =	simm.s32 $0xFFFFFFFF;
	p2 =	slt.u32 s8, $0xFFFFF086  }
0x1c: {  	p1 =	slt.u32 s9, $0xF7A;
	s5 =	simm.s32 @!p2 $0x0  }
0x1d: {  	s5 =	simm.s32 @p1 $0x1;
	p0 =	seq.s32 s7, s2  }
0x1e: {  	s7 =	smul.u32 @!p0 $0xF7A, s2;
	p2 =	seq.s32 @!p0 s5, $0x0  }
0x1f: {  	s9 =	smul.u32 $0xF7A, s1;
	s8 =	simm.s32 @!p0 $0x1BF5;
	p2 =	por !p2, p0  }
0x20: {  	[sflag:s8] =	ssyncset.s32 @!p0 $0xFFFFF086;
	s6 =	sadd.s32 @!p0 s3, s7;
	s7 =	simm.s32 @!p0 $0x108  }
0x21: {  	s3 =	sadd.s32 s3, s9;
	s6 =	sadd.s32 @!p0 $0x88, s6;
	s7 =	simm.s32 @p2 $0x1082  }
0x22: {  	[simem:s7], [sflag:s8] =	dma.local @!p0 [hbm:s6], $0xF7A  }
0x23: {  	s9 =	sor.u32 $0xD0000000, s2;
	s6 =	simm.s32 $0x108;
	_ =	swait.ge @!p0 [sflag:s8], $0x0  }
0x24: {  	s3 =	sadd.s32 $0x88, s3;
	s6 =	simm.s32 @!p1 $0x1082;
	[sflag:s4] =	ssyncset.s32 $0xFFFFF086  }
0x25: {  	[simem:s6], [sflag:s4] =	dma.local [hbm:s3], $0xF7A  }
0x26: {  	[smem:$0x3F91] =	sst s1;
	(tag) =	ssettag s2;
	_ =	strace s9  }
0x27: {  	s1 =	sld [smem:$0x3FA1]  }
0x28: {  	s2 =	sld [smem:$0x3FA2]  }
0x29: {  	s4 =	sld [smem:$0x3FA4]  }
0x2a: {  	p0 =	seq.s32 s5, $0x0;
	s5 =	sld [smem:$0x3FA5]  }
0x2b: {  	s6 =	sld [smem:$0x3FA6]  }
0x2c: {  	s7 =	sld [smem:$0x3FA7]  }
0x2d: {  	s3 =	simm.s32 $0x108;
	s8 =	sld [smem:$0x3FA8]  }
0x2e: {  	s3 =	simm.s32 @!p0 $0x1082;
	s9 =	sld [smem:$0x3FA9]  }
0x2f: {  	lr =	sadd.s32 s0, s3;
	s0 =	sld [smem:$0x3FA0]  }
0x30: {  	s3 =	sld [smem:$0x3FA3]  }
0x31: {  	[smem:$0x3FAC] =	sst s10  }
0x32: {  	s10 =	sld [smem:$0x3FAA];
	_ =	sdelay $0x3  }
0x33: {  	p0 =	seq.s32 s10, $0x1;
	s10 =	sld [smem:$0x3FAC];
	_ =	sdelay $0x3  }
0x34: {  	[smem:$0x3FAC] =	sst s10  }
0x35: {  	s10 =	sld [smem:$0x3FAB];
	_ =	sdelay $0x3  }
0x36: {  	p1 =	seq.s32 s10, $0x1;
	s10 =	sld [smem:$0x3FAC];
	_ =	sdelay $0x3  }
0x37: {  	[smem:$0x3FAC] =	sst s10  }
0x38: {  	s10 =	sld [smem:$0x3FAD]  }
0x39: {  	_ = 	snop;
	(pc) =	sbr.ind lr, $3  }
0x3a: {  	_ = 	snop  }
0x3b: {  	_ = 	snop  }
0x3c: {  	p2 =	seq.s32 s10, $0x1;
	s10 =	sld [smem:$0x3FAC]  }
0x3d: {  	_ =	shalt  }
0x3e: {  	_ =	shalt  }
0x3f: {  	_ =	shalt  }
0x40: {  	_ =	shalt  }
0x41: {  	_ =	shalt  }
0x42: {  	_ =	shalt  }
0x43: {  	_ =	shalt  }
0x44: {  	_ =	shalt  }
0x45: {  	_ =	shalt  }
0x46: {  	_ =	shalt  }
0x47: {  	_ =	shalt  }
0x48: {  	_ =	shalt  }
0x49: {  	_ =	shalt  }
0x4a: {  	_ =	shalt  }
0x4b: {  	_ =	shalt  }
0x4c: {  	_ =	shalt  }
0x4d: {  	_ =	shalt  }
0x4e: {  	_ =	shalt  }
0x4f: {  	_ =	shalt  }
0x50: {  	_ =	shalt  }
0x51: {  	_ =	shalt  }
0x52: {  	_ =	shalt  }
0x53: {  	_ =	shalt  }
0x54: {  	_ =	shalt  }
0x55: {  	_ =	shalt  }
0x56: {  	_ =	shalt  }
0x57: {  	_ =	shalt  }
0x58: {  	_ =	shalt  }
0x59: {  	_ =	shalt  }
0x5a: {  	_ =	shalt  }
0x5b: {  	_ =	shalt  }
0x5c: {  	_ =	shalt  }
0x5d: {  	_ =	shalt  }
0x5e: {  	_ =	shalt  }
0x5f: {  	_ =	shalt  }
0x60: {  	_ =	shalt  }
0x61: {  	_ =	shalt  }
0x62: {  	_ =	shalt  }
0x63: {  	_ =	shalt  }
0x64: {  	_ =	shalt  }
0x65: {  	_ =	shalt  }
0x66: {  	_ =	shalt  }
0x67: {  	_ =	shalt  }
0x68: {  	_ =	shalt  }
0x69: {  	_ =	shalt  }
0x6a: {  	_ =	shalt  }
0x6b: {  	_ =	shalt  }
0x6c: {  	_ =	shalt  }
0x6d: {  	_ =	shalt  }
0x6e: {  	_ =	shalt  }
0x6f: {  	_ =	shalt  }
0x70: {  	_ =	shalt  }
0x71: {  	_ =	shalt  }
0x72: {  	_ =	shalt  }
0x73: {  	_ =	shalt  }
0x74: {  	_ =	shalt  }
0x75: {  	_ =	shalt  }
0x76: {  	_ =	shalt  }
0x77: {  	_ =	shalt  }
0x78: {  	_ =	shalt  }
0x79: {  	_ =	shalt  }
0x7a: {  	_ =	shalt  }
0x7b: {  	_ =	shalt  }
0x7c: {  	_ =	shalt  }
0x7d: {  	_ =	shalt  }
0x7e: {  	_ =	shalt  }
0x7f: {  	_ =	shalt  }
0x80: {  	_ =	shalt  }
0x81: {  	_ =	shalt  }
0x82: {  	_ =	shalt  }
0x83: {  	_ =	shalt  }
0x84: {  	_ =	shalt  }
0x85: {  	_ =	shalt  }
0x86: {  	_ =	shalt  }
0x87: {  	_ =	shalt  }
.Lfunc_end0:
.L_simem_size_0:
called_computation.1_lowered:
.L_overlay_start_0:
0x88: {  	s2 =	sld [smem:$0x3FD9]  }
0x89: {  	s3 =	sld [smem:$0x3FFE];
	_ =	sdelay $0x1  }
0x8a: {  	s1 =	srdreg.scid  }
0x8b: {  	s0 =	sand.u32 $0x1, s1  }
0x8c: {  	s16 =	sshll.u32 s0, $0xA;
	s2 =	sadd.s32 s3, s2  }
0x8d: {  	s2 =	sadd.s32 s2, s16  }
0x8e: {  	[smem:$0x3FB8] =	sst s2  }
0x8f: {  	_ = 	snop  }
0x90: {  	(tm) =	ssettm $0x1  }
0x91: {  	s17 =	sld [smem:$0x3FFB];
	_ =	sdelay $0x3  }
0x92: {  	_ =	strace s17  }
0x93: {  	s2 =	sld [smem:$0x3FFC];
	_ =	sdelay $0x3  }
0x94: {  	_ =	strace s2  }
0x95: {  	s2 =	sld [smem:$0x3FFD];
	_ =	sdelay $0x3  }
0x96: {  	_ =	strace s2  }
0x97: {  	_ =	strace $0x8FFFFFFF  }
0x98: {  	s18 =	sld [smem:$0x3FDB];
	_ =	sdelay $0x1  }
0x99: {  	s19 =	simm.s32 $_scs_section_size  }
0x9a: {  	s4 =	simm.s32 $_size__tile_overlayer_lowered;
	s5 =	simm.s32 $_tile_overlayer_lowered  }
0x9b: {  	s22 =	simm.s32 $0x1BFF;
	s21 =	sshll.u32 s5, $0x1;
	s2 =	sadd.s32 s19, s18  }
0x9c: {  	s6 =	simm.s32 $0x0;
	s20 =	sshll.u32 s4, $0x1;
	s4 =	sadd.s32 s21, s2  }
0x9d: {  	[timem:s6], [sflag:s22] =	dma.local [hbm:s4], s20  }
0x9e: {  	_ =	swait.ge [sflag:s22], s20  }
0x9f: {  	s3 =	ssub.s32 $0x0, s20;
	[sflag:s22] =	ssyncset.done $0x0  }
0xa0: {  	[sflag:s22] =	ssyncadd.s32 s3;
	_ =	sdelay $0x1  }
0xa1: {  	s23 =	simm.s32 $0x1B8B  }
0xa2: {  	_ =	swait.ge [sflag:s23], $0x1  }
0xa3: {  	[sflag:s23] =	ssyncset.done $0x0  }
0xa4: {  	s25 =	simm.s32 $0x1B8E;
	s24 =	sld [smem:$0x3FFE];
	[sflag:s23] =	ssyncadd.s32 $0xFFFFFFFF  }
0xa5: {  	s26 =	simm.s32 $execute0_lowered;
	[smem:$0x3FD2] =	sst s25  }
0xa6: {  	s4 =	sshll.u32 s26, $0x1;
	_ =	strace $0x80000049;
	[dreg:$0x1] =	wrdreg $0xFFFFFFFF  }
0xa7: {  	s28 =	simm.s32 $_size_execute0_lowered;
	s2 =	sadd.s32 s2, s4;
	[dreg:$0x0] =	wrdreg $0x0  }
0xa8: {  	s4 =	sshll.u32 s28, $0x1;
	[dreg:$0x2] =	wrdreg s2  }
0xa9: {  	[dreg:$0x3] =	wrdreg s4  }
0xaa: {  	[dreg:$0x4] =	wrdreg $0xC0  }
0xab: {  	_ =	task [dreg:s6], $0x5FFFF  }
0xac: {  	[dreg:$0x1] =	wrdreg $0xFFFFFFFF  }
0xad: {  	[dreg:$0x0] =	wrdreg $0x60  }
0xae: {  	[dreg:$0x2] =	wrdreg s24  }
0xaf: {  	[dreg:$0x3] =	wrdreg $0x88000  }
0xb0: {  	[dreg:$0x4] =	wrdreg $0x9  }
0xb1: {  	_ =	task.clear_ibuf [dreg:s6], $0x5FFFF;
	_ =	strace $0x90000049  }
0xb2: {  	s29 =	simm.s32 $0x9;
	_ =	strace $0x8000004B  }
0xb3: {  	_ =	swait.ge [sflag:s29], $0x1  }
0xb4: {  	[sflag:s29] =	ssyncadd.s32 $0xFFFFFFFF  }
0xb5: {  	_ =	strace $0x9000004B  }
0xb6: {  	_ =	sfence  }
0xb7: {  	s30 =	sld [smem:$0x0];
	_ =	sdelay $0x2  }
0xb8: {  	s31 =	sshll.u32 s1, $0xD;
	s1 =	sshrl.u32 s1, $0x2  }
0xb9: {  	s3 =	sand.u32 $0x4000, s31;
	s1 =	sadd.s32 s1, s30  }
0xba: {  	s0 =	sor.u32 s3, s0;
	s1 =	sshll.u32 s1, $0x11  }
0xbb: {  	s0 =	sor.u32 s1, s0  }
0xbc: {  	s0 =	sadd.s32 $0x8F2B, s0  }
0xbd: {  	[sflag:s0] =	ssyncadd.remote.s32 $0x1  }
0xbe: {  	_ =	sfence.sel $0xFFFF  }
0xbf: {  	[dreg:$0x0] =	wrdreg $0xFFFFFFFF;
	(pc) =	sbr.abs _section_cstart, $3  }
0xc0: {  	[dreg:$0x1] =	wrdreg $0xFFFFFFFF  }
0xc1: {  	_ =	task.clear_ibuf [dreg:s6], $0x2FFFF;
	_ =	strace $0x9FFFFFFF  }
0xc2: {  	(tm) =	ssettm $0x7FFFFFFF  }
0xc3: {  	_ =	shalt  }
tec
execute0_lowered:
.L_overlay_start_1:
0x0: {  	(tag) =	ssettag $0x1  }
0x1: {  	s1 =	rddreg [dreg:$0x0]  }
0x2: {  	s2 =	rddreg [dreg:$0x1];
	s3 =	simm.s32 $0x0  }
0x3: {  	s25 =	simm.s32 $0xA0;
	[smem:$0x7FF] =	sst s3  }
0x4: {  	s26 =	simm.s32 $0x850;
	_ =	strace $0x8000004A;
	[dreg:$0x5] =	wrdreg s25  }
0x5: {  	s7 =	simm.s32 $0x140;
	[dreg:$0x6] =	wrdreg s26  }
0x6: {  	s8 =	simm.s32 $0x8F0;
	[dreg:$0x9] =	wrdreg s7  }
0x7: {  	s11 =	simm.s32 $0x190;
	[dreg:$0xa] =	wrdreg s8  }
0x8: {  	s12 =	simm.s32 $0x940;
	[dreg:$0xb] =	wrdreg s11  }
0x9: {  	s13 =	simm.s32 $0x1E0;
	[dreg:$0xc] =	wrdreg s12  }
0xa: {  	s14 =	simm.s32 $0x990;
	[dreg:$0xd] =	wrdreg s13  }
0xb: {  	s0 =	srdreg.scid;
	s15 =	simm.s32 $0x230;
	[dreg:$0xe] =	wrdreg s14  }
0xc: {  	s9 =	stileid.u32;
	s16 =	simm.s32 $0x9E0;
	[dreg:$0xf] =	wrdreg s15  }
0xd: {  	s17 =	simm.s32 $0x280;
	s19 =	simm.s32 $0xA30;
	[dreg:$0x10] =	wrdreg s16  }
0xe: {  	s20 =	simm.s32 $0x2D0;
	s21 =	simm.s32 $0xA80;
	[dreg:$0x11] =	wrdreg s17  }
0xf: {  	s23 =	simm.s32 $0x320;
	s28 =	simm.s32 $0xDF0;
	[dreg:$0x12] =	wrdreg s19  }
0x10: {  	s29 =	simm.s32 $0x690;
	s30 =	simm.s32 $0xE40;
	[dreg:$0x13] =	wrdreg s20  }
0x11: {  	s31 =	simm.s32 $0x6E0;
	s0 =	sand.u32 $0x1, s0;
	[dreg:$0x14] =	wrdreg s21  }
0x12: {  	s4 =	smul.u32 $0x4E20, s9;
	[dreg:$0x15] =	wrdreg s23;
	s25 =	simm.s32 $0x370  }
0x13: {  	s24 =	sadd.s32 $0x3600, s1;
	s26 =	simm.s32 $0xB20;
	[dreg:$0x17] =	wrdreg s25  }
0x14: {  	p0 =	seq.s32 s9, $0xF;
	s12 =	simm.s32 $0x3C0;
	[dreg:$0x18] =	wrdreg s26  }
0x15: {  	s5 =	smul.u32 $0x2710, s0;
	s13 =	simm.s32 $0xB70;
	[dreg:$0x19] =	wrdreg s12  }
0x16: {  	s10 =	smul.u32 $0x27800, s0;
	s14 =	simm.s32 $0x410;
	[dreg:$0x1a] =	wrdreg s13  }
0x17: {  	s0 =	ssub.s32 $0x2, s0;
	s15 =	simm.s32 $0xBC0;
	[dreg:$0x1b] =	wrdreg s14  }
0x18: {  	s8 =	smul.u32 $0x4F000, s9;
	s16 =	simm.s32 $0x460;
	[dreg:$0x1c] =	wrdreg s15  }
0x19: {  	s17 =	simm.s32 $0xC10;
	s19 =	simm.s32 $0xC60;
	[dreg:$0x1d] =	wrdreg s16  }
0x1a: {  	s20 =	simm.s32 $0x500;
	s21 =	simm.s32 $0xCB0;
	[dreg:$0x1e] =	wrdreg s17  }
0x1b: {  	s23 =	simm.s32 $0xD00;
	s7 =	sshrl.u32 s0, $0x1;
	[smem:$0x7F5] =	sst s19  }
0x1c: {  	s12 =	simm.s32 $0x7;
	s13 =	simm.s32 $0x800;
	[smem:$0x7F6] =	sst s20  }
0x1d: {  	s14 =	simm.s32 $0x50;
	s15 =	simm.s32 $0x1000;
	[smem:$0x7F7] =	sst s21  }
0x1e: {  	s16 =	simm.s32 $0x3800;
	s17 =	simm.s32 $0x1;
	[smem:$0x7F9] =	sst s23  }
0x1f: {  	s19 =	simm.s32 $0x2;
	s25 =	simm.s32 $0xD50;
	s20 =	simm.s32 $0x4  }
0x20: {  	s26 =	simm.s32 $0x5F0;
	s21 =	simm.s32 $0x3;
	s23 =	simm.s32 $0x6  }
0x21: {  	s4 =	sadd.s32 s5, s4;
	s5 =	simm.s32 $0xF0;
	s7 =	ssub.s32 s0, s7  }
0x22: {  	s18 =	sshrl.u32 s8, $0x2;
	s0 =	smul.u32 $0x2780, s9;
	[smem:$0x7FB] =	sst s25  }
0x23: {  	s8 =	sadd.s32 $0x128400, s2;
	[smem:$0x7FC] =	sst s26;
	s25 =	simm.s32 $0xDA0  }
0x24: {  	s6 =	sshrl.u32 s4, $0x3;
	[dreg:$0x7] =	wrdreg s5;
	s11 =	smax.u32 s7, $0x1  }
0x25: {  	s5 =	sadd.s32 s10, s1;
	s10 =	sadd.s32 s18, s2;
	[smem:$0x7F0] =	sst s11  }
0x26: {  	s4 =	sadd.s32 $0x4E200, s4;
	s18 =	simm.s32 $0x4B0;
	[smem:$0x7F3] =	sst s10  }
0x27: {  	s6 =	sadd.s32 s6, s24;
	s4 =	sshrl.u32 s4, $0x3;
	[dreg:$0x1f] =	wrdreg s18  }
0x28: {  	s26 =	simm.s32 $0x640;
	[dreg:$0x3] =	wrdreg s6;
	s4 =	sadd.s32 s4, s24  }
0x29: {  	s7 =	simm.s32 $0x780;
	s6 =	simm.s32 $0x8A0;
	[dreg:$0x4] =	wrdreg s4  }
0x2a: {  	s5 =	sadd.s32 $0x3E200, s5;
	s24 =	simm.s32 $0xAD0;
	[dreg:$0x8] =	wrdreg s6  }
0x2b: {  	s4 =	sadd.s32 $0x17000, s1;
	s1 =	sadd.s32 $0x3C080, s1;
	[dreg:$0x16] =	wrdreg s24  }
0x2c: {  	s18 =	simm.s32 $0x6000;
	s6 =	sshrl.u32 @p0 s8, $0x3;
	[smem:$0x7EF] =	sst s1  }
0x2d: {  	s24 =	simm.s32 $0x5A0;
	s8 =	simm.s32 $0xF30;
	[smem:$0x7F1] =	sst s6  }
0x2e: {  	s22 =	sadd.s32 s4, s0;
	s6 =	sshll.u32 @!p0 s9, $0x6;
	[smem:$0x7FA] =	sst s24  }
0x2f: {  	s0 =	sadd.s32 s0, s5;
	s1 =	simm.s32 $0xE90;
	[smem:$0x7EE] =	sst s22  }
0x30: {  	s9 =	simm.s32 $0xF80;
	s6 =	sor.u32 @!p0 $0x1C07, s6;
	[smem:$0x7FD] =	sst s0  }
0x31: {  	s22 =	simm.s32 $0x550;
	s0 =	simm.s32 $0x730;
	[smem:$0x7F2] =	sst s6  }
0x32: {  	s6 =	sshrl.u32 @!p0 s10, $0x3;
	[smem:$0x7F8] =	sst s22;
	s22 =	simm.s32 $0x5  }
0x33: {  	s10 =	simm.s32 $0x0;
	[smem:$0x7F4] =	sst s6;
	s6 =	simm.s32 $0xEE0  }
.LBB2_1:
0x34: {  	[smem:$0x7ED] =	sst s10  }
0x35: {  	s10 =	sld [smem:$0x7EF]  }
0x36: {  	s11 =	sld [smem:$0x7F1];
	_ =	sdelay $0x1  }
0x37: {  	s5 =	simm.s32 @p0 $0x1FC7  }
0x38: {  	[spmem:s11], [sflag:s5] =	dma.local @p0 [hbm:s10], $0x2080  }
0x39: {  	s5 =	simm.s32 @p0 $0x7  }
0x3a: {  	_ =	swait.ge @p0 [sflag:s5], $0x2080  }
0x3b: {  	s10 =	sld [smem:$0x7F2]  }
0x3c: {  	[sflag:s5] =	ssyncset.done @p0 $0x0;
	s11 =	sld [smem:$0x7F4]  }
0x3d: {  	[sflag:s5] =	ssyncadd.s32 @p0 $0xFFFFDF80;
	s5 =	sld [smem:$0x7EE];
	_ =	sdelay $0x2  }
0x3e: {  	[spmem:s11], [sflag:s10] =	dma.local @!p0 [hbm:s5], $0x2780  }
0x3f: {  	s5 =	simm.s32 @!p0 $0x7  }
0x40: {  	_ =	swait.ge @!p0 [sflag:s5], $0x2780  }
0x41: {  	[sflag:s5] =	ssyncset.done @!p0 $0x0  }
0x42: {  	[sflag:s5] =	ssyncadd.s32 @!p0 $0xFFFFD880  }
0x43: {  	[bflag:$0x0] =	sbarrier.arrive $0xFFFF  }
0x44: {  	s24 =	rddreg [dreg:$0x3]  }
0x45: {  	s5 =	sadd.s32 $0x0, s24  }
0x46: {  	[tilespmem:s3], [sflag:$0x7] =	stream.linear.gather [hbm4b:s5+s3], $0x7D0, $0x38;
	[tilespmem:$0x1C400] =	vst v63  }
0x47: {  	_ =	swait.ge [sflag:s12], $0x7D0  }
0x48: {  	s10 =	rddreg [dreg:$0x4];
	[sflag:s12] =	ssyncset.done $0x0  }
0x49: {  	[sflag:s12] =	ssyncadd.s32 $0xFFFFF830;
	s5 =	sadd.s32 $0x0, s10  }
0x4a: {  	[tilespmem:s13], [sflag:$0x7] =	stream.linear.gather [hbm4b:s5+s3], $0x7D0, $0x38;
	[tilespmem:$0x1C400] =	vst v63  }
0x4b: {  	_ =	swait.ge [sflag:s12], $0x7D0  }
0x4c: {  	[sflag:s12] =	ssyncset.done $0x0  }
0x4d: {  	[sflag:s12] =	ssyncadd.s32 $0xFFFFF830  }
0x4e: {  	[tilespmem:s15], [sflag:$0x1] =	stream.indirect.gather [hbm4b:s4+s14], $0x80, s3, s14, $0xb8;
	[tilespmem:$0x1C400] =	vst v63  }
0x4f: {  	_ = 	snop  }
0x50: {  	[tilespmem:s16], [sflag:$0x2] =	stream.indirect.gather [hbm4b:s4+s14], $0x80, s14, s14, $0xb8;
	[tilespmem:$0x1C400] =	vst v63  }
0x51: {  	_ =	swait.ge [sflag:s17], $0x2800  }
0x52: {  	[sflag:s17] =	ssyncset.done $0x0  }
0x53: {  	[sflag:s17] =	ssyncadd.s32 $0xFFFFD800  }
0x54: {  	[spmem:s2] =	stream.indirect.scatter.add.f32 [tilespmem:s15], [sflag:$0x4], $0x80, s13, s14, $0xb8;
	[tilespmem:$0x1C400] =	vst v63  }
0x55: {  	s11 =	rddreg [dreg:$0x5]  }
0x56: {  	[tilespmem:s18], [sflag:$0x3] =	stream.indirect.gather [hbm4b:s4+s14], $0x80, s11, s14, $0xb8;
	[tilespmem:$0x1C400] =	vst v63  }
0x57: {  	_ =	swait.ge [sflag:s19], $0x2800  }
0x58: {  	[sflag:s19] =	ssyncset.done $0x0  }
0x59: {  	s24 =	rddreg [dreg:$0x6];
	[sflag:s19] =	ssyncadd.s32 $0xFFFFD800  }
0x5a: {  	[spmem:s2] =	stream.indirect.scatter.add.f32 [tilespmem:s16], [sflag:$0x5], $0x80, s24, s14, $0xb8;
	[tilespmem:$0x1C400] =	vst v63  }
0x5b: {  	_ =	swait.ge [sflag:s20], $0x2800  }
0x5c: {  	[sflag:s20] =	ssyncset.done $0x0  }
0x5d: {  	s10 =	rddreg [dreg:$0x7];
	[sflag:s20] =	ssyncadd.s32 $0xFFFFD800  }
0x5e: {  	[tilespmem:s15], [sflag:$0x1] =	stream.indirect.gather [hbm4b:s4+s14], $0x80, s10, s14, $0xb8;
	[tilespmem:$0x1C400] =	vst v63  }
0x5f: {  	_ =	swait.ge [sflag:s21], $0x2800  }
0x60: {  	[sflag:s21] =	ssyncset.done $0x0  }
0x61: {  	s11 =	rddreg [dreg:$0x8];
	[sflag:s21] =	ssyncadd.s32 $0xFFFFD800  }
0x62: {  	[spmem:s2] =	stream.indirect.scatter.add.f32 [tilespmem:s18], [sflag:$0x6], $0x80, s11, s14, $0xb8;
	[tilespmem:$0x1C400] =	vst v63  }
0x63: {  	_ =	swait.ge [sflag:s22], $0x2800  }
0x64: {  	[sflag:s22] =	ssyncset.done $0x0  }
0x65: {  	s24 =	rddreg [dreg:$0x9];
	[sflag:s22] =	ssyncadd.s32 $0xFFFFD800  }
0x66: {  	[tilespmem:s16], [sflag:$0x2] =	stream.indirect.gather [hbm4b:s4+s14], $0x80, s24, s14, $0xb8;
	[tilespmem:$0x1C400] =	vst v63  }
0x67: {  	_ =	swait.ge [sflag:s17], $0x2800  }
0x68: {  	[sflag:s17] =	ssyncset.done $0x0  }
0x69: {  	s10 =	rddreg [dreg:$0xa];
	[sflag:s17] =	ssyncadd.s32 $0xFFFFD800  }
0x6a: {  	[spmem:s2] =	stream.indirect.scatter.add.f32 [tilespmem:s15], [sflag:$0x4], $0x80, s10, s14, $0xb8;
	[tilespmem:$0x1C400] =	vst v63  }
0x6b: {  	_ =	swait.ge [sflag:s23], $0x2800  }
0x6c: {  	[sflag:s23] =	ssyncset.done $0x0  }
0x6d: {  	s11 =	rddreg [dreg:$0xb];
	[sflag:s23] =	ssyncadd.s32 $0xFFFFD800  }
0x6e: {  	[tilespmem:s18], [sflag:$0x3] =	stream.indirect.gather [hbm4b:s4+s14], $0x80, s11, s14, $0xb8;
	[tilespmem:$0x1C400] =	vst v63  }
0x6f: {  	_ =	swait.ge [sflag:s19], $0x2800  }
0x70: {  	[sflag:s19] =	ssyncset.done $0x0  }
0x71: {  	s24 =	rddreg [dreg:$0xc];
	[sflag:s19] =	ssyncadd.s32 $0xFFFFD800  }
0x72: {  	[spmem:s2] =	stream.indirect.scatter.add.f32 [tilespmem:s16], [sflag:$0x5], $0x80, s24, s14, $0xb8;
	[tilespmem:$0x1C400] =	vst v63  }
0x73: {  	_ =	swait.ge [sflag:s20], $0x2800  }
0x74: {  	[sflag:s20] =	ssyncset.done $0x0  }
0x75: {  	s10 =	rddreg [dreg:$0xd];
	[sflag:s20] =	ssyncadd.s32 $0xFFFFD800  }
0x76: {  	[tilespmem:s15], [sflag:$0x1] =	stream.indirect.gather [hbm4b:s4+s14], $0x80, s10, s14, $0xb8;
	[tilespmem:$0x1C400] =	vst v63  }
0x77: {  	_ =	swait.ge [sflag:s21], $0x2800  }
0x78: {  	[sflag:s21] =	ssyncset.done $0x0  }
0x79: {  	s11 =	rddreg [dreg:$0xe];
	[sflag:s21] =	ssyncadd.s32 $0xFFFFD800  }
0x7a: {  	[spmem:s2] =	stream.indirect.scatter.add.f32 [tilespmem:s18], [sflag:$0x6], $0x80, s11, s14, $0xb8;
	[tilespmem:$0x1C400] =	vst v63  }
0x7b: {  	_ =	swait.ge [sflag:s22], $0x2800  }
0x7c: {  	[sflag:s22] =	ssyncset.done $0x0  }
0x7d: {  	s24 =	rddreg [dreg:$0xf];
	[sflag:s22] =	ssyncadd.s32 $0xFFFFD800  }
0x7e: {  	[tilespmem:s16], [sflag:$0x2] =	stream.indirect.gather [hbm4b:s4+s14], $0x80, s24, s14, $0xb8;
	[tilespmem:$0x1C400] =	vst v63  }
0x7f: {  	_ =	swait.ge [sflag:s17], $0x2800  }
0x80: {  	[sflag:s17] =	ssyncset.done $0x0  }
0x81: {  	s10 =	rddreg [dreg:$0x10];
	[sflag:s17] =	ssyncadd.s32 $0xFFFFD800  }
0x82: {  	[spmem:s2] =	stream.indirect.scatter.add.f32 [tilespmem:s15], [sflag:$0x4], $0x80, s10, s14, $0xb8;
	[tilespmem:$0x1C400] =	vst v63  }
0x83: {  	_ =	swait.ge [sflag:s23], $0x2800  }
0x84: {  	[sflag:s23] =	ssyncset.done $0x0  }
0x85: {  	s11 =	rddreg [dreg:$0x11];
	[sflag:s23] =	ssyncadd.s32 $0xFFFFD800  }
0x86: {  	[tilespmem:s18], [sflag:$0x3] =	stream.indirect.gather [hbm4b:s4+s14], $0x80, s11, s14, $0xb8;
	[tilespmem:$0x1C400] =	vst v63  }
0x87: {  	_ =	swait.ge [sflag:s19], $0x2800  }
0x88: {  	[sflag:s19] =	ssyncset.done $0x0  }
0x89: {  	s24 =	rddreg [dreg:$0x12];
	[sflag:s19] =	ssyncadd.s32 $0xFFFFD800  }
0x8a: {  	[spmem:s2] =	stream.indirect.scatter.add.f32 [tilespmem:s16], [sflag:$0x5], $0x80, s24, s14, $0xb8;
	[tilespmem:$0x1C400] =	vst v63  }
0x8b: {  	_ =	swait.ge [sflag:s20], $0x2800  }
0x8c: {  	[sflag:s20] =	ssyncset.done $0x0  }
0x8d: {  	s10 =	rddreg [dreg:$0x13];
	[sflag:s20] =	ssyncadd.s32 $0xFFFFD800  }
0x8e: {  	[tilespmem:s15], [sflag:$0x1] =	stream.indirect.gather [hbm4b:s4+s14], $0x80, s10, s14, $0xb8;
	[tilespmem:$0x1C400] =	vst v63  }
0x8f: {  	_ =	swait.ge [sflag:s21], $0x2800  }
0x90: {  	[sflag:s21] =	ssyncset.done $0x0  }
0x91: {  	s11 =	rddreg [dreg:$0x14];
	[sflag:s21] =	ssyncadd.s32 $0xFFFFD800  }
0x92: {  	[spmem:s2] =	stream.indirect.scatter.add.f32 [tilespmem:s18], [sflag:$0x6], $0x80, s11, s14, $0xb8;
	[tilespmem:$0x1C400] =	vst v63  }
0x93: {  	_ =	swait.ge [sflag:s22], $0x2800  }
0x94: {  	[sflag:s22] =	ssyncset.done $0x0  }
0x95: {  	s24 =	rddreg [dreg:$0x15];
	[sflag:s22] =	ssyncadd.s32 $0xFFFFD800  }
0x96: {  	[tilespmem:s16], [sflag:$0x2] =	stream.indirect.gather [hbm4b:s4+s14], $0x80, s24, s14, $0xb8;
	[tilespmem:$0x1C400] =	vst v63  }
0x97: {  	_ =	swait.ge [sflag:s17], $0x2800  }
0x98: {  	[sflag:s17] =	ssyncset.done $0x0  }
0x99: {  	s10 =	rddreg [dreg:$0x16];
	[sflag:s17] =	ssyncadd.s32 $0xFFFFD800  }
0x9a: {  	[spmem:s2] =	stream.indirect.scatter.add.f32 [tilespmem:s15], [sflag:$0x4], $0x80, s10, s14, $0xb8;
	[tilespmem:$0x1C400] =	vst v63  }
0x9b: {  	_ =	swait.ge [sflag:s23], $0x2800  }
0x9c: {  	[sflag:s23] =	ssyncset.done $0x0  }
0x9d: {  	s11 =	rddreg [dreg:$0x17];
	[sflag:s23] =	ssyncadd.s32 $0xFFFFD800  }
0x9e: {  	[tilespmem:s18], [sflag:$0x3] =	stream.indirect.gather [hbm4b:s4+s14], $0x80, s11, s14, $0xb8;
	[tilespmem:$0x1C400] =	vst v63  }
0x9f: {  	_ =	swait.ge [sflag:s19], $0x2800  }
0xa0: {  	[sflag:s19] =	ssyncset.done $0x0  }
0xa1: {  	s24 =	rddreg [dreg:$0x18];
	[sflag:s19] =	ssyncadd.s32 $0xFFFFD800  }
0xa2: {  	[spmem:s2] =	stream.indirect.scatter.add.f32 [tilespmem:s16], [sflag:$0x5], $0x80, s24, s14, $0xb8;
	[tilespmem:$0x1C400] =	vst v63  }
0xa3: {  	_ =	swait.ge [sflag:s20], $0x2800  }
0xa4: {  	[sflag:s20] =	ssyncset.done $0x0  }
0xa5: {  	s10 =	rddreg [dreg:$0x19];
	[sflag:s20] =	ssyncadd.s32 $0xFFFFD800  }
0xa6: {  	[tilespmem:s15], [sflag:$0x1] =	stream.indirect.gather [hbm4b:s4+s14], $0x80, s10, s14, $0xb8;
	[tilespmem:$0x1C400] =	vst v63  }
0xa7: {  	_ =	swait.ge [sflag:s21], $0x2800  }
0xa8: {  	[sflag:s21] =	ssyncset.done $0x0  }
0xa9: {  	s11 =	rddreg [dreg:$0x1a];
	[sflag:s21] =	ssyncadd.s32 $0xFFFFD800  }
0xaa: {  	[spmem:s2] =	stream.indirect.scatter.add.f32 [tilespmem:s18], [sflag:$0x6], $0x80, s11, s14, $0xb8;
	[tilespmem:$0x1C400] =	vst v63  }
0xab: {  	_ =	swait.ge [sflag:s22], $0x2800  }
0xac: {  	[sflag:s22] =	ssyncset.done $0x0  }
0xad: {  	s24 =	rddreg [dreg:$0x1b];
	[sflag:s22] =	ssyncadd.s32 $0xFFFFD800  }
0xae: {  	[tilespmem:s16], [sflag:$0x2] =	stream.indirect.gather [hbm4b:s4+s14], $0x80, s24, s14, $0xb8;
	[tilespmem:$0x1C400] =	vst v63  }
0xaf: {  	_ =	swait.ge [sflag:s17], $0x2800  }
0xb0: {  	[sflag:s17] =	ssyncset.done $0x0  }
0xb1: {  	s10 =	rddreg [dreg:$0x1c];
	[sflag:s17] =	ssyncadd.s32 $0xFFFFD800  }
0xb2: {  	[spmem:s2] =	stream.indirect.scatter.add.f32 [tilespmem:s15], [sflag:$0x4], $0x80, s10, s14, $0xb8;
	[tilespmem:$0x1C400] =	vst v63  }
0xb3: {  	_ =	swait.ge [sflag:s23], $0x2800  }
0xb4: {  	[sflag:s23] =	ssyncset.done $0x0  }
0xb5: {  	s11 =	rddreg [dreg:$0x1d];
	[sflag:s23] =	ssyncadd.s32 $0xFFFFD800  }
0xb6: {  	[tilespmem:s18], [sflag:$0x3] =	stream.indirect.gather [hbm4b:s4+s14], $0x80, s11, s14, $0xb8;
	[tilespmem:$0x1C400] =	vst v63  }
0xb7: {  	_ =	swait.ge [sflag:s19], $0x2800  }
0xb8: {  	[sflag:s19] =	ssyncset.done $0x0  }
0xb9: {  	s24 =	rddreg [dreg:$0x1e];
	[sflag:s19] =	ssyncadd.s32 $0xFFFFD800  }
0xba: {  	[spmem:s2] =	stream.indirect.scatter.add.f32 [tilespmem:s16], [sflag:$0x5], $0x80, s24, s14, $0xb8;
	[tilespmem:$0x1C400] =	vst v63  }
0xbb: {  	_ =	swait.ge [sflag:s20], $0x2800  }
0xbc: {  	[sflag:s20] =	ssyncset.done $0x0  }
0xbd: {  	s10 =	rddreg [dreg:$0x1f];
	[sflag:s20] =	ssyncadd.s32 $0xFFFFD800  }
0xbe: {  	[tilespmem:s15], [sflag:$0x1] =	stream.indirect.gather [hbm4b:s4+s14], $0x80, s10, s14, $0xb8;
	[tilespmem:$0x1C400] =	vst v63  }
0xbf: {  	_ =	swait.ge [sflag:s21], $0x2800  }
0xc0: {  	s11 =	sld [smem:$0x7F5]  }
0xc1: {  	[sflag:s21] =	ssyncset.done $0x0  }
0xc2: {  	[sflag:s21] =	ssyncadd.s32 $0xFFFFD800  }
0xc3: {  	[spmem:s2] =	stream.indirect.scatter.add.f32 [tilespmem:s18], [sflag:$0x6], $0x80, s11, s14, $0xb8;
	[tilespmem:$0x1C400] =	vst v63  }
0xc4: {  	_ =	swait.ge [sflag:s22], $0x2800  }
0xc5: {  	s24 =	sld [smem:$0x7F6]  }
0xc6: {  	[sflag:s22] =	ssyncset.done $0x0  }
0xc7: {  	[sflag:s22] =	ssyncadd.s32 $0xFFFFD800  }
0xc8: {  	[tilespmem:s16], [sflag:$0x2] =	stream.indirect.gather [hbm4b:s4+s14], $0x80, s24, s14, $0xb8;
	[tilespmem:$0x1C400] =	vst v63  }
0xc9: {  	_ =	swait.ge [sflag:s17], $0x2800  }
0xca: {  	s10 =	sld [smem:$0x7F7]  }
0xcb: {  	[sflag:s17] =	ssyncset.done $0x0  }
0xcc: {  	[sflag:s17] =	ssyncadd.s32 $0xFFFFD800  }
0xcd: {  	[spmem:s2] =	stream.indirect.scatter.add.f32 [tilespmem:s15], [sflag:$0x4], $0x80, s10, s14, $0xb8;
	[tilespmem:$0x1C400] =	vst v63  }
0xce: {  	_ =	swait.ge [sflag:s23], $0x2800  }
0xcf: {  	s11 =	sld [smem:$0x7F8]  }
0xd0: {  	[sflag:s23] =	ssyncset.done $0x0  }
0xd1: {  	[sflag:s23] =	ssyncadd.s32 $0xFFFFD800  }
0xd2: {  	[tilespmem:s18], [sflag:$0x3] =	stream.indirect.gather [hbm4b:s4+s14], $0x80, s11, s14, $0xb8;
	[tilespmem:$0x1C400] =	vst v63  }
0xd3: {  	_ =	swait.ge [sflag:s19], $0x2800  }
0xd4: {  	s24 =	sld [smem:$0x7F9]  }
0xd5: {  	[sflag:s19] =	ssyncset.done $0x0  }
0xd6: {  	[sflag:s19] =	ssyncadd.s32 $0xFFFFD800  }
0xd7: {  	[spmem:s2] =	stream.indirect.scatter.add.f32 [tilespmem:s16], [sflag:$0x5], $0x80, s24, s14, $0xb8;
	[tilespmem:$0x1C400] =	vst v63  }
0xd8: {  	_ =	swait.ge [sflag:s20], $0x2800  }
0xd9: {  	s10 =	sld [smem:$0x7FA]  }
0xda: {  	[sflag:s20] =	ssyncset.done $0x0  }
0xdb: {  	[sflag:s20] =	ssyncadd.s32 $0xFFFFD800  }
0xdc: {  	[tilespmem:s15], [sflag:$0x1] =	stream.indirect.gather [hbm4b:s4+s14], $0x80, s10, s14, $0xb8;
	[tilespmem:$0x1C400] =	vst v63  }
0xdd: {  	_ =	swait.ge [sflag:s21], $0x2800  }
0xde: {  	s11 =	sld [smem:$0x7FB]  }
0xdf: {  	[sflag:s21] =	ssyncset.done $0x0  }
0xe0: {  	[sflag:s21] =	ssyncadd.s32 $0xFFFFD800  }
0xe1: {  	[spmem:s2] =	stream.indirect.scatter.add.f32 [tilespmem:s18], [sflag:$0x6], $0x80, s11, s14, $0xb8;
	[tilespmem:$0x1C400] =	vst v63  }
0xe2: {  	_ =	swait.ge [sflag:s22], $0x2800  }
0xe3: {  	s24 =	sld [smem:$0x7FC]  }
0xe4: {  	[sflag:s22] =	ssyncset.done $0x0  }
0xe5: {  	[sflag:s22] =	ssyncadd.s32 $0xFFFFD800  }
0xe6: {  	[tilespmem:s16], [sflag:$0x2] =	stream.indirect.gather [hbm4b:s4+s14], $0x80, s24, s14, $0xb8;
	[tilespmem:$0x1C400] =	vst v63  }
0xe7: {  	_ =	swait.ge [sflag:s17], $0x2800  }
0xe8: {  	[sflag:s17] =	ssyncset.done $0x0  }
0xe9: {  	[sflag:s17] =	ssyncadd.s32 $0xFFFFD800  }
0xea: {  	[spmem:s2] =	stream.indirect.scatter.add.f32 [tilespmem:s15], [sflag:$0x4], $0x80, s25, s14, $0xb8;
	[tilespmem:$0x1C400] =	vst v63  }
0xeb: {  	_ =	swait.ge [sflag:s23], $0x2800  }
0xec: {  	[sflag:s23] =	ssyncset.done $0x0  }
0xed: {  	[sflag:s23] =	ssyncadd.s32 $0xFFFFD800  }
0xee: {  	[tilespmem:s18], [sflag:$0x3] =	stream.indirect.gather [hbm4b:s4+s14], $0x80, s26, s14, $0xb8;
	[tilespmem:$0x1C400] =	vst v63  }
0xef: {  	_ =	swait.ge [sflag:s19], $0x2800  }
0xf0: {  	[sflag:s19] =	ssyncset.done $0x0  }
0xf1: {  	[sflag:s19] =	ssyncadd.s32 $0xFFFFD800  }
0xf2: {  	[spmem:s2] =	stream.indirect.scatter.add.f32 [tilespmem:s16], [sflag:$0x5], $0x80, s28, s14, $0xb8;
	[tilespmem:$0x1C400] =	vst v63  }
0xf3: {  	_ =	swait.ge [sflag:s20], $0x2800  }
0xf4: {  	[sflag:s20] =	ssyncset.done $0x0  }
0xf5: {  	[sflag:s20] =	ssyncadd.s32 $0xFFFFD800  }
0xf6: {  	[tilespmem:s15], [sflag:$0x1] =	stream.indirect.gather [hbm4b:s4+s14], $0x80, s29, s14, $0xb8;
	[tilespmem:$0x1C400] =	vst v63  }
0xf7: {  	_ =	swait.ge [sflag:s21], $0x2800  }
0xf8: {  	[sflag:s21] =	ssyncset.done $0x0  }
0xf9: {  	[sflag:s21] =	ssyncadd.s32 $0xFFFFD800  }
0xfa: {  	[spmem:s2] =	stream.indirect.scatter.add.f32 [tilespmem:s18], [sflag:$0x6], $0x80, s30, s14, $0xb8;
	[tilespmem:$0x1C400] =	vst v63  }
0xfb: {  	_ =	swait.ge [sflag:s22], $0x2800  }
0xfc: {  	[sflag:s22] =	ssyncset.done $0x0  }
0xfd: {  	[sflag:s22] =	ssyncadd.s32 $0xFFFFD800  }
0xfe: {  	[tilespmem:s16], [sflag:$0x2] =	stream.indirect.gather [hbm4b:s4+s14], $0x80, s31, s14, $0xb8;
	[tilespmem:$0x1C400] =	vst v63  }
0xff: {  	_ =	swait.ge [sflag:s17], $0x2800  }
0x100: {  	[sflag:s17] =	ssyncset.done $0x0  }
0x101: {  	[sflag:s17] =	ssyncadd.s32 $0xFFFFD800  }
0x102: {  	[spmem:s2] =	stream.indirect.scatter.add.f32 [tilespmem:s15], [sflag:$0x4], $0x80, s1, s14, $0xb8;
	[tilespmem:$0x1C400] =	vst v63  }
0x103: {  	_ =	swait.ge [sflag:s23], $0x2800  }
0x104: {  	[sflag:s23] =	ssyncset.done $0x0  }
0x105: {  	[sflag:s23] =	ssyncadd.s32 $0xFFFFD800  }
0x106: {  	[tilespmem:s18], [sflag:$0x3] =	stream.indirect.gather [hbm4b:s4+s14], $0x80, s0, s14, $0xb8;
	[tilespmem:$0x1C400] =	vst v63  }
0x107: {  	_ =	swait.ge [sflag:s19], $0x2800  }
0x108: {  	[sflag:s19] =	ssyncset.done $0x0  }
0x109: {  	[sflag:s19] =	ssyncadd.s32 $0xFFFFD800  }
0x10a: {  	[spmem:s2] =	stream.indirect.scatter.add.f32 [tilespmem:s16], [sflag:$0x5], $0x80, s6, s14, $0xb8;
	[tilespmem:$0x1C400] =	vst v63  }
0x10b: {  	_ =	swait.ge [sflag:s20], $0x2800  }
0x10c: {  	[sflag:s20] =	ssyncset.done $0x0  }
0x10d: {  	[sflag:s20] =	ssyncadd.s32 $0xFFFFD800  }
0x10e: {  	[tilespmem:s15], [sflag:$0x1] =	stream.indirect.gather [hbm4b:s4+s14], $0x80, s7, s14, $0xb8;
	[tilespmem:$0x1C400] =	vst v63  }
0x10f: {  	_ =	swait.ge [sflag:s21], $0x2800  }
0x110: {  	[sflag:s21] =	ssyncset.done $0x0  }
0x111: {  	[sflag:s21] =	ssyncadd.s32 $0xFFFFD800  }
0x112: {  	[spmem:s2] =	stream.indirect.scatter.add.f32 [tilespmem:s18], [sflag:$0x6], $0x80, s8, s14, $0xb8;
	[tilespmem:$0x1C400] =	vst v63  }
0x113: {  	_ =	swait.ge [sflag:s22], $0x2800  }
0x114: {  	[sflag:s22] =	ssyncset.done $0x0  }
0x115: {  	[sflag:s22] =	ssyncadd.s32 $0xFFFFD800  }
0x116: {  	_ =	swait.ge [sflag:s17], $0x2800  }
0x117: {  	[sflag:s17] =	ssyncset.done $0x0  }
0x118: {  	[sflag:s17] =	ssyncadd.s32 $0xFFFFD800  }
0x119: {  	[spmem:s2] =	stream.indirect.scatter.add.f32 [tilespmem:s15], [sflag:$0x4], $0x80, s9, s14, $0xb8;
	[tilespmem:$0x1C400] =	vst v63  }
0x11a: {  	_ =	swait.ge [sflag:s23], $0x2800  }
0x11b: {  	[sflag:s23] =	ssyncset.done $0x0  }
0x11c: {  	[sflag:s23] =	ssyncadd.s32 $0xFFFFD800  }
0x11d: {  	s5 =	simm.s32 $0x1F4;
	_ =	swait.ge [sflag:s20], $0x2800  }
0x11e: {  	s11 =	simm.s32 $0xFA;
	s24 =	rddreg [dreg:$0x3];
	[sflag:s20] =	ssyncset.done $0x0  }
.LBB2_2:
0x11f: {  	[sflag:s20] =	ssyncadd.s32 $0xFFFFD800;
	s24 =	sadd.s32 s11, s24  }
0x120: {  	[tilespmem:s3], [sflag:$0x7] =	stream.linear.gather [hbm4b:s24+s3], $0x7D0, $0x38;
	[tilespmem:$0x1C400] =	vst v63  }
0x121: {  	_ =	swait.ge [sflag:s12], $0x7D0  }
0x122: {  	s24 =	rddreg [dreg:$0x4];
	[sflag:s12] =	ssyncset.done $0x0  }
0x123: {  	[sflag:s12] =	ssyncadd.s32 $0xFFFFF830;
	s24 =	sadd.s32 s11, s24  }
0x124: {  	[tilespmem:s13], [sflag:$0x7] =	stream.linear.gather [hbm4b:s24+s3], $0x7D0, $0x38;
	[tilespmem:$0x1C400] =	vst v63  }
0x125: {  	_ =	swait.ge [sflag:s12], $0x7D0  }
0x126: {  	[sflag:s12] =	ssyncset.done $0x0  }
0x127: {  	[sflag:s12] =	ssyncadd.s32 $0xFFFFF830  }
0x128: {  	[tilespmem:s15], [sflag:$0x1] =	stream.indirect.gather [hbm4b:s4+s14], $0x80, s3, s14, $0xb8;
	[tilespmem:$0x1C400] =	vst v63  }
0x129: {  	_ = 	snop  }
0x12a: {  	[tilespmem:s16], [sflag:$0x2] =	stream.indirect.gather [hbm4b:s4+s14], $0x80, s14, s14, $0xb8;
	[tilespmem:$0x1C400] =	vst v63  }
0x12b: {  	_ =	swait.ge [sflag:s17], $0x2800  }
0x12c: {  	[sflag:s17] =	ssyncset.done $0x0  }
0x12d: {  	[sflag:s17] =	ssyncadd.s32 $0xFFFFD800  }
0x12e: {  	[spmem:s2] =	stream.indirect.scatter.add.f32 [tilespmem:s15], [sflag:$0x4], $0x80, s13, s14, $0xb8;
	[tilespmem:$0x1C400] =	vst v63  }
0x12f: {  	s24 =	rddreg [dreg:$0x5]  }
0x130: {  	[tilespmem:s18], [sflag:$0x3] =	stream.indirect.gather [hbm4b:s4+s14], $0x80, s24, s14, $0xb8;
	[tilespmem:$0x1C400] =	vst v63  }
0x131: {  	_ =	swait.ge [sflag:s19], $0x2800  }
0x132: {  	[sflag:s19] =	ssyncset.done $0x0  }
0x133: {  	s24 =	rddreg [dreg:$0x6];
	[sflag:s19] =	ssyncadd.s32 $0xFFFFD800  }
0x134: {  	[spmem:s2] =	stream.indirect.scatter.add.f32 [tilespmem:s16], [sflag:$0x5], $0x80, s24, s14, $0xb8;
	[tilespmem:$0x1C400] =	vst v63  }
0x135: {  	_ =	swait.ge [sflag:s20], $0x2800  }
0x136: {  	[sflag:s20] =	ssyncset.done $0x0  }
0x137: {  	s24 =	rddreg [dreg:$0x7];
	[sflag:s20] =	ssyncadd.s32 $0xFFFFD800  }
0x138: {  	[tilespmem:s15], [sflag:$0x1] =	stream.indirect.gather [hbm4b:s4+s14], $0x80, s24, s14, $0xb8;
	[tilespmem:$0x1C400] =	vst v63  }
0x139: {  	_ =	swait.ge [sflag:s21], $0x2800  }
0x13a: {  	[sflag:s21] =	ssyncset.done $0x0  }
0x13b: {  	s24 =	rddreg [dreg:$0x8];
	[sflag:s21] =	ssyncadd.s32 $0xFFFFD800  }
0x13c: {  	[spmem:s2] =	stream.indirect.scatter.add.f32 [tilespmem:s18], [sflag:$0x6], $0x80, s24, s14, $0xb8;
	[tilespmem:$0x1C400] =	vst v63  }
0x13d: {  	_ =	swait.ge [sflag:s22], $0x2800  }
0x13e: {  	[sflag:s22] =	ssyncset.done $0x0  }
0x13f: {  	s24 =	rddreg [dreg:$0x9];
	[sflag:s22] =	ssyncadd.s32 $0xFFFFD800  }
0x140: {  	[tilespmem:s16], [sflag:$0x2] =	stream.indirect.gather [hbm4b:s4+s14], $0x80, s24, s14, $0xb8;
	[tilespmem:$0x1C400] =	vst v63  }
0x141: {  	_ =	swait.ge [sflag:s17], $0x2800  }
0x142: {  	[sflag:s17] =	ssyncset.done $0x0  }
0x143: {  	s24 =	rddreg [dreg:$0xa];
	[sflag:s17] =	ssyncadd.s32 $0xFFFFD800  }
0x144: {  	[spmem:s2] =	stream.indirect.scatter.add.f32 [tilespmem:s15], [sflag:$0x4], $0x80, s24, s14, $0xb8;
	[tilespmem:$0x1C400] =	vst v63  }
0x145: {  	_ =	swait.ge [sflag:s23], $0x2800  }
0x146: {  	[sflag:s23] =	ssyncset.done $0x0  }
0x147: {  	s24 =	rddreg [dreg:$0xb];
	[sflag:s23] =	ssyncadd.s32 $0xFFFFD800  }
0x148: {  	[tilespmem:s18], [sflag:$0x3] =	stream.indirect.gather [hbm4b:s4+s14], $0x80, s24, s14, $0xb8;
	[tilespmem:$0x1C400] =	vst v63  }
0x149: {  	_ =	swait.ge [sflag:s19], $0x2800  }
0x14a: {  	[sflag:s19] =	ssyncset.done $0x0  }
0x14b: {  	s24 =	rddreg [dreg:$0xc];
	[sflag:s19] =	ssyncadd.s32 $0xFFFFD800  }
0x14c: {  	[spmem:s2] =	stream.indirect.scatter.add.f32 [tilespmem:s16], [sflag:$0x5], $0x80, s24, s14, $0xb8;
	[tilespmem:$0x1C400] =	vst v63  }
0x14d: {  	_ =	swait.ge [sflag:s20], $0x2800  }
0x14e: {  	[sflag:s20] =	ssyncset.done $0x0  }
0x14f: {  	s24 =	rddreg [dreg:$0xd];
	[sflag:s20] =	ssyncadd.s32 $0xFFFFD800  }
0x150: {  	[tilespmem:s15], [sflag:$0x1] =	stream.indirect.gather [hbm4b:s4+s14], $0x80, s24, s14, $0xb8;
	[tilespmem:$0x1C400] =	vst v63  }
0x151: {  	_ =	swait.ge [sflag:s21], $0x2800  }
0x152: {  	[sflag:s21] =	ssyncset.done $0x0  }
0x153: {  	s24 =	rddreg [dreg:$0xe];
	[sflag:s21] =	ssyncadd.s32 $0xFFFFD800  }
0x154: {  	[spmem:s2] =	stream.indirect.scatter.add.f32 [tilespmem:s18], [sflag:$0x6], $0x80, s24, s14, $0xb8;
	[tilespmem:$0x1C400] =	vst v63  }
0x155: {  	_ =	swait.ge [sflag:s22], $0x2800  }
0x156: {  	[sflag:s22] =	ssyncset.done $0x0  }
0x157: {  	s24 =	rddreg [dreg:$0xf];
	[sflag:s22] =	ssyncadd.s32 $0xFFFFD800  }
0x158: {  	[tilespmem:s16], [sflag:$0x2] =	stream.indirect.gather [hbm4b:s4+s14], $0x80, s24, s14, $0xb8;
	[tilespmem:$0x1C400] =	vst v63  }
0x159: {  	_ =	swait.ge [sflag:s17], $0x2800  }
0x15a: {  	[sflag:s17] =	ssyncset.done $0x0  }
0x15b: {  	s24 =	rddreg [dreg:$0x10];
	[sflag:s17] =	ssyncadd.s32 $0xFFFFD800  }
0x15c: {  	[spmem:s2] =	stream.indirect.scatter.add.f32 [tilespmem:s15], [sflag:$0x4], $0x80, s24, s14, $0xb8;
	[tilespmem:$0x1C400] =	vst v63  }
0x15d: {  	_ =	swait.ge [sflag:s23], $0x2800  }
0x15e: {  	[sflag:s23] =	ssyncset.done $0x0  }
0x15f: {  	s24 =	rddreg [dreg:$0x11];
	[sflag:s23] =	ssyncadd.s32 $0xFFFFD800  }
0x160: {  	[tilespmem:s18], [sflag:$0x3] =	stream.indirect.gather [hbm4b:s4+s14], $0x80, s24, s14, $0xb8;
	[tilespmem:$0x1C400] =	vst v63  }
0x161: {  	_ =	swait.ge [sflag:s19], $0x2800  }
0x162: {  	[sflag:s19] =	ssyncset.done $0x0  }
0x163: {  	s24 =	rddreg [dreg:$0x12];
	[sflag:s19] =	ssyncadd.s32 $0xFFFFD800  }
0x164: {  	[spmem:s2] =	stream.indirect.scatter.add.f32 [tilespmem:s16], [sflag:$0x5], $0x80, s24, s14, $0xb8;
	[tilespmem:$0x1C400] =	vst v63  }
0x165: {  	_ =	swait.ge [sflag:s20], $0x2800  }
0x166: {  	[sflag:s20] =	ssyncset.done $0x0  }
0x167: {  	s24 =	rddreg [dreg:$0x13];
	[sflag:s20] =	ssyncadd.s32 $0xFFFFD800  }
0x168: {  	[tilespmem:s15], [sflag:$0x1] =	stream.indirect.gather [hbm4b:s4+s14], $0x80, s24, s14, $0xb8;
	[tilespmem:$0x1C400] =	vst v63  }
0x169: {  	_ =	swait.ge [sflag:s21], $0x2800  }
0x16a: {  	[sflag:s21] =	ssyncset.done $0x0  }
0x16b: {  	s24 =	rddreg [dreg:$0x14];
	[sflag:s21] =	ssyncadd.s32 $0xFFFFD800  }
0x16c: {  	[spmem:s2] =	stream.indirect.scatter.add.f32 [tilespmem:s18], [sflag:$0x6], $0x80, s24, s14, $0xb8;
	[tilespmem:$0x1C400] =	vst v63  }
0x16d: {  	_ =	swait.ge [sflag:s22], $0x2800  }
0x16e: {  	[sflag:s22] =	ssyncset.done $0x0  }
0x16f: {  	s24 =	rddreg [dreg:$0x15];
	[sflag:s22] =	ssyncadd.s32 $0xFFFFD800  }
0x170: {  	[tilespmem:s16], [sflag:$0x2] =	stream.indirect.gather [hbm4b:s4+s14], $0x80, s24, s14, $0xb8;
	[tilespmem:$0x1C400] =	vst v63  }
0x171: {  	_ =	swait.ge [sflag:s17], $0x2800  }
0x172: {  	[sflag:s17] =	ssyncset.done $0x0  }
0x173: {  	s24 =	rddreg [dreg:$0x16];
	[sflag:s17] =	ssyncadd.s32 $0xFFFFD800  }
0x174: {  	[spmem:s2] =	stream.indirect.scatter.add.f32 [tilespmem:s15], [sflag:$0x4], $0x80, s24, s14, $0xb8;
	[tilespmem:$0x1C400] =	vst v63  }
0x175: {  	_ =	swait.ge [sflag:s23], $0x2800  }
0x176: {  	[sflag:s23] =	ssyncset.done $0x0  }
0x177: {  	s24 =	rddreg [dreg:$0x17];
	[sflag:s23] =	ssyncadd.s32 $0xFFFFD800  }
0x178: {  	[tilespmem:s18], [sflag:$0x3] =	stream.indirect.gather [hbm4b:s4+s14], $0x80, s24, s14, $0xb8;
	[tilespmem:$0x1C400] =	vst v63  }
0x179: {  	_ =	swait.ge [sflag:s19], $0x2800  }
0x17a: {  	[sflag:s19] =	ssyncset.done $0x0  }
0x17b: {  	s24 =	rddreg [dreg:$0x18];
	[sflag:s19] =	ssyncadd.s32 $0xFFFFD800  }
0x17c: {  	[spmem:s2] =	stream.indirect.scatter.add.f32 [tilespmem:s16], [sflag:$0x5], $0x80, s24, s14, $0xb8;
	[tilespmem:$0x1C400] =	vst v63  }
0x17d: {  	_ =	swait.ge [sflag:s20], $0x2800  }
0x17e: {  	[sflag:s20] =	ssyncset.done $0x0  }
0x17f: {  	s24 =	rddreg [dreg:$0x19];
	[sflag:s20] =	ssyncadd.s32 $0xFFFFD800  }
0x180: {  	[tilespmem:s15], [sflag:$0x1] =	stream.indirect.gather [hbm4b:s4+s14], $0x80, s24, s14, $0xb8;
	[tilespmem:$0x1C400] =	vst v63  }
0x181: {  	_ =	swait.ge [sflag:s21], $0x2800  }
0x182: {  	[sflag:s21] =	ssyncset.done $0x0  }
0x183: {  	s24 =	rddreg [dreg:$0x1a];
	[sflag:s21] =	ssyncadd.s32 $0xFFFFD800  }
0x184: {  	[spmem:s2] =	stream.indirect.scatter.add.f32 [tilespmem:s18], [sflag:$0x6], $0x80, s24, s14, $0xb8;
	[tilespmem:$0x1C400] =	vst v63  }
0x185: {  	_ =	swait.ge [sflag:s22], $0x2800  }
0x186: {  	[sflag:s22] =	ssyncset.done $0x0  }
0x187: {  	s24 =	rddreg [dreg:$0x1b];
	[sflag:s22] =	ssyncadd.s32 $0xFFFFD800  }
0x188: {  	[tilespmem:s16], [sflag:$0x2] =	stream.indirect.gather [hbm4b:s4+s14], $0x80, s24, s14, $0xb8;
	[tilespmem:$0x1C400] =	vst v63  }
0x189: {  	_ =	swait.ge [sflag:s17], $0x2800  }
0x18a: {  	[sflag:s17] =	ssyncset.done $0x0  }
0x18b: {  	s24 =	rddreg [dreg:$0x1c];
	[sflag:s17] =	ssyncadd.s32 $0xFFFFD800  }
0x18c: {  	[spmem:s2] =	stream.indirect.scatter.add.f32 [tilespmem:s15], [sflag:$0x4], $0x80, s24, s14, $0xb8;
	[tilespmem:$0x1C400] =	vst v63  }
0x18d: {  	_ =	swait.ge [sflag:s23], $0x2800  }
0x18e: {  	[sflag:s23] =	ssyncset.done $0x0  }
0x18f: {  	s24 =	rddreg [dreg:$0x1d];
	[sflag:s23] =	ssyncadd.s32 $0xFFFFD800  }
0x190: {  	[tilespmem:s18], [sflag:$0x3] =	stream.indirect.gather [hbm4b:s4+s14], $0x80, s24, s14, $0xb8;
	[tilespmem:$0x1C400] =	vst v63  }
0x191: {  	_ =	swait.ge [sflag:s19], $0x2800  }
0x192: {  	[sflag:s19] =	ssyncset.done $0x0  }
0x193: {  	s24 =	rddreg [dreg:$0x1e];
	[sflag:s19] =	ssyncadd.s32 $0xFFFFD800  }
0x194: {  	[spmem:s2] =	stream.indirect.scatter.add.f32 [tilespmem:s16], [sflag:$0x5], $0x80, s24, s14, $0xb8;
	[tilespmem:$0x1C400] =	vst v63  }
0x195: {  	_ =	swait.ge [sflag:s20], $0x2800  }
0x196: {  	[sflag:s20] =	ssyncset.done $0x0  }
0x197: {  	s24 =	rddreg [dreg:$0x1f];
	[sflag:s20] =	ssyncadd.s32 $0xFFFFD800  }
0x198: {  	[tilespmem:s15], [sflag:$0x1] =	stream.indirect.gather [hbm4b:s4+s14], $0x80, s24, s14, $0xb8;
	[tilespmem:$0x1C400] =	vst v63  }
0x199: {  	_ =	swait.ge [sflag:s21], $0x2800  }
0x19a: {  	s24 =	sld [smem:$0x7F5]  }
0x19b: {  	[sflag:s21] =	ssyncset.done $0x0  }
0x19c: {  	[sflag:s21] =	ssyncadd.s32 $0xFFFFD800  }
0x19d: {  	[spmem:s2] =	stream.indirect.scatter.add.f32 [tilespmem:s18], [sflag:$0x6], $0x80, s24, s14, $0xb8;
	[tilespmem:$0x1C400] =	vst v63  }
0x19e: {  	_ =	swait.ge [sflag:s22], $0x2800  }
0x19f: {  	s24 =	sld [smem:$0x7F6]  }
0x1a0: {  	[sflag:s22] =	ssyncset.done $0x0  }
0x1a1: {  	[sflag:s22] =	ssyncadd.s32 $0xFFFFD800  }
0x1a2: {  	[tilespmem:s16], [sflag:$0x2] =	stream.indirect.gather [hbm4b:s4+s14], $0x80, s24, s14, $0xb8;
	[tilespmem:$0x1C400] =	vst v63  }
0x1a3: {  	_ =	swait.ge [sflag:s17], $0x2800  }
0x1a4: {  	s24 =	sld [smem:$0x7F7]  }
0x1a5: {  	[sflag:s17] =	ssyncset.done $0x0  }
0x1a6: {  	[sflag:s17] =	ssyncadd.s32 $0xFFFFD800  }
0x1a7: {  	[spmem:s2] =	stream.indirect.scatter.add.f32 [tilespmem:s15], [sflag:$0x4], $0x80, s24, s14, $0xb8;
	[tilespmem:$0x1C400] =	vst v63  }
0x1a8: {  	_ =	swait.ge [sflag:s23], $0x2800  }
0x1a9: {  	s24 =	sld [smem:$0x7F8]  }
0x1aa: {  	[sflag:s23] =	ssyncset.done $0x0  }
0x1ab: {  	[sflag:s23] =	ssyncadd.s32 $0xFFFFD800  }
0x1ac: {  	[tilespmem:s18], [sflag:$0x3] =	stream.indirect.gather [hbm4b:s4+s14], $0x80, s24, s14, $0xb8;
	[tilespmem:$0x1C400] =	vst v63  }
0x1ad: {  	_ =	swait.ge [sflag:s19], $0x2800  }
0x1ae: {  	s24 =	sld [smem:$0x7F9]  }
0x1af: {  	[sflag:s19] =	ssyncset.done $0x0  }
0x1b0: {  	[sflag:s19] =	ssyncadd.s32 $0xFFFFD800  }
0x1b1: {  	[spmem:s2] =	stream.indirect.scatter.add.f32 [tilespmem:s16], [sflag:$0x5], $0x80, s24, s14, $0xb8;
	[tilespmem:$0x1C400] =	vst v63  }
0x1b2: {  	_ =	swait.ge [sflag:s20], $0x2800  }
0x1b3: {  	s24 =	sld [smem:$0x7FA]  }
0x1b4: {  	[sflag:s20] =	ssyncset.done $0x0  }
0x1b5: {  	[sflag:s20] =	ssyncadd.s32 $0xFFFFD800  }
0x1b6: {  	[tilespmem:s15], [sflag:$0x1] =	stream.indirect.gather [hbm4b:s4+s14], $0x80, s24, s14, $0xb8;
	[tilespmem:$0x1C400] =	vst v63  }
0x1b7: {  	_ =	swait.ge [sflag:s21], $0x2800  }
0x1b8: {  	s24 =	sld [smem:$0x7FB]  }
0x1b9: {  	[sflag:s21] =	ssyncset.done $0x0  }
0x1ba: {  	[sflag:s21] =	ssyncadd.s32 $0xFFFFD800  }
0x1bb: {  	[spmem:s2] =	stream.indirect.scatter.add.f32 [tilespmem:s18], [sflag:$0x6], $0x80, s24, s14, $0xb8;
	[tilespmem:$0x1C400] =	vst v63  }
0x1bc: {  	_ =	swait.ge [sflag:s22], $0x2800  }
0x1bd: {  	s24 =	sld [smem:$0x7FC]  }
0x1be: {  	[sflag:s22] =	ssyncset.done $0x0  }
0x1bf: {  	[sflag:s22] =	ssyncadd.s32 $0xFFFFD800  }
0x1c0: {  	[tilespmem:s16], [sflag:$0x2] =	stream.indirect.gather [hbm4b:s4+s14], $0x80, s24, s14, $0xb8;
	[tilespmem:$0x1C400] =	vst v63  }
0x1c1: {  	_ =	swait.ge [sflag:s17], $0x2800  }
0x1c2: {  	[sflag:s17] =	ssyncset.done $0x0  }
0x1c3: {  	[sflag:s17] =	ssyncadd.s32 $0xFFFFD800  }
0x1c4: {  	[spmem:s2] =	stream.indirect.scatter.add.f32 [tilespmem:s15], [sflag:$0x4], $0x80, s25, s14, $0xb8;
	[tilespmem:$0x1C400] =	vst v63  }
0x1c5: {  	_ =	swait.ge [sflag:s23], $0x2800  }
0x1c6: {  	[sflag:s23] =	ssyncset.done $0x0  }
0x1c7: {  	[sflag:s23] =	ssyncadd.s32 $0xFFFFD800  }
0x1c8: {  	[tilespmem:s18], [sflag:$0x3] =	stream.indirect.gather [hbm4b:s4+s14], $0x80, s26, s14, $0xb8;
	[tilespmem:$0x1C400] =	vst v63  }
0x1c9: {  	_ =	swait.ge [sflag:s19], $0x2800  }
0x1ca: {  	[sflag:s19] =	ssyncset.done $0x0  }
0x1cb: {  	[sflag:s19] =	ssyncadd.s32 $0xFFFFD800  }
0x1cc: {  	[spmem:s2] =	stream.indirect.scatter.add.f32 [tilespmem:s16], [sflag:$0x5], $0x80, s28, s14, $0xb8;
	[tilespmem:$0x1C400] =	vst v63  }
0x1cd: {  	_ =	swait.ge [sflag:s20], $0x2800  }
0x1ce: {  	[sflag:s20] =	ssyncset.done $0x0  }
0x1cf: {  	[sflag:s20] =	ssyncadd.s32 $0xFFFFD800  }
0x1d0: {  	[tilespmem:s15], [sflag:$0x1] =	stream.indirect.gather [hbm4b:s4+s14], $0x80, s29, s14, $0xb8;
	[tilespmem:$0x1C400] =	vst v63  }
0x1d1: {  	_ =	swait.ge [sflag:s21], $0x2800  }
0x1d2: {  	[sflag:s21] =	ssyncset.done $0x0  }
0x1d3: {  	[sflag:s21] =	ssyncadd.s32 $0xFFFFD800  }
0x1d4: {  	[spmem:s2] =	stream.indirect.scatter.add.f32 [tilespmem:s18], [sflag:$0x6], $0x80, s30, s14, $0xb8;
	[tilespmem:$0x1C400] =	vst v63  }
0x1d5: {  	_ =	swait.ge [sflag:s22], $0x2800  }
0x1d6: {  	[sflag:s22] =	ssyncset.done $0x0  }
0x1d7: {  	[sflag:s22] =	ssyncadd.s32 $0xFFFFD800  }
0x1d8: {  	[tilespmem:s16], [sflag:$0x2] =	stream.indirect.gather [hbm4b:s4+s14], $0x80, s31, s14, $0xb8;
	[tilespmem:$0x1C400] =	vst v63  }
0x1d9: {  	_ =	swait.ge [sflag:s17], $0x2800  }
0x1da: {  	[sflag:s17] =	ssyncset.done $0x0  }
0x1db: {  	[sflag:s17] =	ssyncadd.s32 $0xFFFFD800  }
0x1dc: {  	[spmem:s2] =	stream.indirect.scatter.add.f32 [tilespmem:s15], [sflag:$0x4], $0x80, s1, s14, $0xb8;
	[tilespmem:$0x1C400] =	vst v63  }
0x1dd: {  	_ =	swait.ge [sflag:s23], $0x2800  }
0x1de: {  	[sflag:s23] =	ssyncset.done $0x0  }
0x1df: {  	[sflag:s23] =	ssyncadd.s32 $0xFFFFD800  }
0x1e0: {  	[tilespmem:s18], [sflag:$0x3] =	stream.indirect.gather [hbm4b:s4+s14], $0x80, s0, s14, $0xb8;
	[tilespmem:$0x1C400] =	vst v63  }
0x1e1: {  	_ =	swait.ge [sflag:s19], $0x2800  }
0x1e2: {  	[sflag:s19] =	ssyncset.done $0x0  }
0x1e3: {  	[sflag:s19] =	ssyncadd.s32 $0xFFFFD800  }
0x1e4: {  	[spmem:s2] =	stream.indirect.scatter.add.f32 [tilespmem:s16], [sflag:$0x5], $0x80, s6, s14, $0xb8;
	[tilespmem:$0x1C400] =	vst v63  }
0x1e5: {  	_ =	swait.ge [sflag:s20], $0x2800  }
0x1e6: {  	[sflag:s20] =	ssyncset.done $0x0  }
0x1e7: {  	[sflag:s20] =	ssyncadd.s32 $0xFFFFD800  }
0x1e8: {  	[tilespmem:s15], [sflag:$0x1] =	stream.indirect.gather [hbm4b:s4+s14], $0x80, s7, s14, $0xb8;
	[tilespmem:$0x1C400] =	vst v63  }
0x1e9: {  	_ =	swait.ge [sflag:s21], $0x2800  }
0x1ea: {  	[sflag:s21] =	ssyncset.done $0x0  }
0x1eb: {  	[sflag:s21] =	ssyncadd.s32 $0xFFFFD800  }
0x1ec: {  	[spmem:s2] =	stream.indirect.scatter.add.f32 [tilespmem:s18], [sflag:$0x6], $0x80, s8, s14, $0xb8;
	[tilespmem:$0x1C400] =	vst v63  }
0x1ed: {  	_ =	swait.ge [sflag:s22], $0x2800  }
0x1ee: {  	[sflag:s22] =	ssyncset.done $0x0  }
0x1ef: {  	[sflag:s22] =	ssyncadd.s32 $0xFFFFD800  }
0x1f0: {  	_ =	swait.ge [sflag:s17], $0x2800  }
0x1f1: {  	[sflag:s17] =	ssyncset.done $0x0  }
0x1f2: {  	p1 =	sne.s32 s5, $0x3E8;
	[sflag:s17] =	ssyncadd.s32 $0xFFFFD800  }
0x1f3: {  	[spmem:s2] =	stream.indirect.scatter.add.f32 [tilespmem:s15], [sflag:$0x4], $0x80, s9, s14, $0xb8;
	[tilespmem:$0x1C400] =	vst v63  }
.Ltmp0:
0x1f4: {  	_ =	swait.ge [sflag:s23], $0x2800;
	(pc) =	sbr.rel @p1 .LBB2_2-.Ltmp0, $4  }
0x1f5: {  	[sflag:s23] =	ssyncset.done $0x0  }
0x1f6: {  	[sflag:s23] =	ssyncadd.s32 $0xFFFFD800  }
0x1f7: {  	s10 =	smov.u32 s5;
	s5 =	sadd.s32 $0xFA, s5;
	_ =	swait.ge [sflag:s20], $0x2800  }
0x1f8: {  	s11 =	smov.u32 s10;
	s24 =	rddreg [dreg:$0x3];
	[sflag:s20] =	ssyncset.done $0x0  }
0x1f9: {  	[sflag:s20] =	ssyncadd.s32 $0xFFFFD800;
	s5 =	sadd.s32 s11, s24  }
0x1fa: {  	[tilespmem:s3], [sflag:$0x7] =	stream.linear.gather [hbm4b:s5+s3], $0x7D0, $0x38;
	[tilespmem:$0x1C400] =	vst v63  }
0x1fb: {  	_ =	swait.ge [sflag:s12], $0x7D0  }
0x1fc: {  	s10 =	rddreg [dreg:$0x4];
	[sflag:s12] =	ssyncset.done $0x0  }
0x1fd: {  	[sflag:s12] =	ssyncadd.s32 $0xFFFFF830;
	s5 =	sadd.s32 s11, s10  }
0x1fe: {  	[tilespmem:s13], [sflag:$0x7] =	stream.linear.gather [hbm4b:s5+s3], $0x7D0, $0x38;
	[tilespmem:$0x1C400] =	vst v63  }
0x1ff: {  	_ =	swait.ge [sflag:s12], $0x7D0  }
0x200: {  	[sflag:s12] =	ssyncset.done $0x0  }
0x201: {  	[sflag:s12] =	ssyncadd.s32 $0xFFFFF830  }
0x202: {  	[tilespmem:s15], [sflag:$0x1] =	stream.indirect.gather [hbm4b:s4+s14], $0x80, s3, s14, $0xb8;
	[tilespmem:$0x1C400] =	vst v63  }
0x203: {  	_ = 	snop  }
0x204: {  	[tilespmem:s16], [sflag:$0x2] =	stream.indirect.gather [hbm4b:s4+s14], $0x80, s14, s14, $0xb8;
	[tilespmem:$0x1C400] =	vst v63  }
0x205: {  	_ =	swait.ge [sflag:s17], $0x2800  }
0x206: {  	[sflag:s17] =	ssyncset.done $0x0  }
0x207: {  	[sflag:s17] =	ssyncadd.s32 $0xFFFFD800  }
0x208: {  	[spmem:s2] =	stream.indirect.scatter.add.f32 [tilespmem:s15], [sflag:$0x4], $0x80, s13, s14, $0xb8;
	[tilespmem:$0x1C400] =	vst v63  }
0x209: {  	s24 =	rddreg [dreg:$0x5]  }
0x20a: {  	[tilespmem:s18], [sflag:$0x3] =	stream.indirect.gather [hbm4b:s4+s14], $0x80, s24, s14, $0xb8;
	[tilespmem:$0x1C400] =	vst v63  }
0x20b: {  	_ =	swait.ge [sflag:s19], $0x2800  }
0x20c: {  	[sflag:s19] =	ssyncset.done $0x0  }
0x20d: {  	s10 =	rddreg [dreg:$0x6];
	[sflag:s19] =	ssyncadd.s32 $0xFFFFD800  }
0x20e: {  	[spmem:s2] =	stream.indirect.scatter.add.f32 [tilespmem:s16], [sflag:$0x5], $0x80, s10, s14, $0xb8;
	[tilespmem:$0x1C400] =	vst v63  }
0x20f: {  	_ =	swait.ge [sflag:s20], $0x2800  }
0x210: {  	[sflag:s20] =	ssyncset.done $0x0  }
0x211: {  	s11 =	rddreg [dreg:$0x7];
	[sflag:s20] =	ssyncadd.s32 $0xFFFFD800  }
0x212: {  	[tilespmem:s15], [sflag:$0x1] =	stream.indirect.gather [hbm4b:s4+s14], $0x80, s11, s14, $0xb8;
	[tilespmem:$0x1C400] =	vst v63  }
0x213: {  	_ =	swait.ge [sflag:s21], $0x2800  }
0x214: {  	[sflag:s21] =	ssyncset.done $0x0  }
0x215: {  	s24 =	rddreg [dreg:$0x8];
	[sflag:s21] =	ssyncadd.s32 $0xFFFFD800  }
0x216: {  	[spmem:s2] =	stream.indirect.scatter.add.f32 [tilespmem:s18], [sflag:$0x6], $0x80, s24, s14, $0xb8;
	[tilespmem:$0x1C400] =	vst v63  }
0x217: {  	_ =	swait.ge [sflag:s22], $0x2800  }
0x218: {  	[sflag:s22] =	ssyncset.done $0x0  }
0x219: {  	s10 =	rddreg [dreg:$0x9];
	[sflag:s22] =	ssyncadd.s32 $0xFFFFD800  }
0x21a: {  	[tilespmem:s16], [sflag:$0x2] =	stream.indirect.gather [hbm4b:s4+s14], $0x80, s10, s14, $0xb8;
	[tilespmem:$0x1C400] =	vst v63  }
0x21b: {  	_ =	swait.ge [sflag:s17], $0x2800  }
0x21c: {  	[sflag:s17] =	ssyncset.done $0x0  }
0x21d: {  	s11 =	rddreg [dreg:$0xa];
	[sflag:s17] =	ssyncadd.s32 $0xFFFFD800  }
0x21e: {  	[spmem:s2] =	stream.indirect.scatter.add.f32 [tilespmem:s15], [sflag:$0x4], $0x80, s11, s14, $0xb8;
	[tilespmem:$0x1C400] =	vst v63  }
0x21f: {  	_ =	swait.ge [sflag:s23], $0x2800  }
0x220: {  	[sflag:s23] =	ssyncset.done $0x0  }
0x221: {  	s24 =	rddreg [dreg:$0xb];
	[sflag:s23] =	ssyncadd.s32 $0xFFFFD800  }
0x222: {  	[tilespmem:s18], [sflag:$0x3] =	stream.indirect.gather [hbm4b:s4+s14], $0x80, s24, s14, $0xb8;
	[tilespmem:$0x1C400] =	vst v63  }
0x223: {  	_ =	swait.ge [sflag:s19], $0x2800  }
0x224: {  	[sflag:s19] =	ssyncset.done $0x0  }
0x225: {  	s10 =	rddreg [dreg:$0xc];
	[sflag:s19] =	ssyncadd.s32 $0xFFFFD800  }
0x226: {  	[spmem:s2] =	stream.indirect.scatter.add.f32 [tilespmem:s16], [sflag:$0x5], $0x80, s10, s14, $0xb8;
	[tilespmem:$0x1C400] =	vst v63  }
0x227: {  	_ =	swait.ge [sflag:s20], $0x2800  }
0x228: {  	[sflag:s20] =	ssyncset.done $0x0  }
0x229: {  	s11 =	rddreg [dreg:$0xd];
	[sflag:s20] =	ssyncadd.s32 $0xFFFFD800  }
0x22a: {  	[tilespmem:s15], [sflag:$0x1] =	stream.indirect.gather [hbm4b:s4+s14], $0x80, s11, s14, $0xb8;
	[tilespmem:$0x1C400] =	vst v63  }
0x22b: {  	_ =	swait.ge [sflag:s21], $0x2800  }
0x22c: {  	[sflag:s21] =	ssyncset.done $0x0  }
0x22d: {  	s24 =	rddreg [dreg:$0xe];
	[sflag:s21] =	ssyncadd.s32 $0xFFFFD800  }
0x22e: {  	[spmem:s2] =	stream.indirect.scatter.add.f32 [tilespmem:s18], [sflag:$0x6], $0x80, s24, s14, $0xb8;
	[tilespmem:$0x1C400] =	vst v63  }
0x22f: {  	_ =	swait.ge [sflag:s22], $0x2800  }
0x230: {  	[sflag:s22] =	ssyncset.done $0x0  }
0x231: {  	s10 =	rddreg [dreg:$0xf];
	[sflag:s22] =	ssyncadd.s32 $0xFFFFD800  }
0x232: {  	[tilespmem:s16], [sflag:$0x2] =	stream.indirect.gather [hbm4b:s4+s14], $0x80, s10, s14, $0xb8;
	[tilespmem:$0x1C400] =	vst v63  }
0x233: {  	_ =	swait.ge [sflag:s17], $0x2800  }
0x234: {  	[sflag:s17] =	ssyncset.done $0x0  }
0x235: {  	s11 =	rddreg [dreg:$0x10];
	[sflag:s17] =	ssyncadd.s32 $0xFFFFD800  }
0x236: {  	[spmem:s2] =	stream.indirect.scatter.add.f32 [tilespmem:s15], [sflag:$0x4], $0x80, s11, s14, $0xb8;
	[tilespmem:$0x1C400] =	vst v63  }
0x237: {  	_ =	swait.ge [sflag:s23], $0x2800  }
0x238: {  	[sflag:s23] =	ssyncset.done $0x0  }
0x239: {  	s24 =	rddreg [dreg:$0x11];
	[sflag:s23] =	ssyncadd.s32 $0xFFFFD800  }
0x23a: {  	[tilespmem:s18], [sflag:$0x3] =	stream.indirect.gather [hbm4b:s4+s14], $0x80, s24, s14, $0xb8;
	[tilespmem:$0x1C400] =	vst v63  }
0x23b: {  	_ =	swait.ge [sflag:s19], $0x2800  }
0x23c: {  	[sflag:s19] =	ssyncset.done $0x0  }
0x23d: {  	s10 =	rddreg [dreg:$0x12];
	[sflag:s19] =	ssyncadd.s32 $0xFFFFD800  }
0x23e: {  	[spmem:s2] =	stream.indirect.scatter.add.f32 [tilespmem:s16], [sflag:$0x5], $0x80, s10, s14, $0xb8;
	[tilespmem:$0x1C400] =	vst v63  }
0x23f: {  	_ =	swait.ge [sflag:s20], $0x2800  }
0x240: {  	[sflag:s20] =	ssyncset.done $0x0  }
0x241: {  	s11 =	rddreg [dreg:$0x13];
	[sflag:s20] =	ssyncadd.s32 $0xFFFFD800  }
0x242: {  	[tilespmem:s15], [sflag:$0x1] =	stream.indirect.gather [hbm4b:s4+s14], $0x80, s11, s14, $0xb8;
	[tilespmem:$0x1C400] =	vst v63  }
0x243: {  	_ =	swait.ge [sflag:s21], $0x2800  }
0x244: {  	[sflag:s21] =	ssyncset.done $0x0  }
0x245: {  	s24 =	rddreg [dreg:$0x14];
	[sflag:s21] =	ssyncadd.s32 $0xFFFFD800  }
0x246: {  	[spmem:s2] =	stream.indirect.scatter.add.f32 [tilespmem:s18], [sflag:$0x6], $0x80, s24, s14, $0xb8;
	[tilespmem:$0x1C400] =	vst v63  }
0x247: {  	_ =	swait.ge [sflag:s22], $0x2800  }
0x248: {  	[sflag:s22] =	ssyncset.done $0x0  }
0x249: {  	s10 =	rddreg [dreg:$0x15];
	[sflag:s22] =	ssyncadd.s32 $0xFFFFD800  }
0x24a: {  	[tilespmem:s16], [sflag:$0x2] =	stream.indirect.gather [hbm4b:s4+s14], $0x80, s10, s14, $0xb8;
	[tilespmem:$0x1C400] =	vst v63  }
0x24b: {  	_ =	swait.ge [sflag:s17], $0x2800  }
0x24c: {  	[sflag:s17] =	ssyncset.done $0x0  }
0x24d: {  	s11 =	rddreg [dreg:$0x16];
	[sflag:s17] =	ssyncadd.s32 $0xFFFFD800  }
0x24e: {  	[spmem:s2] =	stream.indirect.scatter.add.f32 [tilespmem:s15], [sflag:$0x4], $0x80, s11, s14, $0xb8;
	[tilespmem:$0x1C400] =	vst v63  }
0x24f: {  	_ =	swait.ge [sflag:s23], $0x2800  }
0x250: {  	[sflag:s23] =	ssyncset.done $0x0  }
0x251: {  	s24 =	rddreg [dreg:$0x17];
	[sflag:s23] =	ssyncadd.s32 $0xFFFFD800  }
0x252: {  	[tilespmem:s18], [sflag:$0x3] =	stream.indirect.gather [hbm4b:s4+s14], $0x80, s24, s14, $0xb8;
	[tilespmem:$0x1C400] =	vst v63  }
0x253: {  	_ =	swait.ge [sflag:s19], $0x2800  }
0x254: {  	[sflag:s19] =	ssyncset.done $0x0  }
0x255: {  	s10 =	rddreg [dreg:$0x18];
	[sflag:s19] =	ssyncadd.s32 $0xFFFFD800  }
0x256: {  	[spmem:s2] =	stream.indirect.scatter.add.f32 [tilespmem:s16], [sflag:$0x5], $0x80, s10, s14, $0xb8;
	[tilespmem:$0x1C400] =	vst v63  }
0x257: {  	_ =	swait.ge [sflag:s20], $0x2800  }
0x258: {  	[sflag:s20] =	ssyncset.done $0x0  }
0x259: {  	s11 =	rddreg [dreg:$0x19];
	[sflag:s20] =	ssyncadd.s32 $0xFFFFD800  }
0x25a: {  	[tilespmem:s15], [sflag:$0x1] =	stream.indirect.gather [hbm4b:s4+s14], $0x80, s11, s14, $0xb8;
	[tilespmem:$0x1C400] =	vst v63  }
0x25b: {  	_ =	swait.ge [sflag:s21], $0x2800  }
0x25c: {  	[sflag:s21] =	ssyncset.done $0x0  }
0x25d: {  	s24 =	rddreg [dreg:$0x1a];
	[sflag:s21] =	ssyncadd.s32 $0xFFFFD800  }
0x25e: {  	[spmem:s2] =	stream.indirect.scatter.add.f32 [tilespmem:s18], [sflag:$0x6], $0x80, s24, s14, $0xb8;
	[tilespmem:$0x1C400] =	vst v63  }
0x25f: {  	_ =	swait.ge [sflag:s22], $0x2800  }
0x260: {  	[sflag:s22] =	ssyncset.done $0x0  }
0x261: {  	s10 =	rddreg [dreg:$0x1b];
	[sflag:s22] =	ssyncadd.s32 $0xFFFFD800  }
0x262: {  	[tilespmem:s16], [sflag:$0x2] =	stream.indirect.gather [hbm4b:s4+s14], $0x80, s10, s14, $0xb8;
	[tilespmem:$0x1C400] =	vst v63  }
0x263: {  	_ =	swait.ge [sflag:s17], $0x2800  }
0x264: {  	[sflag:s17] =	ssyncset.done $0x0  }
0x265: {  	s11 =	rddreg [dreg:$0x1c];
	[sflag:s17] =	ssyncadd.s32 $0xFFFFD800  }
0x266: {  	[spmem:s2] =	stream.indirect.scatter.add.f32 [tilespmem:s15], [sflag:$0x4], $0x80, s11, s14, $0xb8;
	[tilespmem:$0x1C400] =	vst v63  }
0x267: {  	_ =	swait.ge [sflag:s23], $0x2800  }
0x268: {  	[sflag:s23] =	ssyncset.done $0x0  }
0x269: {  	s24 =	rddreg [dreg:$0x1d];
	[sflag:s23] =	ssyncadd.s32 $0xFFFFD800  }
0x26a: {  	[tilespmem:s18], [sflag:$0x3] =	stream.indirect.gather [hbm4b:s4+s14], $0x80, s24, s14, $0xb8;
	[tilespmem:$0x1C400] =	vst v63  }
0x26b: {  	_ =	swait.ge [sflag:s19], $0x2800  }
0x26c: {  	[sflag:s19] =	ssyncset.done $0x0  }
0x26d: {  	s10 =	rddreg [dreg:$0x1e];
	[sflag:s19] =	ssyncadd.s32 $0xFFFFD800  }
0x26e: {  	[spmem:s2] =	stream.indirect.scatter.add.f32 [tilespmem:s16], [sflag:$0x5], $0x80, s10, s14, $0xb8;
	[tilespmem:$0x1C400] =	vst v63  }
0x26f: {  	_ =	swait.ge [sflag:s20], $0x2800  }
0x270: {  	[sflag:s20] =	ssyncset.done $0x0  }
0x271: {  	s11 =	rddreg [dreg:$0x1f];
	[sflag:s20] =	ssyncadd.s32 $0xFFFFD800  }
0x272: {  	[tilespmem:s15], [sflag:$0x1] =	stream.indirect.gather [hbm4b:s4+s14], $0x80, s11, s14, $0xb8;
	[tilespmem:$0x1C400] =	vst v63  }
0x273: {  	_ =	swait.ge [sflag:s21], $0x2800  }
0x274: {  	s24 =	sld [smem:$0x7F5]  }
0x275: {  	[sflag:s21] =	ssyncset.done $0x0  }
0x276: {  	[sflag:s21] =	ssyncadd.s32 $0xFFFFD800  }
0x277: {  	[spmem:s2] =	stream.indirect.scatter.add.f32 [tilespmem:s18], [sflag:$0x6], $0x80, s24, s14, $0xb8;
	[tilespmem:$0x1C400] =	vst v63  }
0x278: {  	_ =	swait.ge [sflag:s22], $0x2800  }
0x279: {  	s10 =	sld [smem:$0x7F6]  }
0x27a: {  	[sflag:s22] =	ssyncset.done $0x0  }
0x27b: {  	[sflag:s22] =	ssyncadd.s32 $0xFFFFD800  }
0x27c: {  	[tilespmem:s16], [sflag:$0x2] =	stream.indirect.gather [hbm4b:s4+s14], $0x80, s10, s14, $0xb8;
	[tilespmem:$0x1C400] =	vst v63  }
0x27d: {  	_ =	swait.ge [sflag:s17], $0x2800  }
0x27e: {  	s11 =	sld [smem:$0x7F7]  }
0x27f: {  	[sflag:s17] =	ssyncset.done $0x0  }
0x280: {  	[sflag:s17] =	ssyncadd.s32 $0xFFFFD800  }
0x281: {  	[spmem:s2] =	stream.indirect.scatter.add.f32 [tilespmem:s15], [sflag:$0x4], $0x80, s11, s14, $0xb8;
	[tilespmem:$0x1C400] =	vst v63  }
0x282: {  	_ =	swait.ge [sflag:s23], $0x2800  }
0x283: {  	s24 =	sld [smem:$0x7F8]  }
0x284: {  	[sflag:s23] =	ssyncset.done $0x0  }
0x285: {  	[sflag:s23] =	ssyncadd.s32 $0xFFFFD800  }
0x286: {  	[tilespmem:s18], [sflag:$0x3] =	stream.indirect.gather [hbm4b:s4+s14], $0x80, s24, s14, $0xb8;
	[tilespmem:$0x1C400] =	vst v63  }
0x287: {  	_ =	swait.ge [sflag:s19], $0x2800  }
0x288: {  	s10 =	sld [smem:$0x7F9]  }
0x289: {  	[sflag:s19] =	ssyncset.done $0x0  }
0x28a: {  	[sflag:s19] =	ssyncadd.s32 $0xFFFFD800  }
0x28b: {  	[spmem:s2] =	stream.indirect.scatter.add.f32 [tilespmem:s16], [sflag:$0x5], $0x80, s10, s14, $0xb8;
	[tilespmem:$0x1C400] =	vst v63  }
0x28c: {  	_ =	swait.ge [sflag:s20], $0x2800  }
0x28d: {  	s11 =	sld [smem:$0x7FA]  }
0x28e: {  	[sflag:s20] =	ssyncset.done $0x0  }
0x28f: {  	[sflag:s20] =	ssyncadd.s32 $0xFFFFD800  }
0x290: {  	[tilespmem:s15], [sflag:$0x1] =	stream.indirect.gather [hbm4b:s4+s14], $0x80, s11, s14, $0xb8;
	[tilespmem:$0x1C400] =	vst v63  }
0x291: {  	_ =	swait.ge [sflag:s21], $0x2800  }
0x292: {  	s24 =	sld [smem:$0x7FB]  }
0x293: {  	[sflag:s21] =	ssyncset.done $0x0  }
0x294: {  	[sflag:s21] =	ssyncadd.s32 $0xFFFFD800  }
0x295: {  	[spmem:s2] =	stream.indirect.scatter.add.f32 [tilespmem:s18], [sflag:$0x6], $0x80, s24, s14, $0xb8;
	[tilespmem:$0x1C400] =	vst v63  }
0x296: {  	_ =	swait.ge [sflag:s22], $0x2800  }
0x297: {  	s10 =	sld [smem:$0x7FC]  }
0x298: {  	[sflag:s22] =	ssyncset.done $0x0  }
0x299: {  	[sflag:s22] =	ssyncadd.s32 $0xFFFFD800  }
0x29a: {  	[tilespmem:s16], [sflag:$0x2] =	stream.indirect.gather [hbm4b:s4+s14], $0x80, s10, s14, $0xb8;
	[tilespmem:$0x1C400] =	vst v63  }
0x29b: {  	_ =	swait.ge [sflag:s17], $0x2800  }
0x29c: {  	[sflag:s17] =	ssyncset.done $0x0  }
0x29d: {  	[sflag:s17] =	ssyncadd.s32 $0xFFFFD800  }
0x29e: {  	[spmem:s2] =	stream.indirect.scatter.add.f32 [tilespmem:s15], [sflag:$0x4], $0x80, s25, s14, $0xb8;
	[tilespmem:$0x1C400] =	vst v63  }
0x29f: {  	_ =	swait.ge [sflag:s23], $0x2800  }
0x2a0: {  	[sflag:s23] =	ssyncset.done $0x0  }
0x2a1: {  	[sflag:s23] =	ssyncadd.s32 $0xFFFFD800  }
0x2a2: {  	[tilespmem:s18], [sflag:$0x3] =	stream.indirect.gather [hbm4b:s4+s14], $0x80, s26, s14, $0xb8;
	[tilespmem:$0x1C400] =	vst v63  }
0x2a3: {  	_ =	swait.ge [sflag:s19], $0x2800  }
0x2a4: {  	[sflag:s19] =	ssyncset.done $0x0  }
0x2a5: {  	[sflag:s19] =	ssyncadd.s32 $0xFFFFD800  }
0x2a6: {  	[spmem:s2] =	stream.indirect.scatter.add.f32 [tilespmem:s16], [sflag:$0x5], $0x80, s28, s14, $0xb8;
	[tilespmem:$0x1C400] =	vst v63  }
0x2a7: {  	_ =	swait.ge [sflag:s20], $0x2800  }
0x2a8: {  	[sflag:s20] =	ssyncset.done $0x0  }
0x2a9: {  	[sflag:s20] =	ssyncadd.s32 $0xFFFFD800  }
0x2aa: {  	[tilespmem:s15], [sflag:$0x1] =	stream.indirect.gather [hbm4b:s4+s14], $0x80, s29, s14, $0xb8;
	[tilespmem:$0x1C400] =	vst v63  }
0x2ab: {  	_ =	swait.ge [sflag:s21], $0x2800  }
0x2ac: {  	[sflag:s21] =	ssyncset.done $0x0  }
0x2ad: {  	[sflag:s21] =	ssyncadd.s32 $0xFFFFD800  }
0x2ae: {  	[spmem:s2] =	stream.indirect.scatter.add.f32 [tilespmem:s18], [sflag:$0x6], $0x80, s30, s14, $0xb8;
	[tilespmem:$0x1C400] =	vst v63  }
0x2af: {  	_ =	swait.ge [sflag:s22], $0x2800  }
0x2b0: {  	[sflag:s22] =	ssyncset.done $0x0  }
0x2b1: {  	[sflag:s22] =	ssyncadd.s32 $0xFFFFD800  }
0x2b2: {  	[tilespmem:s16], [sflag:$0x2] =	stream.indirect.gather [hbm4b:s4+s14], $0x80, s31, s14, $0xb8;
	[tilespmem:$0x1C400] =	vst v63  }
0x2b3: {  	_ =	swait.ge [sflag:s17], $0x2800  }
0x2b4: {  	[sflag:s17] =	ssyncset.done $0x0  }
0x2b5: {  	[sflag:s17] =	ssyncadd.s32 $0xFFFFD800  }
0x2b6: {  	[spmem:s2] =	stream.indirect.scatter.add.f32 [tilespmem:s15], [sflag:$0x4], $0x80, s1, s14, $0xb8;
	[tilespmem:$0x1C400] =	vst v63  }
0x2b7: {  	_ =	swait.ge [sflag:s23], $0x2800  }
0x2b8: {  	[sflag:s23] =	ssyncset.done $0x0  }
0x2b9: {  	[sflag:s23] =	ssyncadd.s32 $0xFFFFD800  }
0x2ba: {  	[tilespmem:s18], [sflag:$0x3] =	stream.indirect.gather [hbm4b:s4+s14], $0x80, s0, s14, $0xb8;
	[tilespmem:$0x1C400] =	vst v63  }
0x2bb: {  	_ =	swait.ge [sflag:s19], $0x2800  }
0x2bc: {  	[sflag:s19] =	ssyncset.done $0x0  }
0x2bd: {  	[sflag:s19] =	ssyncadd.s32 $0xFFFFD800  }
0x2be: {  	[spmem:s2] =	stream.indirect.scatter.add.f32 [tilespmem:s16], [sflag:$0x5], $0x80, s6, s14, $0xb8;
	[tilespmem:$0x1C400] =	vst v63  }
0x2bf: {  	_ =	swait.ge [sflag:s20], $0x2800  }
0x2c0: {  	[sflag:s20] =	ssyncset.done $0x0  }
0x2c1: {  	[sflag:s20] =	ssyncadd.s32 $0xFFFFD800  }
0x2c2: {  	[tilespmem:s15], [sflag:$0x1] =	stream.indirect.gather [hbm4b:s4+s14], $0x80, s7, s14, $0xb8;
	[tilespmem:$0x1C400] =	vst v63  }
0x2c3: {  	_ =	swait.ge [sflag:s21], $0x2800  }
0x2c4: {  	[sflag:s21] =	ssyncset.done $0x0  }
0x2c5: {  	[sflag:s21] =	ssyncadd.s32 $0xFFFFD800  }
0x2c6: {  	[spmem:s2] =	stream.indirect.scatter.add.f32 [tilespmem:s18], [sflag:$0x6], $0x80, s8, s14, $0xb8;
	[tilespmem:$0x1C400] =	vst v63  }
0x2c7: {  	_ =	swait.ge [sflag:s22], $0x2800  }
0x2c8: {  	[sflag:s22] =	ssyncset.done $0x0  }
0x2c9: {  	[sflag:s22] =	ssyncadd.s32 $0xFFFFD800  }
0x2ca: {  	_ =	swait.ge [sflag:s17], $0x2800  }
0x2cb: {  	[sflag:s17] =	ssyncset.done $0x0  }
0x2cc: {  	[sflag:s17] =	ssyncadd.s32 $0xFFFFD800  }
0x2cd: {  	[spmem:s2] =	stream.indirect.scatter.add.f32 [tilespmem:s15], [sflag:$0x4], $0x80, s9, s14, $0xb8;
	[tilespmem:$0x1C400] =	vst v63  }
0x2ce: {  	_ =	swait.ge [sflag:s23], $0x2800  }
0x2cf: {  	[sflag:s23] =	ssyncset.done $0x0  }
0x2d0: {  	[sflag:s23] =	ssyncadd.s32 $0xFFFFD800  }
0x2d1: {  	_ =	swait.ge [sflag:s20], $0x2800  }
0x2d2: {  	[sflag:s20] =	ssyncset.done $0x0  }
0x2d3: {  	[sflag:s20] =	ssyncadd.s32 $0xFFFFD800  }
0x2d4: {  	[bflag:$0x0] =	sbarrier.arrive $0xFFFF  }
0x2d5: {  	s10 =	sld [smem:$0x7F3]  }
0x2d6: {  	s11 =	stileid.u32;
	s24 =	sld [smem:$0x7FD]  }
0x2d7: {  	s5 =	sshll.u32 s11, $0x6  }
0x2d8: {  	s5 =	sor.u32 $0x1C07, s5;
	s10 =	sshrl.u32 s10, $0x3  }
0x2d9: {  	[hbm:s24], [sflag:s5] =	dma.local [spmem:s10], $0x2780  }
0x2da: {  	_ =	swait.ge [sflag:s12], $0x2780  }
0x2db: {  	s11 =	sld [smem:$0x7ED]  }
0x2dc: {  	s24 =	sld [smem:$0x7F0];
	_ =	sdelay $0x1  }
0x2dd: {  	s10 =	sadd.s32 $0x1, s11  }
0x2de: {  	p1 =	sne.s32 s10, s24  }
.Ltmp1:
0x2df: {  	_ = 	snop;
	(pc) =	sbr.rel @p1 .LBB2_1-.Ltmp1, $3  }
0x2e0: {  	_ =	sdelay $0x1  }
0x2e1: {  	[sflag:s12] =	ssyncset.done $0x0  }
0x2e2: {  	[sflag:s12] =	ssyncadd.s32 $0xFFFFD880  }
0x2e3: {  	_ =	sfence.sel $0x180000  }
0x2e4: {  	[bflag:$0x0] =	sbarrier.arrive $0xFFFF  }
0x2e5: {  	_ =	strace $0x9000004A  }
0x2e6: {  	s0 =	stileid.u32;
	[bflag:$0x2] =	sbarrier.arrive $0xFFFF  }
0x2e7: {  	p0 =	sne.s32 s0, $0x0;
	s0 =	rddreg [dreg:$0x2]  }
0x2e8: {  	s0 =	sadd.s32 @!p0 $0x100000, s0  }
0x2e9: {  	[sflag:s0] =	ssyncadd.tile.s32 @!p0 $0x1;
	_ =	shalt  }
.Lfunc_end2:
_tile_overlayer_lowered:
.L_overlay_start_2:
0x2ea: {  	(tag) =	ssettag $0x2  }
0x2eb: {  	s0 =	rddreg [dreg:$0x0];
	s2 =	stileid.u32  }
0x2ec: {  	s1 =	rddreg [dreg:$0x1];
	p0 =	sne.s32 s2, $0x0  }
0x2ed: {  	s3 =	rddreg [dreg:$0x2];
	[bflag:$0x3] =	sbarrier.arrive $0xFFFF;
	s2 =	simm.s32 @!p0 $0x1C07  }
0x2ee: {  	[timem:s3], [sflag:s2] =	dma.local @!p0 [hbm:s0], s1  }
0x2ef: {  	s0 =	simm.s32 @!p0 $0x7  }
0x2f0: {  	_ =	swait.ge @!p0 [sflag:s0], s1  }
0x2f1: {  	s1 =	ssub.s32 @!p0 $0x0, s1;
	[sflag:s0] =	ssyncset.done @!p0 $0x0  }
0x2f2: {  	[sflag:s0] =	ssyncadd.s32 @!p0 s1  }
0x2f3: {  	[bflag:$0x3] =	sbarrier.arrive $0xFFFF  }
0x2f4: {  	_ =	shalt  }

// kernel: kernel.14.cloned.1.call-start
scs
__scs_entry_jumppad:
0x0: {  	(pc) =	sbr.rel $0x88, $3  }
0x1: {  	(tag) =	ssettag $0x0;
	lr =	simm.s32 $0x1  }
0x2: {  	[smem:$0x3F91] =	sst lr;
	_ =	strace $0xD0000000  }
0x3: {  	_ = 	snop  }
0x4: {  	_ = 	snop  }
0x5: {  	_ = 	snop  }
0x6: {  	_ = 	snop  }
0x7: {  	_ = 	snop  }
__scs_overlays_trampoline_lowered:
0x8: {  	[smem:$0x3FA0] =	sst s0  }
0x9: {  	[smem:$0x3FA1] =	sst s1  }
0xa: {  	[smem:$0x3FA2] =	sst s2  }
0xb: {  	[smem:$0x3FA3] =	sst s3  }
0xc: {  	[smem:$0x3FA4] =	sst s4  }
0xd: {  	[smem:$0x3FA5] =	sst s5  }
0xe: {  	[smem:$0x3FA6] =	sst s6  }
0xf: {  	[smem:$0x3FA7] =	sst s7  }
0x10: {  	[smem:$0x3FA8] =	sst s8  }
0x11: {  	[smem:$0x3FA9] =	sst s9;
	s0 =	simm.s32 @!p0 $0x0  }
0x12: {  	s1 =	sld [smem:$0x3F8F];
	s0 =	simm.s32 @p0 $0x1  }
0x13: {  	[smem:$0x3FAA] =	sst s0;
	s0 =	simm.s32 @!p1 $0x0  }
0x14: {  	s2 =	sld [smem:$0x3F8E];
	s0 =	simm.s32 @p1 $0x1  }
0x15: {  	[smem:$0x3FAB] =	sst s0;
	s0 =	simm.s32 @!p2 $0x0  }
0x16: {  	s3 =	sld [smem:$0x3FDB];
	s0 =	simm.s32 @p2 $0x1  }
0x17: {  	s4 =	simm.s32 $0x1BF5;
	[smem:$0x3FAD] =	sst s0  }
0x18: {  	s0 =	sld [smem:$0x3F90];
	_ =	swait.ge [sflag:s4], $0x0  }
0x19: {  	s7 =	sld [smem:$0x3F91]  }
0x1a: {  	s8 =	sadd.s32 $0xFFFFE003, lr  }
0x1b: {  	s9 =	sadd.s32 $0xFFFFFEF7, lr;
	s5 =	simm.s32 $0xFFFFFFFF;
	p2 =	slt.u32 s8, $0xFFFFF086  }
0x1c: {  	p1 =	slt.u32 s9, $0xF7A;
	s5 =	simm.s32 @!p2 $0x0  }
0x1d: {  	s5 =	simm.s32 @p1 $0x1;
	p0 =	seq.s32 s7, s2  }
0x1e: {  	s7 =	smul.u32 @!p0 $0xF7A, s2;
	p2 =	seq.s32 @!p0 s5, $0x0  }
0x1f: {  	s9 =	smul.u32 $0xF7A, s1;
	s8 =	simm.s32 @!p0 $0x1BF5;
	p2 =	por !p2, p0  }
0x20: {  	[sflag:s8] =	ssyncset.s32 @!p0 $0xFFFFF086;
	s6 =	sadd.s32 @!p0 s3, s7;
	s7 =	simm.s32 @!p0 $0x108  }
0x21: {  	s3 =	sadd.s32 s3, s9;
	s6 =	sadd.s32 @!p0 $0x88, s6;
	s7 =	simm.s32 @p2 $0x1082  }
0x22: {  	[simem:s7], [sflag:s8] =	dma.local @!p0 [hbm:s6], $0xF7A  }
0x23: {  	s9 =	sor.u32 $0xD0000000, s2;
	s6 =	simm.s32 $0x108;
	_ =	swait.ge @!p0 [sflag:s8], $0x0  }
0x24: {  	s3 =	sadd.s32 $0x88, s3;
	s6 =	simm.s32 @!p1 $0x1082;
	[sflag:s4] =	ssyncset.s32 $0xFFFFF086  }
0x25: {  	[simem:s6], [sflag:s4] =	dma.local [hbm:s3], $0xF7A  }
0x26: {  	[smem:$0x3F91] =	sst s1;
	(tag) =	ssettag s2;
	_ =	strace s9  }
0x27: {  	s1 =	sld [smem:$0x3FA1]  }
0x28: {  	s2 =	sld [smem:$0x3FA2]  }
0x29: {  	s4 =	sld [smem:$0x3FA4]  }
0x2a: {  	p0 =	seq.s32 s5, $0x0;
	s5 =	sld [smem:$0x3FA5]  }
0x2b: {  	s6 =	sld [smem:$0x3FA6]  }
0x2c: {  	s7 =	sld [smem:$0x3FA7]  }
0x2d: {  	s3 =	simm.s32 $0x108;
	s8 =	sld [smem:$0x3FA8]  }
0x2e: {  	s3 =	simm.s32 @!p0 $0x1082;
	s9 =	sld [smem:$0x3FA9]  }
0x2f: {  	lr =	sadd.s32 s0, s3;
	s0 =	sld [smem:$0x3FA0]  }
0x30: {  	s3 =	sld [smem:$0x3FA3]  }
0x31: {  	[smem:$0x3FAC] =	sst s10  }
0x32: {  	s10 =	sld [smem:$0x3FAA];
	_ =	sdelay $0x3  }
0x33: {  	p0 =	seq.s32 s10, $0x1;
	s10 =	sld [smem:$0x3FAC];
	_ =	sdelay $0x3  }
0x34: {  	[smem:$0x3FAC] =	sst s10  }
0x35: {  	s10 =	sld [smem:$0x3FAB];
	_ =	sdelay $0x3  }
0x36: {  	p1 =	seq.s32 s10, $0x1;
	s10 =	sld [smem:$0x3FAC];
	_ =	sdelay $0x3  }
0x37: {  	[smem:$0x3FAC] =	sst s10  }
0x38: {  	s10 =	sld [smem:$0x3FAD]  }
0x39: {  	_ = 	snop;
	(pc) =	sbr.ind lr, $3  }
0x3a: {  	_ = 	snop  }
0x3b: {  	_ = 	snop  }
0x3c: {  	p2 =	seq.s32 s10, $0x1;
	s10 =	sld [smem:$0x3FAC]  }
0x3d: {  	_ =	shalt  }
0x3e: {  	_ =	shalt  }
0x3f: {  	_ =	shalt  }
0x40: {  	_ =	shalt  }
0x41: {  	_ =	shalt  }
0x42: {  	_ =	shalt  }
0x43: {  	_ =	shalt  }
0x44: {  	_ =	shalt  }
0x45: {  	_ =	shalt  }
0x46: {  	_ =	shalt  }
0x47: {  	_ =	shalt  }
0x48: {  	_ =	shalt  }
0x49: {  	_ =	shalt  }
0x4a: {  	_ =	shalt  }
0x4b: {  	_ =	shalt  }
0x4c: {  	_ =	shalt  }
0x4d: {  	_ =	shalt  }
0x4e: {  	_ =	shalt  }
0x4f: {  	_ =	shalt  }
0x50: {  	_ =	shalt  }
0x51: {  	_ =	shalt  }
0x52: {  	_ =	shalt  }
0x53: {  	_ =	shalt  }
0x54: {  	_ =	shalt  }
0x55: {  	_ =	shalt  }
0x56: {  	_ =	shalt  }
0x57: {  	_ =	shalt  }
0x58: {  	_ =	shalt  }
0x59: {  	_ =	shalt  }
0x5a: {  	_ =	shalt  }
0x5b: {  	_ =	shalt  }
0x5c: {  	_ =	shalt  }
0x5d: {  	_ =	shalt  }
0x5e: {  	_ =	shalt  }
0x5f: {  	_ =	shalt  }
0x60: {  	_ =	shalt  }
0x61: {  	_ =	shalt  }
0x62: {  	_ =	shalt  }
0x63: {  	_ =	shalt  }
0x64: {  	_ =	shalt  }
0x65: {  	_ =	shalt  }
0x66: {  	_ =	shalt  }
0x67: {  	_ =	shalt  }
0x68: {  	_ =	shalt  }
0x69: {  	_ =	shalt  }
0x6a: {  	_ =	shalt  }
0x6b: {  	_ =	shalt  }
0x6c: {  	_ =	shalt  }
0x6d: {  	_ =	shalt  }
0x6e: {  	_ =	shalt  }
0x6f: {  	_ =	shalt  }
0x70: {  	_ =	shalt  }
0x71: {  	_ =	shalt  }
0x72: {  	_ =	shalt  }
0x73: {  	_ =	shalt  }
0x74: {  	_ =	shalt  }
0x75: {  	_ =	shalt  }
0x76: {  	_ =	shalt  }
0x77: {  	_ =	shalt  }
0x78: {  	_ =	shalt  }
0x79: {  	_ =	shalt  }
0x7a: {  	_ =	shalt  }
0x7b: {  	_ =	shalt  }
0x7c: {  	_ =	shalt  }
0x7d: {  	_ =	shalt  }
0x7e: {  	_ =	shalt  }
0x7f: {  	_ =	shalt  }
0x80: {  	_ =	shalt  }
0x81: {  	_ =	shalt  }
0x82: {  	_ =	shalt  }
0x83: {  	_ =	shalt  }
0x84: {  	_ =	shalt  }
0x85: {  	_ =	shalt  }
0x86: {  	_ =	shalt  }
0x87: {  	_ =	shalt  }
.Lfunc_end0:
.L_simem_size_0:
called_computation.2_lowered:
.L_overlay_start_0:
0x88: {  	s2 =	sld [smem:$0x3FD9]  }
0x89: {  	s3 =	sld [smem:$0x3FFE];
	_ =	sdelay $0x1  }
0x8a: {  	s1 =	srdreg.scid  }
0x8b: {  	s0 =	sand.u32 $0x1, s1  }
0x8c: {  	s16 =	sshll.u32 s0, $0xA;
	s2 =	sadd.s32 s3, s2  }
0x8d: {  	s2 =	sadd.s32 s2, s16  }
0x8e: {  	[smem:$0x3FB8] =	sst s2  }
0x8f: {  	_ = 	snop  }
0x90: {  	(tm) =	ssettm $0x1  }
0x91: {  	s17 =	sld [smem:$0x3FFB];
	_ =	sdelay $0x3  }
0x92: {  	_ =	strace s17  }
0x93: {  	s2 =	sld [smem:$0x3FFC];
	_ =	sdelay $0x3  }
0x94: {  	_ =	strace s2  }
0x95: {  	s2 =	sld [smem:$0x3FFD];
	_ =	sdelay $0x3  }
0x96: {  	_ =	strace s2  }
0x97: {  	_ =	strace $0x8FFFFFFF  }
0x98: {  	s18 =	sld [smem:$0x3FDB];
	_ =	sdelay $0x1  }
0x99: {  	s19 =	simm.s32 $_scs_section_size  }
0x9a: {  	s4 =	simm.s32 $_size__tile_overlayer_lowered;
	s5 =	simm.s32 $_tile_overlayer_lowered  }
0x9b: {  	s22 =	simm.s32 $0x1BFF;
	s21 =	sshll.u32 s5, $0x1;
	s2 =	sadd.s32 s19, s18  }
0x9c: {  	s6 =	simm.s32 $0x0;
	s20 =	sshll.u32 s4, $0x1;
	s4 =	sadd.s32 s21, s2  }
0x9d: {  	[timem:s6], [sflag:s22] =	dma.local [hbm:s4], s20  }
0x9e: {  	_ =	swait.ge [sflag:s22], s20  }
0x9f: {  	s3 =	ssub.s32 $0x0, s20;
	[sflag:s22] =	ssyncset.done $0x0  }
0xa0: {  	[sflag:s22] =	ssyncadd.s32 s3;
	_ =	sdelay $0x1  }
0xa1: {  	s23 =	simm.s32 $0x1B8B  }
0xa2: {  	_ =	swait.ge [sflag:s23], $0x1  }
0xa3: {  	[sflag:s23] =	ssyncset.done $0x0  }
0xa4: {  	s25 =	simm.s32 $0x1B8E;
	s24 =	sld [smem:$0x3FFE];
	[sflag:s23] =	ssyncadd.s32 $0xFFFFFFFF  }
0xa5: {  	s26 =	simm.s32 $execute0_lowered;
	[smem:$0x3FD2] =	sst s25  }
0xa6: {  	s4 =	sshll.u32 s26, $0x1;
	_ =	strace $0x8000004C;
	[dreg:$0x1] =	wrdreg $0xFFFFFFFF  }
0xa7: {  	s28 =	simm.s32 $_size_execute0_lowered;
	s2 =	sadd.s32 s2, s4;
	[dreg:$0x0] =	wrdreg $0x0  }
0xa8: {  	s4 =	sshll.u32 s28, $0x1;
	[dreg:$0x2] =	wrdreg s2  }
0xa9: {  	[dreg:$0x3] =	wrdreg s4  }
0xaa: {  	[dreg:$0x4] =	wrdreg $0xC0  }
0xab: {  	_ =	task [dreg:s6], $0x5FFFF  }
0xac: {  	[dreg:$0x1] =	wrdreg $0xFFFFFFFF  }
0xad: {  	[dreg:$0x0] =	wrdreg $0x60  }
0xae: {  	[dreg:$0x2] =	wrdreg s24  }
0xaf: {  	[dreg:$0x3] =	wrdreg $0x88000  }
0xb0: {  	[dreg:$0x4] =	wrdreg $0x9  }
0xb1: {  	_ =	task.clear_ibuf [dreg:s6], $0x5FFFF;
	_ =	strace $0x9000004C  }
0xb2: {  	s29 =	simm.s32 $0x9;
	_ =	strace $0x8000004E  }
0xb3: {  	_ =	swait.ge [sflag:s29], $0x1  }
0xb4: {  	[sflag:s29] =	ssyncadd.s32 $0xFFFFFFFF  }
0xb5: {  	_ =	strace $0x9000004E  }
0xb6: {  	_ =	sfence  }
0xb7: {  	s30 =	sld [smem:$0x0];
	_ =	sdelay $0x2  }
0xb8: {  	s31 =	sshll.u32 s1, $0xD;
	s1 =	sshrl.u32 s1, $0x2  }
0xb9: {  	s3 =	sand.u32 $0x4000, s31;
	s1 =	sadd.s32 s1, s30  }
0xba: {  	s0 =	sor.u32 s3, s0;
	s1 =	sshll.u32 s1, $0x11  }
0xbb: {  	s0 =	sor.u32 s1, s0  }
0xbc: {  	s0 =	sadd.s32 $0x8F2B, s0  }
0xbd: {  	[sflag:s0] =	ssyncadd.remote.s32 $0x1  }
0xbe: {  	_ =	sfence.sel $0xFFFF  }
0xbf: {  	[dreg:$0x0] =	wrdreg $0xFFFFFFFF;
	(pc) =	sbr.abs _section_cstart, $3  }
0xc0: {  	[dreg:$0x1] =	wrdreg $0xFFFFFFFF  }
0xc1: {  	_ =	task.clear_ibuf [dreg:s6], $0x2FFFF;
	_ =	strace $0x9FFFFFFF  }
0xc2: {  	(tm) =	ssettm $0x7FFFFFFF  }
0xc3: {  	_ =	shalt  }
tec
execute0_lowered:
.L_overlay_start_1:
0x0: {  	(tag) =	ssettag $0x1  }
0x1: {  	s1 =	rddreg [dreg:$0x0]  }
0x2: {  	s2 =	rddreg [dreg:$0x1];
	s3 =	simm.s32 $0x0  }
0x3: {  	s25 =	simm.s32 $0xA0;
	[smem:$0x7FF] =	sst s3  }
0x4: {  	s26 =	simm.s32 $0x850;
	_ =	strace $0x8000004D;
	[dreg:$0x5] =	wrdreg s25  }
0x5: {  	s7 =	simm.s32 $0x140;
	[dreg:$0x6] =	wrdreg s26  }
0x6: {  	s8 =	simm.s32 $0x8F0;
	[dreg:$0x9] =	wrdreg s7  }
0x7: {  	s11 =	simm.s32 $0x190;
	[dreg:$0xa] =	wrdreg s8  }
0x8: {  	s12 =	simm.s32 $0x940;
	[dreg:$0xb] =	wrdreg s11  }
0x9: {  	s13 =	simm.s32 $0x1E0;
	[dreg:$0xc] =	wrdreg s12  }
0xa: {  	s14 =	simm.s32 $0x990;
	[dreg:$0xd] =	wrdreg s13  }
0xb: {  	s0 =	srdreg.scid;
	s15 =	simm.s32 $0x230;
	[dreg:$0xe] =	wrdreg s14  }
0xc: {  	s9 =	stileid.u32;
	s16 =	simm.s32 $0x9E0;
	[dreg:$0xf] =	wrdreg s15  }
0xd: {  	s17 =	simm.s32 $0x280;
	s19 =	simm.s32 $0xA30;
	[dreg:$0x10] =	wrdreg s16  }
0xe: {  	s20 =	simm.s32 $0x2D0;
	s21 =	simm.s32 $0xA80;
	[dreg:$0x11] =	wrdreg s17  }
0xf: {  	s23 =	simm.s32 $0x320;
	s28 =	simm.s32 $0xDF0;
	[dreg:$0x12] =	wrdreg s19  }
0x10: {  	s29 =	simm.s32 $0x690;
	s30 =	simm.s32 $0xE40;
	[dreg:$0x13] =	wrdreg s20  }
0x11: {  	s31 =	simm.s32 $0x6E0;
	s0 =	sand.u32 $0x1, s0;
	[dreg:$0x14] =	wrdreg s21  }
0x12: {  	s4 =	smul.u32 $0x4E20, s9;
	[dreg:$0x15] =	wrdreg s23;
	s25 =	simm.s32 $0x370  }
0x13: {  	s24 =	sadd.s32 $0x3600, s1;
	s26 =	simm.s32 $0xB20;
	[dreg:$0x17] =	wrdreg s25  }
0x14: {  	p0 =	seq.s32 s9, $0xF;
	s12 =	simm.s32 $0x3C0;
	[dreg:$0x18] =	wrdreg s26  }
0x15: {  	s5 =	smul.u32 $0x2710, s0;
	s13 =	simm.s32 $0xB70;
	[dreg:$0x19] =	wrdreg s12  }
0x16: {  	s10 =	smul.u32 $0x27800, s0;
	s14 =	simm.s32 $0x410;
	[dreg:$0x1a] =	wrdreg s13  }
0x17: {  	s0 =	ssub.s32 $0x2, s0;
	s15 =	simm.s32 $0xBC0;
	[dreg:$0x1b] =	wrdreg s14  }
0x18: {  	s8 =	smul.u32 $0x4F000, s9;
	s16 =	simm.s32 $0x460;
	[dreg:$0x1c] =	wrdreg s15  }
0x19: {  	s17 =	simm.s32 $0xC10;
	s19 =	simm.s32 $0xC60;
	[dreg:$0x1d] =	wrdreg s16  }
0x1a: {  	s20 =	simm.s32 $0x500;
	s21 =	simm.s32 $0xCB0;
	[dreg:$0x1e] =	wrdreg s17  }
0x1b: {  	s23 =	simm.s32 $0xD00;
	s7 =	sshrl.u32 s0, $0x1;
	[smem:$0x7F5] =	sst s19  }
0x1c: {  	s12 =	simm.s32 $0x7;
	s13 =	simm.s32 $0x800;
	[smem:$0x7F6] =	sst s20  }
0x1d: {  	s14 =	simm.s32 $0x50;
	s15 =	simm.s32 $0x1000;
	[smem:$0x7F7] =	sst s21  }
0x1e: {  	s16 =	simm.s32 $0x3800;
	s17 =	simm.s32 $0x1;
	[smem:$0x7F9] =	sst s23  }
0x1f: {  	s19 =	simm.s32 $0x2;
	s25 =	simm.s32 $0xD50;
	s20 =	simm.s32 $0x4  }
0x20: {  	s26 =	simm.s32 $0x5F0;
	s21 =	simm.s32 $0x3;
	s23 =	simm.s32 $0x6  }
0x21: {  	s4 =	sadd.s32 s5, s4;
	s5 =	simm.s32 $0xF0;
	s7 =	ssub.s32 s0, s7  }
0x22: {  	s18 =	sshrl.u32 s8, $0x2;
	s0 =	smul.u32 $0x2780, s9;
	[smem:$0x7FB] =	sst s25  }
0x23: {  	s8 =	sadd.s32 $0x128400, s2;
	[smem:$0x7FC] =	sst s26;
	s25 =	simm.s32 $0xDA0  }
0x24: {  	s6 =	sshrl.u32 s4, $0x3;
	[dreg:$0x7] =	wrdreg s5;
	s11 =	smax.u32 s7, $0x1  }
0x25: {  	s5 =	sadd.s32 s10, s1;
	s10 =	sadd.s32 s18, s2;
	[smem:$0x7F0] =	sst s11  }
0x26: {  	s4 =	sadd.s32 $0x4E200, s4;
	s18 =	simm.s32 $0x4B0;
	[smem:$0x7F3] =	sst s10  }
0x27: {  	s6 =	sadd.s32 s6, s24;
	s4 =	sshrl.u32 s4, $0x3;
	[dreg:$0x1f] =	wrdreg s18  }
0x28: {  	s26 =	simm.s32 $0x640;
	[dreg:$0x3] =	wrdreg s6;
	s4 =	sadd.s32 s4, s24  }
0x29: {  	s7 =	simm.s32 $0x780;
	s6 =	simm.s32 $0x8A0;
	[dreg:$0x4] =	wrdreg s4  }
0x2a: {  	s5 =	sadd.s32 $0x3E200, s5;
	s24 =	simm.s32 $0xAD0;
	[dreg:$0x8] =	wrdreg s6  }
0x2b: {  	s4 =	sadd.s32 $0x17000, s1;
	s1 =	sadd.s32 $0x3C080, s1;
	[dreg:$0x16] =	wrdreg s24  }
0x2c: {  	s18 =	simm.s32 $0x6000;
	s6 =	sshrl.u32 @p0 s8, $0x3;
	[smem:$0x7EF] =	sst s1  }
0x2d: {  	s24 =	simm.s32 $0x5A0;
	s8 =	simm.s32 $0xF30;
	[smem:$0x7F1] =	sst s6  }
0x2e: {  	s22 =	sadd.s32 s4, s0;
	s6 =	sshll.u32 @!p0 s9, $0x6;
	[smem:$0x7FA] =	sst s24  }
0x2f: {  	s0 =	sadd.s32 s0, s5;
	s1 =	simm.s32 $0xE90;
	[smem:$0x7EE] =	sst s22  }
0x30: {  	s9 =	simm.s32 $0xF80;
	s6 =	sor.u32 @!p0 $0x1C07, s6;
	[smem:$0x7FD] =	sst s0  }
0x31: {  	s22 =	simm.s32 $0x550;
	s0 =	simm.s32 $0x730;
	[smem:$0x7F2] =	sst s6  }
0x32: {  	s6 =	sshrl.u32 @!p0 s10, $0x3;
	[smem:$0x7F8] =	sst s22;
	s22 =	simm.s32 $0x5  }
0x33: {  	s10 =	simm.s32 $0x0;
	[smem:$0x7F4] =	sst s6;
	s6 =	simm.s32 $0xEE0  }
.LBB2_1:
0x34: {  	[smem:$0x7ED] =	sst s10  }
0x35: {  	s10 =	sld [smem:$0x7EF]  }
0x36: {  	s11 =	sld [smem:$0x7F1];
	_ =	sdelay $0x1  }
0x37: {  	s5 =	simm.s32 @p0 $0x1FC7  }
0x38: {  	[spmem:s11], [sflag:s5] =	dma.local @p0 [hbm:s10], $0x2080  }
0x39: {  	s5 =	simm.s32 @p0 $0x7  }
0x3a: {  	_ =	swait.ge @p0 [sflag:s5], $0x2080  }
0x3b: {  	s10 =	sld [smem:$0x7F2]  }
0x3c: {  	[sflag:s5] =	ssyncset.done @p0 $0x0;
	s11 =	sld [smem:$0x7F4]  }
0x3d: {  	[sflag:s5] =	ssyncadd.s32 @p0 $0xFFFFDF80;
	s5 =	sld [smem:$0x7EE];
	_ =	sdelay $0x2  }
0x3e: {  	[spmem:s11], [sflag:s10] =	dma.local @!p0 [hbm:s5], $0x2780  }
0x3f: {  	s5 =	simm.s32 @!p0 $0x7  }
0x40: {  	_ =	swait.ge @!p0 [sflag:s5], $0x2780  }
0x41: {  	[sflag:s5] =	ssyncset.done @!p0 $0x0  }
0x42: {  	[sflag:s5] =	ssyncadd.s32 @!p0 $0xFFFFD880  }
0x43: {  	[bflag:$0x0] =	sbarrier.arrive $0xFFFF  }
0x44: {  	s24 =	rddreg [dreg:$0x3]  }
0x45: {  	s5 =	sadd.s32 $0x0, s24  }
0x46: {  	[tilespmem:s3], [sflag:$0x7] =	stream.linear.gather [hbm4b:s5+s3], $0x7D0, $0x38;
	[tilespmem:$0x1C400] =	vst v63  }
0x47: {  	_ =	swait.ge [sflag:s12], $0x7D0  }
0x48: {  	s10 =	rddreg [dreg:$0x4];
	[sflag:s12] =	ssyncset.done $0x0  }
0x49: {  	[sflag:s12] =	ssyncadd.s32 $0xFFFFF830;
	s5 =	sadd.s32 $0x0, s10  }
0x4a: {  	[tilespmem:s13], [sflag:$0x7] =	stream.linear.gather [hbm4b:s5+s3], $0x7D0, $0x38;
	[tilespmem:$0x1C400] =	vst v63  }
0x4b: {  	_ =	swait.ge [sflag:s12], $0x7D0  }
0x4c: {  	[sflag:s12] =	ssyncset.done $0x0  }
0x4d: {  	[sflag:s12] =	ssyncadd.s32 $0xFFFFF830  }
0x4e: {  	[tilespmem:s15], [sflag:$0x1] =	stream.indirect.gather [hbm4b:s4+s14], $0x80, s3, s14, $0xb8;
	[tilespmem:$0x1C400] =	vst v63  }
0x4f: {  	_ = 	snop  }
0x50: {  	[tilespmem:s16], [sflag:$0x2] =	stream.indirect.gather [hbm4b:s4+s14], $0x80, s14, s14, $0xb8;
	[tilespmem:$0x1C400] =	vst v63  }
0x51: {  	_ =	swait.ge [sflag:s17], $0x2800  }
0x52: {  	[sflag:s17] =	ssyncset.done $0x0  }
0x53: {  	[sflag:s17] =	ssyncadd.s32 $0xFFFFD800  }
0x54: {  	[spmem:s2] =	stream.indirect.scatter.add.f32 [tilespmem:s15], [sflag:$0x4], $0x80, s13, s14, $0xb8;
	[tilespmem:$0x1C400] =	vst v63  }
0x55: {  	s11 =	rddreg [dreg:$0x5]  }
0x56: {  	[tilespmem:s18], [sflag:$0x3] =	stream.indirect.gather [hbm4b:s4+s14], $0x80, s11, s14, $0xb8;
	[tilespmem:$0x1C400] =	vst v63  }
0x57: {  	_ =	swait.ge [sflag:s19], $0x2800  }
0x58: {  	[sflag:s19] =	ssyncset.done $0x0  }
0x59: {  	s24 =	rddreg [dreg:$0x6];
	[sflag:s19] =	ssyncadd.s32 $0xFFFFD800  }
0x5a: {  	[spmem:s2] =	stream.indirect.scatter.add.f32 [tilespmem:s16], [sflag:$0x5], $0x80, s24, s14, $0xb8;
	[tilespmem:$0x1C400] =	vst v63  }
0x5b: {  	_ =	swait.ge [sflag:s20], $0x2800  }
0x5c: {  	[sflag:s20] =	ssyncset.done $0x0  }
0x5d: {  	s10 =	rddreg [dreg:$0x7];
	[sflag:s20] =	ssyncadd.s32 $0xFFFFD800  }
0x5e: {  	[tilespmem:s15], [sflag:$0x1] =	stream.indirect.gather [hbm4b:s4+s14], $0x80, s10, s14, $0xb8;
	[tilespmem:$0x1C400] =	vst v63  }
0x5f: {  	_ =	swait.ge [sflag:s21], $0x2800  }
0x60: {  	[sflag:s21] =	ssyncset.done $0x0  }
0x61: {  	s11 =	rddreg [dreg:$0x8];
	[sflag:s21] =	ssyncadd.s32 $0xFFFFD800  }
0x62: {  	[spmem:s2] =	stream.indirect.scatter.add.f32 [tilespmem:s18], [sflag:$0x6], $0x80, s11, s14, $0xb8;
	[tilespmem:$0x1C400] =	vst v63  }
0x63: {  	_ =	swait.ge [sflag:s22], $0x2800  }
0x64: {  	[sflag:s22] =	ssyncset.done $0x0  }
0x65: {  	s24 =	rddreg [dreg:$0x9];
	[sflag:s22] =	ssyncadd.s32 $0xFFFFD800  }
0x66: {  	[tilespmem:s16], [sflag:$0x2] =	stream.indirect.gather [hbm4b:s4+s14], $0x80, s24, s14, $0xb8;
	[tilespmem:$0x1C400] =	vst v63  }
0x67: {  	_ =	swait.ge [sflag:s17], $0x2800  }
0x68: {  	[sflag:s17] =	ssyncset.done $0x0  }
0x69: {  	s10 =	rddreg [dreg:$0xa];
	[sflag:s17] =	ssyncadd.s32 $0xFFFFD800  }
0x6a: {  	[spmem:s2] =	stream.indirect.scatter.add.f32 [tilespmem:s15], [sflag:$0x4], $0x80, s10, s14, $0xb8;
	[tilespmem:$0x1C400] =	vst v63  }
0x6b: {  	_ =	swait.ge [sflag:s23], $0x2800  }
0x6c: {  	[sflag:s23] =	ssyncset.done $0x0  }
0x6d: {  	s11 =	rddreg [dreg:$0xb];
	[sflag:s23] =	ssyncadd.s32 $0xFFFFD800  }
0x6e: {  	[tilespmem:s18], [sflag:$0x3] =	stream.indirect.gather [hbm4b:s4+s14], $0x80, s11, s14, $0xb8;
	[tilespmem:$0x1C400] =	vst v63  }
0x6f: {  	_ =	swait.ge [sflag:s19], $0x2800  }
0x70: {  	[sflag:s19] =	ssyncset.done $0x0  }
0x71: {  	s24 =	rddreg [dreg:$0xc];
	[sflag:s19] =	ssyncadd.s32 $0xFFFFD800  }
0x72: {  	[spmem:s2] =	stream.indirect.scatter.add.f32 [tilespmem:s16], [sflag:$0x5], $0x80, s24, s14, $0xb8;
	[tilespmem:$0x1C400] =	vst v63  }
0x73: {  	_ =	swait.ge [sflag:s20], $0x2800  }
0x74: {  	[sflag:s20] =	ssyncset.done $0x0  }
0x75: {  	s10 =	rddreg [dreg:$0xd];
	[sflag:s20] =	ssyncadd.s32 $0xFFFFD800  }
0x76: {  	[tilespmem:s15], [sflag:$0x1] =	stream.indirect.gather [hbm4b:s4+s14], $0x80, s10, s14, $0xb8;
	[tilespmem:$0x1C400] =	vst v63  }
0x77: {  	_ =	swait.ge [sflag:s21], $0x2800  }
0x78: {  	[sflag:s21] =	ssyncset.done $0x0  }
0x79: {  	s11 =	rddreg [dreg:$0xe];
	[sflag:s21] =	ssyncadd.s32 $0xFFFFD800  }
0x7a: {  	[spmem:s2] =	stream.indirect.scatter.add.f32 [tilespmem:s18], [sflag:$0x6], $0x80, s11, s14, $0xb8;
	[tilespmem:$0x1C400] =	vst v63  }
0x7b: {  	_ =	swait.ge [sflag:s22], $0x2800  }
0x7c: {  	[sflag:s22] =	ssyncset.done $0x0  }
0x7d: {  	s24 =	rddreg [dreg:$0xf];
	[sflag:s22] =	ssyncadd.s32 $0xFFFFD800  }
0x7e: {  	[tilespmem:s16], [sflag:$0x2] =	stream.indirect.gather [hbm4b:s4+s14], $0x80, s24, s14, $0xb8;
	[tilespmem:$0x1C400] =	vst v63  }
0x7f: {  	_ =	swait.ge [sflag:s17], $0x2800  }
0x80: {  	[sflag:s17] =	ssyncset.done $0x0  }
0x81: {  	s10 =	rddreg [dreg:$0x10];
	[sflag:s17] =	ssyncadd.s32 $0xFFFFD800  }
0x82: {  	[spmem:s2] =	stream.indirect.scatter.add.f32 [tilespmem:s15], [sflag:$0x4], $0x80, s10, s14, $0xb8;
	[tilespmem:$0x1C400] =	vst v63  }
0x83: {  	_ =	swait.ge [sflag:s23], $0x2800  }
0x84: {  	[sflag:s23] =	ssyncset.done $0x0  }
0x85: {  	s11 =	rddreg [dreg:$0x11];
	[sflag:s23] =	ssyncadd.s32 $0xFFFFD800  }
0x86: {  	[tilespmem:s18], [sflag:$0x3] =	stream.indirect.gather [hbm4b:s4+s14], $0x80, s11, s14, $0xb8;
	[tilespmem:$0x1C400] =	vst v63  }
0x87: {  	_ =	swait.ge [sflag:s19], $0x2800  }
0x88: {  	[sflag:s19] =	ssyncset.done $0x0  }
0x89: {  	s24 =	rddreg [dreg:$0x12];
	[sflag:s19] =	ssyncadd.s32 $0xFFFFD800  }
0x8a: {  	[spmem:s2] =	stream.indirect.scatter.add.f32 [tilespmem:s16], [sflag:$0x5], $0x80, s24, s14, $0xb8;
	[tilespmem:$0x1C400] =	vst v63  }
0x8b: {  	_ =	swait.ge [sflag:s20], $0x2800  }
0x8c: {  	[sflag:s20] =	ssyncset.done $0x0  }
0x8d: {  	s10 =	rddreg [dreg:$0x13];
	[sflag:s20] =	ssyncadd.s32 $0xFFFFD800  }
0x8e: {  	[tilespmem:s15], [sflag:$0x1] =	stream.indirect.gather [hbm4b:s4+s14], $0x80, s10, s14, $0xb8;
	[tilespmem:$0x1C400] =	vst v63  }
0x8f: {  	_ =	swait.ge [sflag:s21], $0x2800  }
0x90: {  	[sflag:s21] =	ssyncset.done $0x0  }
0x91: {  	s11 =	rddreg [dreg:$0x14];
	[sflag:s21] =	ssyncadd.s32 $0xFFFFD800  }
0x92: {  	[spmem:s2] =	stream.indirect.scatter.add.f32 [tilespmem:s18], [sflag:$0x6], $0x80, s11, s14, $0xb8;
	[tilespmem:$0x1C400] =	vst v63  }
0x93: {  	_ =	swait.ge [sflag:s22], $0x2800  }
0x94: {  	[sflag:s22] =	ssyncset.done $0x0  }
0x95: {  	s24 =	rddreg [dreg:$0x15];
	[sflag:s22] =	ssyncadd.s32 $0xFFFFD800  }
0x96: {  	[tilespmem:s16], [sflag:$0x2] =	stream.indirect.gather [hbm4b:s4+s14], $0x80, s24, s14, $0xb8;
	[tilespmem:$0x1C400] =	vst v63  }
0x97: {  	_ =	swait.ge [sflag:s17], $0x2800  }
0x98: {  	[sflag:s17] =	ssyncset.done $0x0  }
0x99: {  	s10 =	rddreg [dreg:$0x16];
	[sflag:s17] =	ssyncadd.s32 $0xFFFFD800  }
0x9a: {  	[spmem:s2] =	stream.indirect.scatter.add.f32 [tilespmem:s15], [sflag:$0x4], $0x80, s10, s14, $0xb8;
	[tilespmem:$0x1C400] =	vst v63  }
0x9b: {  	_ =	swait.ge [sflag:s23], $0x2800  }
0x9c: {  	[sflag:s23] =	ssyncset.done $0x0  }
0x9d: {  	s11 =	rddreg [dreg:$0x17];
	[sflag:s23] =	ssyncadd.s32 $0xFFFFD800  }
0x9e: {  	[tilespmem:s18], [sflag:$0x3] =	stream.indirect.gather [hbm4b:s4+s14], $0x80, s11, s14, $0xb8;
	[tilespmem:$0x1C400] =	vst v63  }
0x9f: {  	_ =	swait.ge [sflag:s19], $0x2800  }
0xa0: {  	[sflag:s19] =	ssyncset.done $0x0  }
0xa1: {  	s24 =	rddreg [dreg:$0x18];
	[sflag:s19] =	ssyncadd.s32 $0xFFFFD800  }
0xa2: {  	[spmem:s2] =	stream.indirect.scatter.add.f32 [tilespmem:s16], [sflag:$0x5], $0x80, s24, s14, $0xb8;
	[tilespmem:$0x1C400] =	vst v63  }
0xa3: {  	_ =	swait.ge [sflag:s20], $0x2800  }
0xa4: {  	[sflag:s20] =	ssyncset.done $0x0  }
0xa5: {  	s10 =	rddreg [dreg:$0x19];
	[sflag:s20] =	ssyncadd.s32 $0xFFFFD800  }
0xa6: {  	[tilespmem:s15], [sflag:$0x1] =	stream.indirect.gather [hbm4b:s4+s14], $0x80, s10, s14, $0xb8;
	[tilespmem:$0x1C400] =	vst v63  }
0xa7: {  	_ =	swait.ge [sflag:s21], $0x2800  }
0xa8: {  	[sflag:s21] =	ssyncset.done $0x0  }
0xa9: {  	s11 =	rddreg [dreg:$0x1a];
	[sflag:s21] =	ssyncadd.s32 $0xFFFFD800  }
0xaa: {  	[spmem:s2] =	stream.indirect.scatter.add.f32 [tilespmem:s18], [sflag:$0x6], $0x80, s11, s14, $0xb8;
	[tilespmem:$0x1C400] =	vst v63  }
0xab: {  	_ =	swait.ge [sflag:s22], $0x2800  }
0xac: {  	[sflag:s22] =	ssyncset.done $0x0  }
0xad: {  	s24 =	rddreg [dreg:$0x1b];
	[sflag:s22] =	ssyncadd.s32 $0xFFFFD800  }
0xae: {  	[tilespmem:s16], [sflag:$0x2] =	stream.indirect.gather [hbm4b:s4+s14], $0x80, s24, s14, $0xb8;
	[tilespmem:$0x1C400] =	vst v63  }
0xaf: {  	_ =	swait.ge [sflag:s17], $0x2800  }
0xb0: {  	[sflag:s17] =	ssyncset.done $0x0  }
0xb1: {  	s10 =	rddreg [dreg:$0x1c];
	[sflag:s17] =	ssyncadd.s32 $0xFFFFD800  }
0xb2: {  	[spmem:s2] =	stream.indirect.scatter.add.f32 [tilespmem:s15], [sflag:$0x4], $0x80, s10, s14, $0xb8;
	[tilespmem:$0x1C400] =	vst v63  }
0xb3: {  	_ =	swait.ge [sflag:s23], $0x2800  }
0xb4: {  	[sflag:s23] =	ssyncset.done $0x0  }
0xb5: {  	s11 =	rddreg [dreg:$0x1d];
	[sflag:s23] =	ssyncadd.s32 $0xFFFFD800  }
0xb6: {  	[tilespmem:s18], [sflag:$0x3] =	stream.indirect.gather [hbm4b:s4+s14], $0x80, s11, s14, $0xb8;
	[tilespmem:$0x1C400] =	vst v63  }
0xb7: {  	_ =	swait.ge [sflag:s19], $0x2800  }
0xb8: {  	[sflag:s19] =	ssyncset.done $0x0  }
0xb9: {  	s24 =	rddreg [dreg:$0x1e];
	[sflag:s19] =	ssyncadd.s32 $0xFFFFD800  }
0xba: {  	[spmem:s2] =	stream.indirect.scatter.add.f32 [tilespmem:s16], [sflag:$0x5], $0x80, s24, s14, $0xb8;
	[tilespmem:$0x1C400] =	vst v63  }
0xbb: {  	_ =	swait.ge [sflag:s20], $0x2800  }
0xbc: {  	[sflag:s20] =	ssyncset.done $0x0  }
0xbd: {  	s10 =	rddreg [dreg:$0x1f];
	[sflag:s20] =	ssyncadd.s32 $0xFFFFD800  }
0xbe: {  	[tilespmem:s15], [sflag:$0x1] =	stream.indirect.gather [hbm4b:s4+s14], $0x80, s10, s14, $0xb8;
	[tilespmem:$0x1C400] =	vst v63  }
0xbf: {  	_ =	swait.ge [sflag:s21], $0x2800  }
0xc0: {  	s11 =	sld [smem:$0x7F5]  }
0xc1: {  	[sflag:s21] =	ssyncset.done $0x0  }
0xc2: {  	[sflag:s21] =	ssyncadd.s32 $0xFFFFD800  }
0xc3: {  	[spmem:s2] =	stream.indirect.scatter.add.f32 [tilespmem:s18], [sflag:$0x6], $0x80, s11, s14, $0xb8;
	[tilespmem:$0x1C400] =	vst v63  }
0xc4: {  	_ =	swait.ge [sflag:s22], $0x2800  }
0xc5: {  	s24 =	sld [smem:$0x7F6]  }
0xc6: {  	[sflag:s22] =	ssyncset.done $0x0  }
0xc7: {  	[sflag:s22] =	ssyncadd.s32 $0xFFFFD800  }
0xc8: {  	[tilespmem:s16], [sflag:$0x2] =	stream.indirect.gather [hbm4b:s4+s14], $0x80, s24, s14, $0xb8;
	[tilespmem:$0x1C400] =	vst v63  }
0xc9: {  	_ =	swait.ge [sflag:s17], $0x2800  }
0xca: {  	s10 =	sld [smem:$0x7F7]  }
0xcb: {  	[sflag:s17] =	ssyncset.done $0x0  }
0xcc: {  	[sflag:s17] =	ssyncadd.s32 $0xFFFFD800  }
0xcd: {  	[spmem:s2] =	stream.indirect.scatter.add.f32 [tilespmem:s15], [sflag:$0x4], $0x80, s10, s14, $0xb8;
	[tilespmem:$0x1C400] =	vst v63  }
0xce: {  	_ =	swait.ge [sflag:s23], $0x2800  }
0xcf: {  	s11 =	sld [smem:$0x7F8]  }
0xd0: {  	[sflag:s23] =	ssyncset.done $0x0  }
0xd1: {  	[sflag:s23] =	ssyncadd.s32 $0xFFFFD800  }
0xd2: {  	[tilespmem:s18], [sflag:$0x3] =	stream.indirect.gather [hbm4b:s4+s14], $0x80, s11, s14, $0xb8;
	[tilespmem:$0x1C400] =	vst v63  }
0xd3: {  	_ =	swait.ge [sflag:s19], $0x2800  }
0xd4: {  	s24 =	sld [smem:$0x7F9]  }
0xd5: {  	[sflag:s19] =	ssyncset.done $0x0  }
0xd6: {  	[sflag:s19] =	ssyncadd.s32 $0xFFFFD800  }
0xd7: {  	[spmem:s2] =	stream.indirect.scatter.add.f32 [tilespmem:s16], [sflag:$0x5], $0x80, s24, s14, $0xb8;
	[tilespmem:$0x1C400] =	vst v63  }
0xd8: {  	_ =	swait.ge [sflag:s20], $0x2800  }
0xd9: {  	s10 =	sld [smem:$0x7FA]  }
0xda: {  	[sflag:s20] =	ssyncset.done $0x0  }
0xdb: {  	[sflag:s20] =	ssyncadd.s32 $0xFFFFD800  }
0xdc: {  	[tilespmem:s15], [sflag:$0x1] =	stream.indirect.gather [hbm4b:s4+s14], $0x80, s10, s14, $0xb8;
	[tilespmem:$0x1C400] =	vst v63  }
0xdd: {  	_ =	swait.ge [sflag:s21], $0x2800  }
0xde: {  	s11 =	sld [smem:$0x7FB]  }
0xdf: {  	[sflag:s21] =	ssyncset.done $0x0  }
0xe0: {  	[sflag:s21] =	ssyncadd.s32 $0xFFFFD800  }
0xe1: {  	[spmem:s2] =	stream.indirect.scatter.add.f32 [tilespmem:s18], [sflag:$0x6], $0x80, s11, s14, $0xb8;
	[tilespmem:$0x1C400] =	vst v63  }
0xe2: {  	_ =	swait.ge [sflag:s22], $0x2800  }
0xe3: {  	s24 =	sld [smem:$0x7FC]  }
0xe4: {  	[sflag:s22] =	ssyncset.done $0x0  }
0xe5: {  	[sflag:s22] =	ssyncadd.s32 $0xFFFFD800  }
0xe6: {  	[tilespmem:s16], [sflag:$0x2] =	stream.indirect.gather [hbm4b:s4+s14], $0x80, s24, s14, $0xb8;
	[tilespmem:$0x1C400] =	vst v63  }
0xe7: {  	_ =	swait.ge [sflag:s17], $0x2800  }
0xe8: {  	[sflag:s17] =	ssyncset.done $0x0  }
0xe9: {  	[sflag:s17] =	ssyncadd.s32 $0xFFFFD800  }
0xea: {  	[spmem:s2] =	stream.indirect.scatter.add.f32 [tilespmem:s15], [sflag:$0x4], $0x80, s25, s14, $0xb8;
	[tilespmem:$0x1C400] =	vst v63  }
0xeb: {  	_ =	swait.ge [sflag:s23], $0x2800  }
0xec: {  	[sflag:s23] =	ssyncset.done $0x0  }
0xed: {  	[sflag:s23] =	ssyncadd.s32 $0xFFFFD800  }
0xee: {  	[tilespmem:s18], [sflag:$0x3] =	stream.indirect.gather [hbm4b:s4+s14], $0x80, s26, s14, $0xb8;
	[tilespmem:$0x1C400] =	vst v63  }
0xef: {  	_ =	swait.ge [sflag:s19], $0x2800  }
0xf0: {  	[sflag:s19] =	ssyncset.done $0x0  }
0xf1: {  	[sflag:s19] =	ssyncadd.s32 $0xFFFFD800  }
0xf2: {  	[spmem:s2] =	stream.indirect.scatter.add.f32 [tilespmem:s16], [sflag:$0x5], $0x80, s28, s14, $0xb8;
	[tilespmem:$0x1C400] =	vst v63  }
0xf3: {  	_ =	swait.ge [sflag:s20], $0x2800  }
0xf4: {  	[sflag:s20] =	ssyncset.done $0x0  }
0xf5: {  	[sflag:s20] =	ssyncadd.s32 $0xFFFFD800  }
0xf6: {  	[tilespmem:s15], [sflag:$0x1] =	stream.indirect.gather [hbm4b:s4+s14], $0x80, s29, s14, $0xb8;
	[tilespmem:$0x1C400] =	vst v63  }
0xf7: {  	_ =	swait.ge [sflag:s21], $0x2800  }
0xf8: {  	[sflag:s21] =	ssyncset.done $0x0  }
0xf9: {  	[sflag:s21] =	ssyncadd.s32 $0xFFFFD800  }
0xfa: {  	[spmem:s2] =	stream.indirect.scatter.add.f32 [tilespmem:s18], [sflag:$0x6], $0x80, s30, s14, $0xb8;
	[tilespmem:$0x1C400] =	vst v63  }
0xfb: {  	_ =	swait.ge [sflag:s22], $0x2800  }
0xfc: {  	[sflag:s22] =	ssyncset.done $0x0  }
0xfd: {  	[sflag:s22] =	ssyncadd.s32 $0xFFFFD800  }
0xfe: {  	[tilespmem:s16], [sflag:$0x2] =	stream.indirect.gather [hbm4b:s4+s14], $0x80, s31, s14, $0xb8;
	[tilespmem:$0x1C400] =	vst v63  }
0xff: {  	_ =	swait.ge [sflag:s17], $0x2800  }
0x100: {  	[sflag:s17] =	ssyncset.done $0x0  }
0x101: {  	[sflag:s17] =	ssyncadd.s32 $0xFFFFD800  }
0x102: {  	[spmem:s2] =	stream.indirect.scatter.add.f32 [tilespmem:s15], [sflag:$0x4], $0x80, s1, s14, $0xb8;
	[tilespmem:$0x1C400] =	vst v63  }
0x103: {  	_ =	swait.ge [sflag:s23], $0x2800  }
0x104: {  	[sflag:s23] =	ssyncset.done $0x0  }
0x105: {  	[sflag:s23] =	ssyncadd.s32 $0xFFFFD800  }
0x106: {  	[tilespmem:s18], [sflag:$0x3] =	stream.indirect.gather [hbm4b:s4+s14], $0x80, s0, s14, $0xb8;
	[tilespmem:$0x1C400] =	vst v63  }
0x107: {  	_ =	swait.ge [sflag:s19], $0x2800  }
0x108: {  	[sflag:s19] =	ssyncset.done $0x0  }
0x109: {  	[sflag:s19] =	ssyncadd.s32 $0xFFFFD800  }
0x10a: {  	[spmem:s2] =	stream.indirect.scatter.add.f32 [tilespmem:s16], [sflag:$0x5], $0x80, s6, s14, $0xb8;
	[tilespmem:$0x1C400] =	vst v63  }
0x10b: {  	_ =	swait.ge [sflag:s20], $0x2800  }
0x10c: {  	[sflag:s20] =	ssyncset.done $0x0  }
0x10d: {  	[sflag:s20] =	ssyncadd.s32 $0xFFFFD800  }
0x10e: {  	[tilespmem:s15], [sflag:$0x1] =	stream.indirect.gather [hbm4b:s4+s14], $0x80, s7, s14, $0xb8;
	[tilespmem:$0x1C400] =	vst v63  }
0x10f: {  	_ =	swait.ge [sflag:s21], $0x2800  }
0x110: {  	[sflag:s21] =	ssyncset.done $0x0  }
0x111: {  	[sflag:s21] =	ssyncadd.s32 $0xFFFFD800  }
0x112: {  	[spmem:s2] =	stream.indirect.scatter.add.f32 [tilespmem:s18], [sflag:$0x6], $0x80, s8, s14, $0xb8;
	[tilespmem:$0x1C400] =	vst v63  }
0x113: {  	_ =	swait.ge [sflag:s22], $0x2800  }
0x114: {  	[sflag:s22] =	ssyncset.done $0x0  }
0x115: {  	[sflag:s22] =	ssyncadd.s32 $0xFFFFD800  }
0x116: {  	_ =	swait.ge [sflag:s17], $0x2800  }
0x117: {  	[sflag:s17] =	ssyncset.done $0x0  }
0x118: {  	[sflag:s17] =	ssyncadd.s32 $0xFFFFD800  }
0x119: {  	[spmem:s2] =	stream.indirect.scatter.add.f32 [tilespmem:s15], [sflag:$0x4], $0x80, s9, s14, $0xb8;
	[tilespmem:$0x1C400] =	vst v63  }
0x11a: {  	_ =	swait.ge [sflag:s23], $0x2800  }
0x11b: {  	[sflag:s23] =	ssyncset.done $0x0  }
0x11c: {  	[sflag:s23] =	ssyncadd.s32 $0xFFFFD800  }
0x11d: {  	s5 =	simm.s32 $0x1F4;
	_ =	swait.ge [sflag:s20], $0x2800  }
0x11e: {  	s11 =	simm.s32 $0xFA;
	s24 =	rddreg [dreg:$0x3];
	[sflag:s20] =	ssyncset.done $0x0  }
.LBB2_2:
0x11f: {  	[sflag:s20] =	ssyncadd.s32 $0xFFFFD800;
	s24 =	sadd.s32 s11, s24  }
0x120: {  	[tilespmem:s3], [sflag:$0x7] =	stream.linear.gather [hbm4b:s24+s3], $0x7D0, $0x38;
	[tilespmem:$0x1C400] =	vst v63  }
0x121: {  	_ =	swait.ge [sflag:s12], $0x7D0  }
0x122: {  	s24 =	rddreg [dreg:$0x4];
	[sflag:s12] =	ssyncset.done $0x0  }
0x123: {  	[sflag:s12] =	ssyncadd.s32 $0xFFFFF830;
	s24 =	sadd.s32 s11, s24  }
0x124: {  	[tilespmem:s13], [sflag:$0x7] =	stream.linear.gather [hbm4b:s24+s3], $0x7D0, $0x38;
	[tilespmem:$0x1C400] =	vst v63  }
0x125: {  	_ =	swait.ge [sflag:s12], $0x7D0  }
0x126: {  	[sflag:s12] =	ssyncset.done $0x0  }
0x127: {  	[sflag:s12] =	ssyncadd.s32 $0xFFFFF830  }
0x128: {  	[tilespmem:s15], [sflag:$0x1] =	stream.indirect.gather [hbm4b:s4+s14], $0x80, s3, s14, $0xb8;
	[tilespmem:$0x1C400] =	vst v63  }
0x129: {  	_ = 	snop  }
0x12a: {  	[tilespmem:s16], [sflag:$0x2] =	stream.indirect.gather [hbm4b:s4+s14], $0x80, s14, s14, $0xb8;
	[tilespmem:$0x1C400] =	vst v63  }
0x12b: {  	_ =	swait.ge [sflag:s17], $0x2800  }
0x12c: {  	[sflag:s17] =	ssyncset.done $0x0  }
0x12d: {  	[sflag:s17] =	ssyncadd.s32 $0xFFFFD800  }
0x12e: {  	[spmem:s2] =	stream.indirect.scatter.add.f32 [tilespmem:s15], [sflag:$0x4], $0x80, s13, s14, $0xb8;
	[tilespmem:$0x1C400] =	vst v63  }
0x12f: {  	s24 =	rddreg [dreg:$0x5]  }
0x130: {  	[tilespmem:s18], [sflag:$0x3] =	stream.indirect.gather [hbm4b:s4+s14], $0x80, s24, s14, $0xb8;
	[tilespmem:$0x1C400] =	vst v63  }
0x131: {  	_ =	swait.ge [sflag:s19], $0x2800  }
0x132: {  	[sflag:s19] =	ssyncset.done $0x0  }
0x133: {  	s24 =	rddreg [dreg:$0x6];
	[sflag:s19] =	ssyncadd.s32 $0xFFFFD800  }
0x134: {  	[spmem:s2] =	stream.indirect.scatter.add.f32 [tilespmem:s16], [sflag:$0x5], $0x80, s24, s14, $0xb8;
	[tilespmem:$0x1C400] =	vst v63  }
0x135: {  	_ =	swait.ge [sflag:s20], $0x2800  }
0x136: {  	[sflag:s20] =	ssyncset.done $0x0  }
0x137: {  	s24 =	rddreg [dreg:$0x7];
	[sflag:s20] =	ssyncadd.s32 $0xFFFFD800  }
0x138: {  	[tilespmem:s15], [sflag:$0x1] =	stream.indirect.gather [hbm4b:s4+s14], $0x80, s24, s14, $0xb8;
	[tilespmem:$0x1C400] =	vst v63  }
0x139: {  	_ =	swait.ge [sflag:s21], $0x2800  }
0x13a: {  	[sflag:s21] =	ssyncset.done $0x0  }
0x13b: {  	s24 =	rddreg [dreg:$0x8];
	[sflag:s21] =	ssyncadd.s32 $0xFFFFD800  }
0x13c: {  	[spmem:s2] =	stream.indirect.scatter.add.f32 [tilespmem:s18], [sflag:$0x6], $0x80, s24, s14, $0xb8;
	[tilespmem:$0x1C400] =	vst v63  }
0x13d: {  	_ =	swait.ge [sflag:s22], $0x2800  }
0x13e: {  	[sflag:s22] =	ssyncset.done $0x0  }
0x13f: {  	s24 =	rddreg [dreg:$0x9];
	[sflag:s22] =	ssyncadd.s32 $0xFFFFD800  }
0x140: {  	[tilespmem:s16], [sflag:$0x2] =	stream.indirect.gather [hbm4b:s4+s14], $0x80, s24, s14, $0xb8;
	[tilespmem:$0x1C400] =	vst v63  }
0x141: {  	_ =	swait.ge [sflag:s17], $0x2800  }
0x142: {  	[sflag:s17] =	ssyncset.done $0x0  }
0x143: {  	s24 =	rddreg [dreg:$0xa];
	[sflag:s17] =	ssyncadd.s32 $0xFFFFD800  }
0x144: {  	[spmem:s2] =	stream.indirect.scatter.add.f32 [tilespmem:s15], [sflag:$0x4], $0x80, s24, s14, $0xb8;
	[tilespmem:$0x1C400] =	vst v63  }
0x145: {  	_ =	swait.ge [sflag:s23], $0x2800  }
0x146: {  	[sflag:s23] =	ssyncset.done $0x0  }
0x147: {  	s24 =	rddreg [dreg:$0xb];
	[sflag:s23] =	ssyncadd.s32 $0xFFFFD800  }
0x148: {  	[tilespmem:s18], [sflag:$0x3] =	stream.indirect.gather [hbm4b:s4+s14], $0x80, s24, s14, $0xb8;
	[tilespmem:$0x1C400] =	vst v63  }
0x149: {  	_ =	swait.ge [sflag:s19], $0x2800  }
0x14a: {  	[sflag:s19] =	ssyncset.done $0x0  }
0x14b: {  	s24 =	rddreg [dreg:$0xc];
	[sflag:s19] =	ssyncadd.s32 $0xFFFFD800  }
0x14c: {  	[spmem:s2] =	stream.indirect.scatter.add.f32 [tilespmem:s16], [sflag:$0x5], $0x80, s24, s14, $0xb8;
	[tilespmem:$0x1C400] =	vst v63  }
0x14d: {  	_ =	swait.ge [sflag:s20], $0x2800  }
0x14e: {  	[sflag:s20] =	ssyncset.done $0x0  }
0x14f: {  	s24 =	rddreg [dreg:$0xd];
	[sflag:s20] =	ssyncadd.s32 $0xFFFFD800  }
0x150: {  	[tilespmem:s15], [sflag:$0x1] =	stream.indirect.gather [hbm4b:s4+s14], $0x80, s24, s14, $0xb8;
	[tilespmem:$0x1C400] =	vst v63  }
0x151: {  	_ =	swait.ge [sflag:s21], $0x2800  }
0x152: {  	[sflag:s21] =	ssyncset.done $0x0  }
0x153: {  	s24 =	rddreg [dreg:$0xe];
	[sflag:s21] =	ssyncadd.s32 $0xFFFFD800  }
0x154: {  	[spmem:s2] =	stream.indirect.scatter.add.f32 [tilespmem:s18], [sflag:$0x6], $0x80, s24, s14, $0xb8;
	[tilespmem:$0x1C400] =	vst v63  }
0x155: {  	_ =	swait.ge [sflag:s22], $0x2800  }
0x156: {  	[sflag:s22] =	ssyncset.done $0x0  }
0x157: {  	s24 =	rddreg [dreg:$0xf];
	[sflag:s22] =	ssyncadd.s32 $0xFFFFD800  }
0x158: {  	[tilespmem:s16], [sflag:$0x2] =	stream.indirect.gather [hbm4b:s4+s14], $0x80, s24, s14, $0xb8;
	[tilespmem:$0x1C400] =	vst v63  }
0x159: {  	_ =	swait.ge [sflag:s17], $0x2800  }
0x15a: {  	[sflag:s17] =	ssyncset.done $0x0  }
0x15b: {  	s24 =	rddreg [dreg:$0x10];
	[sflag:s17] =	ssyncadd.s32 $0xFFFFD800  }
0x15c: {  	[spmem:s2] =	stream.indirect.scatter.add.f32 [tilespmem:s15], [sflag:$0x4], $0x80, s24, s14, $0xb8;
	[tilespmem:$0x1C400] =	vst v63  }
0x15d: {  	_ =	swait.ge [sflag:s23], $0x2800  }
0x15e: {  	[sflag:s23] =	ssyncset.done $0x0  }
0x15f: {  	s24 =	rddreg [dreg:$0x11];
	[sflag:s23] =	ssyncadd.s32 $0xFFFFD800  }
0x160: {  	[tilespmem:s18], [sflag:$0x3] =	stream.indirect.gather [hbm4b:s4+s14], $0x80, s24, s14, $0xb8;
	[tilespmem:$0x1C400] =	vst v63  }
0x161: {  	_ =	swait.ge [sflag:s19], $0x2800  }
0x162: {  	[sflag:s19] =	ssyncset.done $0x0  }
0x163: {  	s24 =	rddreg [dreg:$0x12];
	[sflag:s19] =	ssyncadd.s32 $0xFFFFD800  }
0x164: {  	[spmem:s2] =	stream.indirect.scatter.add.f32 [tilespmem:s16], [sflag:$0x5], $0x80, s24, s14, $0xb8;
	[tilespmem:$0x1C400] =	vst v63  }
0x165: {  	_ =	swait.ge [sflag:s20], $0x2800  }
0x166: {  	[sflag:s20] =	ssyncset.done $0x0  }
0x167: {  	s24 =	rddreg [dreg:$0x13];
	[sflag:s20] =	ssyncadd.s32 $0xFFFFD800  }
0x168: {  	[tilespmem:s15], [sflag:$0x1] =	stream.indirect.gather [hbm4b:s4+s14], $0x80, s24, s14, $0xb8;
	[tilespmem:$0x1C400] =	vst v63  }
0x169: {  	_ =	swait.ge [sflag:s21], $0x2800  }
0x16a: {  	[sflag:s21] =	ssyncset.done $0x0  }
0x16b: {  	s24 =	rddreg [dreg:$0x14];
	[sflag:s21] =	ssyncadd.s32 $0xFFFFD800  }
0x16c: {  	[spmem:s2] =	stream.indirect.scatter.add.f32 [tilespmem:s18], [sflag:$0x6], $0x80, s24, s14, $0xb8;
	[tilespmem:$0x1C400] =	vst v63  }
0x16d: {  	_ =	swait.ge [sflag:s22], $0x2800  }
0x16e: {  	[sflag:s22] =	ssyncset.done $0x0  }
0x16f: {  	s24 =	rddreg [dreg:$0x15];
	[sflag:s22] =	ssyncadd.s32 $0xFFFFD800  }
0x170: {  	[tilespmem:s16], [sflag:$0x2] =	stream.indirect.gather [hbm4b:s4+s14], $0x80, s24, s14, $0xb8;
	[tilespmem:$0x1C400] =	vst v63  }
0x171: {  	_ =	swait.ge [sflag:s17], $0x2800  }
0x172: {  	[sflag:s17] =	ssyncset.done $0x0  }
0x173: {  	s24 =	rddreg [dreg:$0x16];
	[sflag:s17] =	ssyncadd.s32 $0xFFFFD800  }
0x174: {  	[spmem:s2] =	stream.indirect.scatter.add.f32 [tilespmem:s15], [sflag:$0x4], $0x80, s24, s14, $0xb8;
	[tilespmem:$0x1C400] =	vst v63  }
0x175: {  	_ =	swait.ge [sflag:s23], $0x2800  }
0x176: {  	[sflag:s23] =	ssyncset.done $0x0  }
0x177: {  	s24 =	rddreg [dreg:$0x17];
	[sflag:s23] =	ssyncadd.s32 $0xFFFFD800  }
0x178: {  	[tilespmem:s18], [sflag:$0x3] =	stream.indirect.gather [hbm4b:s4+s14], $0x80, s24, s14, $0xb8;
	[tilespmem:$0x1C400] =	vst v63  }
0x179: {  	_ =	swait.ge [sflag:s19], $0x2800  }
0x17a: {  	[sflag:s19] =	ssyncset.done $0x0  }
0x17b: {  	s24 =	rddreg [dreg:$0x18];
	[sflag:s19] =	ssyncadd.s32 $0xFFFFD800  }
0x17c: {  	[spmem:s2] =	stream.indirect.scatter.add.f32 [tilespmem:s16], [sflag:$0x5], $0x80, s24, s14, $0xb8;
	[tilespmem:$0x1C400] =	vst v63  }
0x17d: {  	_ =	swait.ge [sflag:s20], $0x2800  }
0x17e: {  	[sflag:s20] =	ssyncset.done $0x0  }
0x17f: {  	s24 =	rddreg [dreg:$0x19];
	[sflag:s20] =	ssyncadd.s32 $0xFFFFD800  }
0x180: {  	[tilespmem:s15], [sflag:$0x1] =	stream.indirect.gather [hbm4b:s4+s14], $0x80, s24, s14, $0xb8;
	[tilespmem:$0x1C400] =	vst v63  }
0x181: {  	_ =	swait.ge [sflag:s21], $0x2800  }
0x182: {  	[sflag:s21] =	ssyncset.done $0x0  }
0x183: {  	s24 =	rddreg [dreg:$0x1a];
	[sflag:s21] =	ssyncadd.s32 $0xFFFFD800  }
0x184: {  	[spmem:s2] =	stream.indirect.scatter.add.f32 [tilespmem:s18], [sflag:$0x6], $0x80, s24, s14, $0xb8;
	[tilespmem:$0x1C400] =	vst v63  }
0x185: {  	_ =	swait.ge [sflag:s22], $0x2800  }
0x186: {  	[sflag:s22] =	ssyncset.done $0x0  }
0x187: {  	s24 =	rddreg [dreg:$0x1b];
	[sflag:s22] =	ssyncadd.s32 $0xFFFFD800  }
0x188: {  	[tilespmem:s16], [sflag:$0x2] =	stream.indirect.gather [hbm4b:s4+s14], $0x80, s24, s14, $0xb8;
	[tilespmem:$0x1C400] =	vst v63  }
0x189: {  	_ =	swait.ge [sflag:s17], $0x2800  }
0x18a: {  	[sflag:s17] =	ssyncset.done $0x0  }
0x18b: {  	s24 =	rddreg [dreg:$0x1c];
	[sflag:s17] =	ssyncadd.s32 $0xFFFFD800  }
0x18c: {  	[spmem:s2] =	stream.indirect.scatter.add.f32 [tilespmem:s15], [sflag:$0x4], $0x80, s24, s14, $0xb8;
	[tilespmem:$0x1C400] =	vst v63  }
0x18d: {  	_ =	swait.ge [sflag:s23], $0x2800  }
0x18e: {  	[sflag:s23] =	ssyncset.done $0x0  }
0x18f: {  	s24 =	rddreg [dreg:$0x1d];
	[sflag:s23] =	ssyncadd.s32 $0xFFFFD800  }
0x190: {  	[tilespmem:s18], [sflag:$0x3] =	stream.indirect.gather [hbm4b:s4+s14], $0x80, s24, s14, $0xb8;
	[tilespmem:$0x1C400] =	vst v63  }
0x191: {  	_ =	swait.ge [sflag:s19], $0x2800  }
0x192: {  	[sflag:s19] =	ssyncset.done $0x0  }
0x193: {  	s24 =	rddreg [dreg:$0x1e];
	[sflag:s19] =	ssyncadd.s32 $0xFFFFD800  }
0x194: {  	[spmem:s2] =	stream.indirect.scatter.add.f32 [tilespmem:s16], [sflag:$0x5], $0x80, s24, s14, $0xb8;
	[tilespmem:$0x1C400] =	vst v63  }
0x195: {  	_ =	swait.ge [sflag:s20], $0x2800  }
0x196: {  	[sflag:s20] =	ssyncset.done $0x0  }
0x197: {  	s24 =	rddreg [dreg:$0x1f];
	[sflag:s20] =	ssyncadd.s32 $0xFFFFD800  }
0x198: {  	[tilespmem:s15], [sflag:$0x1] =	stream.indirect.gather [hbm4b:s4+s14], $0x80, s24, s14, $0xb8;
	[tilespmem:$0x1C400] =	vst v63  }
0x199: {  	_ =	swait.ge [sflag:s21], $0x2800  }
0x19a: {  	s24 =	sld [smem:$0x7F5]  }
0x19b: {  	[sflag:s21] =	ssyncset.done $0x0  }
0x19c: {  	[sflag:s21] =	ssyncadd.s32 $0xFFFFD800  }
0x19d: {  	[spmem:s2] =	stream.indirect.scatter.add.f32 [tilespmem:s18], [sflag:$0x6], $0x80, s24, s14, $0xb8;
	[tilespmem:$0x1C400] =	vst v63  }
0x19e: {  	_ =	swait.ge [sflag:s22], $0x2800  }
0x19f: {  	s24 =	sld [smem:$0x7F6]  }
0x1a0: {  	[sflag:s22] =	ssyncset.done $0x0  }
0x1a1: {  	[sflag:s22] =	ssyncadd.s32 $0xFFFFD800  }
0x1a2: {  	[tilespmem:s16], [sflag:$0x2] =	stream.indirect.gather [hbm4b:s4+s14], $0x80, s24, s14, $0xb8;
	[tilespmem:$0x1C400] =	vst v63  }
0x1a3: {  	_ =	swait.ge [sflag:s17], $0x2800  }
0x1a4: {  	s24 =	sld [smem:$0x7F7]  }
0x1a5: {  	[sflag:s17] =	ssyncset.done $0x0  }
0x1a6: {  	[sflag:s17] =	ssyncadd.s32 $0xFFFFD800  }
0x1a7: {  	[spmem:s2] =	stream.indirect.scatter.add.f32 [tilespmem:s15], [sflag:$0x4], $0x80, s24, s14, $0xb8;
	[tilespmem:$0x1C400] =	vst v63  }
0x1a8: {  	_ =	swait.ge [sflag:s23], $0x2800  }
0x1a9: {  	s24 =	sld [smem:$0x7F8]  }
0x1aa: {  	[sflag:s23] =	ssyncset.done $0x0  }
0x1ab: {  	[sflag:s23] =	ssyncadd.s32 $0xFFFFD800  }
0x1ac: {  	[tilespmem:s18], [sflag:$0x3] =	stream.indirect.gather [hbm4b:s4+s14], $0x80, s24, s14, $0xb8;
	[tilespmem:$0x1C400] =	vst v63  }
0x1ad: {  	_ =	swait.ge [sflag:s19], $0x2800  }
0x1ae: {  	s24 =	sld [smem:$0x7F9]  }
0x1af: {  	[sflag:s19] =	ssyncset.done $0x0  }
0x1b0: {  	[sflag:s19] =	ssyncadd.s32 $0xFFFFD800  }
0x1b1: {  	[spmem:s2] =	stream.indirect.scatter.add.f32 [tilespmem:s16], [sflag:$0x5], $0x80, s24, s14, $0xb8;
	[tilespmem:$0x1C400] =	vst v63  }
0x1b2: {  	_ =	swait.ge [sflag:s20], $0x2800  }
0x1b3: {  	s24 =	sld [smem:$0x7FA]  }
0x1b4: {  	[sflag:s20] =	ssyncset.done $0x0  }
0x1b5: {  	[sflag:s20] =	ssyncadd.s32 $0xFFFFD800  }
0x1b6: {  	[tilespmem:s15], [sflag:$0x1] =	stream.indirect.gather [hbm4b:s4+s14], $0x80, s24, s14, $0xb8;
	[tilespmem:$0x1C400] =	vst v63  }
0x1b7: {  	_ =	swait.ge [sflag:s21], $0x2800  }
0x1b8: {  	s24 =	sld [smem:$0x7FB]  }
0x1b9: {  	[sflag:s21] =	ssyncset.done $0x0  }
0x1ba: {  	[sflag:s21] =	ssyncadd.s32 $0xFFFFD800  }
0x1bb: {  	[spmem:s2] =	stream.indirect.scatter.add.f32 [tilespmem:s18], [sflag:$0x6], $0x80, s24, s14, $0xb8;
	[tilespmem:$0x1C400] =	vst v63  }
0x1bc: {  	_ =	swait.ge [sflag:s22], $0x2800  }
0x1bd: {  	s24 =	sld [smem:$0x7FC]  }
0x1be: {  	[sflag:s22] =	ssyncset.done $0x0  }
0x1bf: {  	[sflag:s22] =	ssyncadd.s32 $0xFFFFD800  }
0x1c0: {  	[tilespmem:s16], [sflag:$0x2] =	stream.indirect.gather [hbm4b:s4+s14], $0x80, s24, s14, $0xb8;
	[tilespmem:$0x1C400] =	vst v63  }
0x1c1: {  	_ =	swait.ge [sflag:s17], $0x2800  }
0x1c2: {  	[sflag:s17] =	ssyncset.done $0x0  }
0x1c3: {  	[sflag:s17] =	ssyncadd.s32 $0xFFFFD800  }
0x1c4: {  	[spmem:s2] =	stream.indirect.scatter.add.f32 [tilespmem:s15], [sflag:$0x4], $0x80, s25, s14, $0xb8;
	[tilespmem:$0x1C400] =	vst v63  }
0x1c5: {  	_ =	swait.ge [sflag:s23], $0x2800  }
0x1c6: {  	[sflag:s23] =	ssyncset.done $0x0  }
0x1c7: {  	[sflag:s23] =	ssyncadd.s32 $0xFFFFD800  }
0x1c8: {  	[tilespmem:s18], [sflag:$0x3] =	stream.indirect.gather [hbm4b:s4+s14], $0x80, s26, s14, $0xb8;
	[tilespmem:$0x1C400] =	vst v63  }
0x1c9: {  	_ =	swait.ge [sflag:s19], $0x2800  }
0x1ca: {  	[sflag:s19] =	ssyncset.done $0x0  }
0x1cb: {  	[sflag:s19] =	ssyncadd.s32 $0xFFFFD800  }
0x1cc: {  	[spmem:s2] =	stream.indirect.scatter.add.f32 [tilespmem:s16], [sflag:$0x5], $0x80, s28, s14, $0xb8;
	[tilespmem:$0x1C400] =	vst v63  }
0x1cd: {  	_ =	swait.ge [sflag:s20], $0x2800  }
0x1ce: {  	[sflag:s20] =	ssyncset.done $0x0  }
0x1cf: {  	[sflag:s20] =	ssyncadd.s32 $0xFFFFD800  }
0x1d0: {  	[tilespmem:s15], [sflag:$0x1] =	stream.indirect.gather [hbm4b:s4+s14], $0x80, s29, s14, $0xb8;
	[tilespmem:$0x1C400] =	vst v63  }
0x1d1: {  	_ =	swait.ge [sflag:s21], $0x2800  }
0x1d2: {  	[sflag:s21] =	ssyncset.done $0x0  }
0x1d3: {  	[sflag:s21] =	ssyncadd.s32 $0xFFFFD800  }
0x1d4: {  	[spmem:s2] =	stream.indirect.scatter.add.f32 [tilespmem:s18], [sflag:$0x6], $0x80, s30, s14, $0xb8;
	[tilespmem:$0x1C400] =	vst v63  }
0x1d5: {  	_ =	swait.ge [sflag:s22], $0x2800  }
0x1d6: {  	[sflag:s22] =	ssyncset.done $0x0  }
0x1d7: {  	[sflag:s22] =	ssyncadd.s32 $0xFFFFD800  }
0x1d8: {  	[tilespmem:s16], [sflag:$0x2] =	stream.indirect.gather [hbm4b:s4+s14], $0x80, s31, s14, $0xb8;
	[tilespmem:$0x1C400] =	vst v63  }
0x1d9: {  	_ =	swait.ge [sflag:s17], $0x2800  }
0x1da: {  	[sflag:s17] =	ssyncset.done $0x0  }
0x1db: {  	[sflag:s17] =	ssyncadd.s32 $0xFFFFD800  }
0x1dc: {  	[spmem:s2] =	stream.indirect.scatter.add.f32 [tilespmem:s15], [sflag:$0x4], $0x80, s1, s14, $0xb8;
	[tilespmem:$0x1C400] =	vst v63  }
0x1dd: {  	_ =	swait.ge [sflag:s23], $0x2800  }
0x1de: {  	[sflag:s23] =	ssyncset.done $0x0  }
0x1df: {  	[sflag:s23] =	ssyncadd.s32 $0xFFFFD800  }
0x1e0: {  	[tilespmem:s18], [sflag:$0x3] =	stream.indirect.gather [hbm4b:s4+s14], $0x80, s0, s14, $0xb8;
	[tilespmem:$0x1C400] =	vst v63  }
0x1e1: {  	_ =	swait.ge [sflag:s19], $0x2800  }
0x1e2: {  	[sflag:s19] =	ssyncset.done $0x0  }
0x1e3: {  	[sflag:s19] =	ssyncadd.s32 $0xFFFFD800  }
0x1e4: {  	[spmem:s2] =	stream.indirect.scatter.add.f32 [tilespmem:s16], [sflag:$0x5], $0x80, s6, s14, $0xb8;
	[tilespmem:$0x1C400] =	vst v63  }
0x1e5: {  	_ =	swait.ge [sflag:s20], $0x2800  }
0x1e6: {  	[sflag:s20] =	ssyncset.done $0x0  }
0x1e7: {  	[sflag:s20] =	ssyncadd.s32 $0xFFFFD800  }
0x1e8: {  	[tilespmem:s15], [sflag:$0x1] =	stream.indirect.gather [hbm4b:s4+s14], $0x80, s7, s14, $0xb8;
	[tilespmem:$0x1C400] =	vst v63  }
0x1e9: {  	_ =	swait.ge [sflag:s21], $0x2800  }
0x1ea: {  	[sflag:s21] =	ssyncset.done $0x0  }
0x1eb: {  	[sflag:s21] =	ssyncadd.s32 $0xFFFFD800  }
0x1ec: {  	[spmem:s2] =	stream.indirect.scatter.add.f32 [tilespmem:s18], [sflag:$0x6], $0x80, s8, s14, $0xb8;
	[tilespmem:$0x1C400] =	vst v63  }
0x1ed: {  	_ =	swait.ge [sflag:s22], $0x2800  }
0x1ee: {  	[sflag:s22] =	ssyncset.done $0x0  }
0x1ef: {  	[sflag:s22] =	ssyncadd.s32 $0xFFFFD800  }
0x1f0: {  	_ =	swait.ge [sflag:s17], $0x2800  }
0x1f1: {  	[sflag:s17] =	ssyncset.done $0x0  }
0x1f2: {  	p1 =	sne.s32 s5, $0x3E8;
	[sflag:s17] =	ssyncadd.s32 $0xFFFFD800  }
0x1f3: {  	[spmem:s2] =	stream.indirect.scatter.add.f32 [tilespmem:s15], [sflag:$0x4], $0x80, s9, s14, $0xb8;
	[tilespmem:$0x1C400] =	vst v63  }
.Ltmp0:
0x1f4: {  	_ =	swait.ge [sflag:s23], $0x2800;
	(pc) =	sbr.rel @p1 .LBB2_2-.Ltmp0, $4  }
0x1f5: {  	[sflag:s23] =	ssyncset.done $0x0  }
0x1f6: {  	[sflag:s23] =	ssyncadd.s32 $0xFFFFD800  }
0x1f7: {  	s10 =	smov.u32 s5;
	s5 =	sadd.s32 $0xFA, s5;
	_ =	swait.ge [sflag:s20], $0x2800  }
0x1f8: {  	s11 =	smov.u32 s10;
	s24 =	rddreg [dreg:$0x3];
	[sflag:s20] =	ssyncset.done $0x0  }
0x1f9: {  	[sflag:s20] =	ssyncadd.s32 $0xFFFFD800;
	s5 =	sadd.s32 s11, s24  }
0x1fa: {  	[tilespmem:s3], [sflag:$0x7] =	stream.linear.gather [hbm4b:s5+s3], $0x7D0, $0x38;
	[tilespmem:$0x1C400] =	vst v63  }
0x1fb: {  	_ =	swait.ge [sflag:s12], $0x7D0  }
0x1fc: {  	s10 =	rddreg [dreg:$0x4];
	[sflag:s12] =	ssyncset.done $0x0  }
0x1fd: {  	[sflag:s12] =	ssyncadd.s32 $0xFFFFF830;
	s5 =	sadd.s32 s11, s10  }
0x1fe: {  	[tilespmem:s13], [sflag:$0x7] =	stream.linear.gather [hbm4b:s5+s3], $0x7D0, $0x38;
	[tilespmem:$0x1C400] =	vst v63  }
0x1ff: {  	_ =	swait.ge [sflag:s12], $0x7D0  }
0x200: {  	[sflag:s12] =	ssyncset.done $0x0  }
0x201: {  	[sflag:s12] =	ssyncadd.s32 $0xFFFFF830  }
0x202: {  	[tilespmem:s15], [sflag:$0x1] =	stream.indirect.gather [hbm4b:s4+s14], $0x80, s3, s14, $0xb8;
	[tilespmem:$0x1C400] =	vst v63  }
0x203: {  	_ = 	snop  }
0x204: {  	[tilespmem:s16], [sflag:$0x2] =	stream.indirect.gather [hbm4b:s4+s14], $0x80, s14, s14, $0xb8;
	[tilespmem:$0x1C400] =	vst v63  }
0x205: {  	_ =	swait.ge [sflag:s17], $0x2800  }
0x206: {  	[sflag:s17] =	ssyncset.done $0x0  }
0x207: {  	[sflag:s17] =	ssyncadd.s32 $0xFFFFD800  }
0x208: {  	[spmem:s2] =	stream.indirect.scatter.add.f32 [tilespmem:s15], [sflag:$0x4], $0x80, s13, s14, $0xb8;
	[tilespmem:$0x1C400] =	vst v63  }
0x209: {  	s24 =	rddreg [dreg:$0x5]  }
0x20a: {  	[tilespmem:s18], [sflag:$0x3] =	stream.indirect.gather [hbm4b:s4+s14], $0x80, s24, s14, $0xb8;
	[tilespmem:$0x1C400] =	vst v63  }
0x20b: {  	_ =	swait.ge [sflag:s19], $0x2800  }
0x20c: {  	[sflag:s19] =	ssyncset.done $0x0  }
0x20d: {  	s10 =	rddreg [dreg:$0x6];
	[sflag:s19] =	ssyncadd.s32 $0xFFFFD800  }
0x20e: {  	[spmem:s2] =	stream.indirect.scatter.add.f32 [tilespmem:s16], [sflag:$0x5], $0x80, s10, s14, $0xb8;
	[tilespmem:$0x1C400] =	vst v63  }
0x20f: {  	_ =	swait.ge [sflag:s20], $0x2800  }
0x210: {  	[sflag:s20] =	ssyncset.done $0x0  }
0x211: {  	s11 =	rddreg [dreg:$0x7];
	[sflag:s20] =	ssyncadd.s32 $0xFFFFD800  }
0x212: {  	[tilespmem:s15], [sflag:$0x1] =	stream.indirect.gather [hbm4b:s4+s14], $0x80, s11, s14, $0xb8;
	[tilespmem:$0x1C400] =	vst v63  }
0x213: {  	_ =	swait.ge [sflag:s21], $0x2800  }
0x214: {  	[sflag:s21] =	ssyncset.done $0x0  }
0x215: {  	s24 =	rddreg [dreg:$0x8];
	[sflag:s21] =	ssyncadd.s32 $0xFFFFD800  }
0x216: {  	[spmem:s2] =	stream.indirect.scatter.add.f32 [tilespmem:s18], [sflag:$0x6], $0x80, s24, s14, $0xb8;
	[tilespmem:$0x1C400] =	vst v63  }
0x217: {  	_ =	swait.ge [sflag:s22], $0x2800  }
0x218: {  	[sflag:s22] =	ssyncset.done $0x0  }
0x219: {  	s10 =	rddreg [dreg:$0x9];
	[sflag:s22] =	ssyncadd.s32 $0xFFFFD800  }
0x21a: {  	[tilespmem:s16], [sflag:$0x2] =	stream.indirect.gather [hbm4b:s4+s14], $0x80, s10, s14, $0xb8;
	[tilespmem:$0x1C400] =	vst v63  }
0x21b: {  	_ =	swait.ge [sflag:s17], $0x2800  }
0x21c: {  	[sflag:s17] =	ssyncset.done $0x0  }
0x21d: {  	s11 =	rddreg [dreg:$0xa];
	[sflag:s17] =	ssyncadd.s32 $0xFFFFD800  }
0x21e: {  	[spmem:s2] =	stream.indirect.scatter.add.f32 [tilespmem:s15], [sflag:$0x4], $0x80, s11, s14, $0xb8;
	[tilespmem:$0x1C400] =	vst v63  }
0x21f: {  	_ =	swait.ge [sflag:s23], $0x2800  }
0x220: {  	[sflag:s23] =	ssyncset.done $0x0  }
0x221: {  	s24 =	rddreg [dreg:$0xb];
	[sflag:s23] =	ssyncadd.s32 $0xFFFFD800  }
0x222: {  	[tilespmem:s18], [sflag:$0x3] =	stream.indirect.gather [hbm4b:s4+s14], $0x80, s24, s14, $0xb8;
	[tilespmem:$0x1C400] =	vst v63  }
0x223: {  	_ =	swait.ge [sflag:s19], $0x2800  }
0x224: {  	[sflag:s19] =	ssyncset.done $0x0  }
0x225: {  	s10 =	rddreg [dreg:$0xc];
	[sflag:s19] =	ssyncadd.s32 $0xFFFFD800  }
0x226: {  	[spmem:s2] =	stream.indirect.scatter.add.f32 [tilespmem:s16], [sflag:$0x5], $0x80, s10, s14, $0xb8;
	[tilespmem:$0x1C400] =	vst v63  }
0x227: {  	_ =	swait.ge [sflag:s20], $0x2800  }
0x228: {  	[sflag:s20] =	ssyncset.done $0x0  }
0x229: {  	s11 =	rddreg [dreg:$0xd];
	[sflag:s20] =	ssyncadd.s32 $0xFFFFD800  }
0x22a: {  	[tilespmem:s15], [sflag:$0x1] =	stream.indirect.gather [hbm4b:s4+s14], $0x80, s11, s14, $0xb8;
	[tilespmem:$0x1C400] =	vst v63  }
0x22b: {  	_ =	swait.ge [sflag:s21], $0x2800  }
0x22c: {  	[sflag:s21] =	ssyncset.done $0x0  }
0x22d: {  	s24 =	rddreg [dreg:$0xe];
	[sflag:s21] =	ssyncadd.s32 $0xFFFFD800  }
0x22e: {  	[spmem:s2] =	stream.indirect.scatter.add.f32 [tilespmem:s18], [sflag:$0x6], $0x80, s24, s14, $0xb8;
	[tilespmem:$0x1C400] =	vst v63  }
0x22f: {  	_ =	swait.ge [sflag:s22], $0x2800  }
0x230: {  	[sflag:s22] =	ssyncset.done $0x0  }
0x231: {  	s10 =	rddreg [dreg:$0xf];
	[sflag:s22] =	ssyncadd.s32 $0xFFFFD800  }
0x232: {  	[tilespmem:s16], [sflag:$0x2] =	stream.indirect.gather [hbm4b:s4+s14], $0x80, s10, s14, $0xb8;
	[tilespmem:$0x1C400] =	vst v63  }
0x233: {  	_ =	swait.ge [sflag:s17], $0x2800  }
0x234: {  	[sflag:s17] =	ssyncset.done $0x0  }
0x235: {  	s11 =	rddreg [dreg:$0x10];
	[sflag:s17] =	ssyncadd.s32 $0xFFFFD800  }
0x236: {  	[spmem:s2] =	stream.indirect.scatter.add.f32 [tilespmem:s15], [sflag:$0x4], $0x80, s11, s14, $0xb8;
	[tilespmem:$0x1C400] =	vst v63  }
0x237: {  	_ =	swait.ge [sflag:s23], $0x2800  }
0x238: {  	[sflag:s23] =	ssyncset.done $0x0  }
0x239: {  	s24 =	rddreg [dreg:$0x11];
	[sflag:s23] =	ssyncadd.s32 $0xFFFFD800  }
0x23a: {  	[tilespmem:s18], [sflag:$0x3] =	stream.indirect.gather [hbm4b:s4+s14], $0x80, s24, s14, $0xb8;
	[tilespmem:$0x1C400] =	vst v63  }
0x23b: {  	_ =	swait.ge [sflag:s19], $0x2800  }
0x23c: {  	[sflag:s19] =	ssyncset.done $0x0  }
0x23d: {  	s10 =	rddreg [dreg:$0x12];
	[sflag:s19] =	ssyncadd.s32 $0xFFFFD800  }
0x23e: {  	[spmem:s2] =	stream.indirect.scatter.add.f32 [tilespmem:s16], [sflag:$0x5], $0x80, s10, s14, $0xb8;
	[tilespmem:$0x1C400] =	vst v63  }
0x23f: {  	_ =	swait.ge [sflag:s20], $0x2800  }
0x240: {  	[sflag:s20] =	ssyncset.done $0x0  }
0x241: {  	s11 =	rddreg [dreg:$0x13];
	[sflag:s20] =	ssyncadd.s32 $0xFFFFD800  }
0x242: {  	[tilespmem:s15], [sflag:$0x1] =	stream.indirect.gather [hbm4b:s4+s14], $0x80, s11, s14, $0xb8;
	[tilespmem:$0x1C400] =	vst v63  }
0x243: {  	_ =	swait.ge [sflag:s21], $0x2800  }
0x244: {  	[sflag:s21] =	ssyncset.done $0x0  }
0x245: {  	s24 =	rddreg [dreg:$0x14];
	[sflag:s21] =	ssyncadd.s32 $0xFFFFD800  }
0x246: {  	[spmem:s2] =	stream.indirect.scatter.add.f32 [tilespmem:s18], [sflag:$0x6], $0x80, s24, s14, $0xb8;
	[tilespmem:$0x1C400] =	vst v63  }
0x247: {  	_ =	swait.ge [sflag:s22], $0x2800  }
0x248: {  	[sflag:s22] =	ssyncset.done $0x0  }
0x249: {  	s10 =	rddreg [dreg:$0x15];
	[sflag:s22] =	ssyncadd.s32 $0xFFFFD800  }
0x24a: {  	[tilespmem:s16], [sflag:$0x2] =	stream.indirect.gather [hbm4b:s4+s14], $0x80, s10, s14, $0xb8;
	[tilespmem:$0x1C400] =	vst v63  }
0x24b: {  	_ =	swait.ge [sflag:s17], $0x2800  }
0x24c: {  	[sflag:s17] =	ssyncset.done $0x0  }
0x24d: {  	s11 =	rddreg [dreg:$0x16];
	[sflag:s17] =	ssyncadd.s32 $0xFFFFD800  }
0x24e: {  	[spmem:s2] =	stream.indirect.scatter.add.f32 [tilespmem:s15], [sflag:$0x4], $0x80, s11, s14, $0xb8;
	[tilespmem:$0x1C400] =	vst v63  }
0x24f: {  	_ =	swait.ge [sflag:s23], $0x2800  }
0x250: {  	[sflag:s23] =	ssyncset.done $0x0  }
0x251: {  	s24 =	rddreg [dreg:$0x17];
	[sflag:s23] =	ssyncadd.s32 $0xFFFFD800  }
0x252: {  	[tilespmem:s18], [sflag:$0x3] =	stream.indirect.gather [hbm4b:s4+s14], $0x80, s24, s14, $0xb8;
	[tilespmem:$0x1C400] =	vst v63  }
0x253: {  	_ =	swait.ge [sflag:s19], $0x2800  }
0x254: {  	[sflag:s19] =	ssyncset.done $0x0  }
0x255: {  	s10 =	rddreg [dreg:$0x18];
	[sflag:s19] =	ssyncadd.s32 $0xFFFFD800  }
0x256: {  	[spmem:s2] =	stream.indirect.scatter.add.f32 [tilespmem:s16], [sflag:$0x5], $0x80, s10, s14, $0xb8;
	[tilespmem:$0x1C400] =	vst v63  }
0x257: {  	_ =	swait.ge [sflag:s20], $0x2800  }
0x258: {  	[sflag:s20] =	ssyncset.done $0x0  }
0x259: {  	s11 =	rddreg [dreg:$0x19];
	[sflag:s20] =	ssyncadd.s32 $0xFFFFD800  }
0x25a: {  	[tilespmem:s15], [sflag:$0x1] =	stream.indirect.gather [hbm4b:s4+s14], $0x80, s11, s14, $0xb8;
	[tilespmem:$0x1C400] =	vst v63  }
0x25b: {  	_ =	swait.ge [sflag:s21], $0x2800  }
0x25c: {  	[sflag:s21] =	ssyncset.done $0x0  }
0x25d: {  	s24 =	rddreg [dreg:$0x1a];
	[sflag:s21] =	ssyncadd.s32 $0xFFFFD800  }
0x25e: {  	[spmem:s2] =	stream.indirect.scatter.add.f32 [tilespmem:s18], [sflag:$0x6], $0x80, s24, s14, $0xb8;
	[tilespmem:$0x1C400] =	vst v63  }
0x25f: {  	_ =	swait.ge [sflag:s22], $0x2800  }
0x260: {  	[sflag:s22] =	ssyncset.done $0x0  }
0x261: {  	s10 =	rddreg [dreg:$0x1b];
	[sflag:s22] =	ssyncadd.s32 $0xFFFFD800  }
0x262: {  	[tilespmem:s16], [sflag:$0x2] =	stream.indirect.gather [hbm4b:s4+s14], $0x80, s10, s14, $0xb8;
	[tilespmem:$0x1C400] =	vst v63  }
0x263: {  	_ =	swait.ge [sflag:s17], $0x2800  }
0x264: {  	[sflag:s17] =	ssyncset.done $0x0  }
0x265: {  	s11 =	rddreg [dreg:$0x1c];
	[sflag:s17] =	ssyncadd.s32 $0xFFFFD800  }
0x266: {  	[spmem:s2] =	stream.indirect.scatter.add.f32 [tilespmem:s15], [sflag:$0x4], $0x80, s11, s14, $0xb8;
	[tilespmem:$0x1C400] =	vst v63  }
0x267: {  	_ =	swait.ge [sflag:s23], $0x2800  }
0x268: {  	[sflag:s23] =	ssyncset.done $0x0  }
0x269: {  	s24 =	rddreg [dreg:$0x1d];
	[sflag:s23] =	ssyncadd.s32 $0xFFFFD800  }
0x26a: {  	[tilespmem:s18], [sflag:$0x3] =	stream.indirect.gather [hbm4b:s4+s14], $0x80, s24, s14, $0xb8;
	[tilespmem:$0x1C400] =	vst v63  }
0x26b: {  	_ =	swait.ge [sflag:s19], $0x2800  }
0x26c: {  	[sflag:s19] =	ssyncset.done $0x0  }
0x26d: {  	s10 =	rddreg [dreg:$0x1e];
	[sflag:s19] =	ssyncadd.s32 $0xFFFFD800  }
0x26e: {  	[spmem:s2] =	stream.indirect.scatter.add.f32 [tilespmem:s16], [sflag:$0x5], $0x80, s10, s14, $0xb8;
	[tilespmem:$0x1C400] =	vst v63  }
0x26f: {  	_ =	swait.ge [sflag:s20], $0x2800  }
0x270: {  	[sflag:s20] =	ssyncset.done $0x0  }
0x271: {  	s11 =	rddreg [dreg:$0x1f];
	[sflag:s20] =	ssyncadd.s32 $0xFFFFD800  }
0x272: {  	[tilespmem:s15], [sflag:$0x1] =	stream.indirect.gather [hbm4b:s4+s14], $0x80, s11, s14, $0xb8;
	[tilespmem:$0x1C400] =	vst v63  }
0x273: {  	_ =	swait.ge [sflag:s21], $0x2800  }
0x274: {  	s24 =	sld [smem:$0x7F5]  }
0x275: {  	[sflag:s21] =	ssyncset.done $0x0  }
0x276: {  	[sflag:s21] =	ssyncadd.s32 $0xFFFFD800  }
0x277: {  	[spmem:s2] =	stream.indirect.scatter.add.f32 [tilespmem:s18], [sflag:$0x6], $0x80, s24, s14, $0xb8;
	[tilespmem:$0x1C400] =	vst v63  }
0x278: {  	_ =	swait.ge [sflag:s22], $0x2800  }
0x279: {  	s10 =	sld [smem:$0x7F6]  }
0x27a: {  	[sflag:s22] =	ssyncset.done $0x0  }
0x27b: {  	[sflag:s22] =	ssyncadd.s32 $0xFFFFD800  }
0x27c: {  	[tilespmem:s16], [sflag:$0x2] =	stream.indirect.gather [hbm4b:s4+s14], $0x80, s10, s14, $0xb8;
	[tilespmem:$0x1C400] =	vst v63  }
0x27d: {  	_ =	swait.ge [sflag:s17], $0x2800  }
0x27e: {  	s11 =	sld [smem:$0x7F7]  }
0x27f: {  	[sflag:s17] =	ssyncset.done $0x0  }
0x280: {  	[sflag:s17] =	ssyncadd.s32 $0xFFFFD800  }
0x281: {  	[spmem:s2] =	stream.indirect.scatter.add.f32 [tilespmem:s15], [sflag:$0x4], $0x80, s11, s14, $0xb8;
	[tilespmem:$0x1C400] =	vst v63  }
0x282: {  	_ =	swait.ge [sflag:s23], $0x2800  }
0x283: {  	s24 =	sld [smem:$0x7F8]  }
0x284: {  	[sflag:s23] =	ssyncset.done $0x0  }
0x285: {  	[sflag:s23] =	ssyncadd.s32 $0xFFFFD800  }
0x286: {  	[tilespmem:s18], [sflag:$0x3] =	stream.indirect.gather [hbm4b:s4+s14], $0x80, s24, s14, $0xb8;
	[tilespmem:$0x1C400] =	vst v63  }
0x287: {  	_ =	swait.ge [sflag:s19], $0x2800  }
0x288: {  	s10 =	sld [smem:$0x7F9]  }
0x289: {  	[sflag:s19] =	ssyncset.done $0x0  }
0x28a: {  	[sflag:s19] =	ssyncadd.s32 $0xFFFFD800  }
0x28b: {  	[spmem:s2] =	stream.indirect.scatter.add.f32 [tilespmem:s16], [sflag:$0x5], $0x80, s10, s14, $0xb8;
	[tilespmem:$0x1C400] =	vst v63  }
0x28c: {  	_ =	swait.ge [sflag:s20], $0x2800  }
0x28d: {  	s11 =	sld [smem:$0x7FA]  }
0x28e: {  	[sflag:s20] =	ssyncset.done $0x0  }
0x28f: {  	[sflag:s20] =	ssyncadd.s32 $0xFFFFD800  }
0x290: {  	[tilespmem:s15], [sflag:$0x1] =	stream.indirect.gather [hbm4b:s4+s14], $0x80, s11, s14, $0xb8;
	[tilespmem:$0x1C400] =	vst v63  }
0x291: {  	_ =	swait.ge [sflag:s21], $0x2800  }
0x292: {  	s24 =	sld [smem:$0x7FB]  }
0x293: {  	[sflag:s21] =	ssyncset.done $0x0  }
0x294: {  	[sflag:s21] =	ssyncadd.s32 $0xFFFFD800  }
0x295: {  	[spmem:s2] =	stream.indirect.scatter.add.f32 [tilespmem:s18], [sflag:$0x6], $0x80, s24, s14, $0xb8;
	[tilespmem:$0x1C400] =	vst v63  }
0x296: {  	_ =	swait.ge [sflag:s22], $0x2800  }
0x297: {  	s10 =	sld [smem:$0x7FC]  }
0x298: {  	[sflag:s22] =	ssyncset.done $0x0  }
0x299: {  	[sflag:s22] =	ssyncadd.s32 $0xFFFFD800  }
0x29a: {  	[tilespmem:s16], [sflag:$0x2] =	stream.indirect.gather [hbm4b:s4+s14], $0x80, s10, s14, $0xb8;
	[tilespmem:$0x1C400] =	vst v63  }
0x29b: {  	_ =	swait.ge [sflag:s17], $0x2800  }
0x29c: {  	[sflag:s17] =	ssyncset.done $0x0  }
0x29d: {  	[sflag:s17] =	ssyncadd.s32 $0xFFFFD800  }
0x29e: {  	[spmem:s2] =	stream.indirect.scatter.add.f32 [tilespmem:s15], [sflag:$0x4], $0x80, s25, s14, $0xb8;
	[tilespmem:$0x1C400] =	vst v63  }
0x29f: {  	_ =	swait.ge [sflag:s23], $0x2800  }
0x2a0: {  	[sflag:s23] =	ssyncset.done $0x0  }
0x2a1: {  	[sflag:s23] =	ssyncadd.s32 $0xFFFFD800  }
0x2a2: {  	[tilespmem:s18], [sflag:$0x3] =	stream.indirect.gather [hbm4b:s4+s14], $0x80, s26, s14, $0xb8;
	[tilespmem:$0x1C400] =	vst v63  }
0x2a3: {  	_ =	swait.ge [sflag:s19], $0x2800  }
0x2a4: {  	[sflag:s19] =	ssyncset.done $0x0  }
0x2a5: {  	[sflag:s19] =	ssyncadd.s32 $0xFFFFD800  }
0x2a6: {  	[spmem:s2] =	stream.indirect.scatter.add.f32 [tilespmem:s16], [sflag:$0x5], $0x80, s28, s14, $0xb8;
	[tilespmem:$0x1C400] =	vst v63  }
0x2a7: {  	_ =	swait.ge [sflag:s20], $0x2800  }
0x2a8: {  	[sflag:s20] =	ssyncset.done $0x0  }
0x2a9: {  	[sflag:s20] =	ssyncadd.s32 $0xFFFFD800  }
0x2aa: {  	[tilespmem:s15], [sflag:$0x1] =	stream.indirect.gather [hbm4b:s4+s14], $0x80, s29, s14, $0xb8;
	[tilespmem:$0x1C400] =	vst v63  }
0x2ab: {  	_ =	swait.ge [sflag:s21], $0x2800  }
0x2ac: {  	[sflag:s21] =	ssyncset.done $0x0  }
0x2ad: {  	[sflag:s21] =	ssyncadd.s32 $0xFFFFD800  }
0x2ae: {  	[spmem:s2] =	stream.indirect.scatter.add.f32 [tilespmem:s18], [sflag:$0x6], $0x80, s30, s14, $0xb8;
	[tilespmem:$0x1C400] =	vst v63  }
0x2af: {  	_ =	swait.ge [sflag:s22], $0x2800  }
0x2b0: {  	[sflag:s22] =	ssyncset.done $0x0  }
0x2b1: {  	[sflag:s22] =	ssyncadd.s32 $0xFFFFD800  }
0x2b2: {  	[tilespmem:s16], [sflag:$0x2] =	stream.indirect.gather [hbm4b:s4+s14], $0x80, s31, s14, $0xb8;
	[tilespmem:$0x1C400] =	vst v63  }
0x2b3: {  	_ =	swait.ge [sflag:s17], $0x2800  }
0x2b4: {  	[sflag:s17] =	ssyncset.done $0x0  }
0x2b5: {  	[sflag:s17] =	ssyncadd.s32 $0xFFFFD800  }
0x2b6: {  	[spmem:s2] =	stream.indirect.scatter.add.f32 [tilespmem:s15], [sflag:$0x4], $0x80, s1, s14, $0xb8;
	[tilespmem:$0x1C400] =	vst v63  }
0x2b7: {  	_ =	swait.ge [sflag:s23], $0x2800  }
0x2b8: {  	[sflag:s23] =	ssyncset.done $0x0  }
0x2b9: {  	[sflag:s23] =	ssyncadd.s32 $0xFFFFD800  }
0x2ba: {  	[tilespmem:s18], [sflag:$0x3] =	stream.indirect.gather [hbm4b:s4+s14], $0x80, s0, s14, $0xb8;
	[tilespmem:$0x1C400] =	vst v63  }
0x2bb: {  	_ =	swait.ge [sflag:s19], $0x2800  }
0x2bc: {  	[sflag:s19] =	ssyncset.done $0x0  }
0x2bd: {  	[sflag:s19] =	ssyncadd.s32 $0xFFFFD800  }
0x2be: {  	[spmem:s2] =	stream.indirect.scatter.add.f32 [tilespmem:s16], [sflag:$0x5], $0x80, s6, s14, $0xb8;
	[tilespmem:$0x1C400] =	vst v63  }
0x2bf: {  	_ =	swait.ge [sflag:s20], $0x2800  }
0x2c0: {  	[sflag:s20] =	ssyncset.done $0x0  }
0x2c1: {  	[sflag:s20] =	ssyncadd.s32 $0xFFFFD800  }
0x2c2: {  	[tilespmem:s15], [sflag:$0x1] =	stream.indirect.gather [hbm4b:s4+s14], $0x80, s7, s14, $0xb8;
	[tilespmem:$0x1C400] =	vst v63  }
0x2c3: {  	_ =	swait.ge [sflag:s21], $0x2800  }
0x2c4: {  	[sflag:s21] =	ssyncset.done $0x0  }
0x2c5: {  	[sflag:s21] =	ssyncadd.s32 $0xFFFFD800  }
0x2c6: {  	[spmem:s2] =	stream.indirect.scatter.add.f32 [tilespmem:s18], [sflag:$0x6], $0x80, s8, s14, $0xb8;
	[tilespmem:$0x1C400] =	vst v63  }
0x2c7: {  	_ =	swait.ge [sflag:s22], $0x2800  }
0x2c8: {  	[sflag:s22] =	ssyncset.done $0x0  }
0x2c9: {  	[sflag:s22] =	ssyncadd.s32 $0xFFFFD800  }
0x2ca: {  	_ =	swait.ge [sflag:s17], $0x2800  }
0x2cb: {  	[sflag:s17] =	ssyncset.done $0x0  }
0x2cc: {  	[sflag:s17] =	ssyncadd.s32 $0xFFFFD800  }
0x2cd: {  	[spmem:s2] =	stream.indirect.scatter.add.f32 [tilespmem:s15], [sflag:$0x4], $0x80, s9, s14, $0xb8;
	[tilespmem:$0x1C400] =	vst v63  }
0x2ce: {  	_ =	swait.ge [sflag:s23], $0x2800  }
0x2cf: {  	[sflag:s23] =	ssyncset.done $0x0  }
0x2d0: {  	[sflag:s23] =	ssyncadd.s32 $0xFFFFD800  }
0x2d1: {  	_ =	swait.ge [sflag:s20], $0x2800  }
0x2d2: {  	[sflag:s20] =	ssyncset.done $0x0  }
0x2d3: {  	[sflag:s20] =	ssyncadd.s32 $0xFFFFD800  }
0x2d4: {  	[bflag:$0x0] =	sbarrier.arrive $0xFFFF  }
0x2d5: {  	s10 =	sld [smem:$0x7F3]  }
0x2d6: {  	s11 =	stileid.u32;
	s24 =	sld [smem:$0x7FD]  }
0x2d7: {  	s5 =	sshll.u32 s11, $0x6  }
0x2d8: {  	s5 =	sor.u32 $0x1C07, s5;
	s10 =	sshrl.u32 s10, $0x3  }
0x2d9: {  	[hbm:s24], [sflag:s5] =	dma.local [spmem:s10], $0x2780  }
0x2da: {  	_ =	swait.ge [sflag:s12], $0x2780  }
0x2db: {  	s11 =	sld [smem:$0x7ED]  }
0x2dc: {  	s24 =	sld [smem:$0x7F0];
	_ =	sdelay $0x1  }
0x2dd: {  	s10 =	sadd.s32 $0x1, s11  }
0x2de: {  	p1 =	sne.s32 s10, s24  }
.Ltmp1:
0x2df: {  	_ = 	snop;
	(pc) =	sbr.rel @p1 .LBB2_1-.Ltmp1, $3  }
0x2e0: {  	_ =	sdelay $0x1  }
0x2e1: {  	[sflag:s12] =	ssyncset.done $0x0  }
0x2e2: {  	[sflag:s12] =	ssyncadd.s32 $0xFFFFD880  }
0x2e3: {  	_ =	sfence.sel $0x180000  }
0x2e4: {  	[bflag:$0x0] =	sbarrier.arrive $0xFFFF  }
0x2e5: {  	_ =	strace $0x9000004D  }
0x2e6: {  	s0 =	stileid.u32;
	[bflag:$0x2] =	sbarrier.arrive $0xFFFF  }
0x2e7: {  	p0 =	sne.s32 s0, $0x0;
	s0 =	rddreg [dreg:$0x2]  }
0x2e8: {  	s0 =	sadd.s32 @!p0 $0x100000, s0  }
0x2e9: {  	[sflag:s0] =	ssyncadd.tile.s32 @!p0 $0x1;
	_ =	shalt  }
.Lfunc_end2:
_tile_overlayer_lowered:
.L_overlay_start_2:
0x2ea: {  	(tag) =	ssettag $0x2  }
0x2eb: {  	s0 =	rddreg [dreg:$0x0];
	s2 =	stileid.u32  }
0x2ec: {  	s1 =	rddreg [dreg:$0x1];
	p0 =	sne.s32 s2, $0x0  }
0x2ed: {  	s3 =	rddreg [dreg:$0x2];
	[bflag:$0x3] =	sbarrier.arrive $0xFFFF;
	s2 =	simm.s32 @!p0 $0x1C07  }
0x2ee: {  	[timem:s3], [sflag:s2] =	dma.local @!p0 [hbm:s0], s1  }
0x2ef: {  	s0 =	simm.s32 @!p0 $0x7  }
0x2f0: {  	_ =	swait.ge @!p0 [sflag:s0], s1  }
0x2f1: {  	s1 =	ssub.s32 @!p0 $0x0, s1;
	[sflag:s0] =	ssyncset.done @!p0 $0x0  }
0x2f2: {  	[sflag:s0] =	ssyncadd.s32 @!p0 s1  }
0x2f3: {  	[bflag:$0x3] =	sbarrier.arrive $0xFFFF  }
0x2f4: {  	_ =	shalt  }

// kernel: kernel.8.cloned.1.call-start
scs
__scs_entry_jumppad:
0x0: {  	(pc) =	sbr.rel $0x88, $3  }
0x1: {  	(tag) =	ssettag $0x0;
	lr =	simm.s32 $0x1  }
0x2: {  	[smem:$0x3F91] =	sst lr;
	_ =	strace $0xD0000000  }
0x3: {  	_ = 	snop  }
0x4: {  	_ = 	snop  }
0x5: {  	_ = 	snop  }
0x6: {  	_ = 	snop  }
0x7: {  	_ = 	snop  }
__scs_overlays_trampoline_lowered:
0x8: {  	[smem:$0x3FA0] =	sst s0  }
0x9: {  	[smem:$0x3FA1] =	sst s1  }
0xa: {  	[smem:$0x3FA2] =	sst s2  }
0xb: {  	[smem:$0x3FA3] =	sst s3  }
0xc: {  	[smem:$0x3FA4] =	sst s4  }
0xd: {  	[smem:$0x3FA5] =	sst s5  }
0xe: {  	[smem:$0x3FA6] =	sst s6  }
0xf: {  	[smem:$0x3FA7] =	sst s7  }
0x10: {  	[smem:$0x3FA8] =	sst s8  }
0x11: {  	[smem:$0x3FA9] =	sst s9;
	s0 =	simm.s32 @!p0 $0x0  }
0x12: {  	s1 =	sld [smem:$0x3F8F];
	s0 =	simm.s32 @p0 $0x1  }
0x13: {  	[smem:$0x3FAA] =	sst s0;
	s0 =	simm.s32 @!p1 $0x0  }
0x14: {  	s2 =	sld [smem:$0x3F8E];
	s0 =	simm.s32 @p1 $0x1  }
0x15: {  	[smem:$0x3FAB] =	sst s0;
	s0 =	simm.s32 @!p2 $0x0  }
0x16: {  	s3 =	sld [smem:$0x3FDB];
	s0 =	simm.s32 @p2 $0x1  }
0x17: {  	s4 =	simm.s32 $0x1BF5;
	[smem:$0x3FAD] =	sst s0  }
0x18: {  	s0 =	sld [smem:$0x3F90];
	_ =	swait.ge [sflag:s4], $0x0  }
0x19: {  	s7 =	sld [smem:$0x3F91]  }
0x1a: {  	s8 =	sadd.s32 $0xFFFFE003, lr  }
0x1b: {  	s9 =	sadd.s32 $0xFFFFFEF7, lr;
	s5 =	simm.s32 $0xFFFFFFFF;
	p2 =	slt.u32 s8, $0xFFFFF086  }
0x1c: {  	p1 =	slt.u32 s9, $0xF7A;
	s5 =	simm.s32 @!p2 $0x0  }
0x1d: {  	s5 =	simm.s32 @p1 $0x1;
	p0 =	seq.s32 s7, s2  }
0x1e: {  	s7 =	smul.u32 @!p0 $0xF7A, s2;
	p2 =	seq.s32 @!p0 s5, $0x0  }
0x1f: {  	s9 =	smul.u32 $0xF7A, s1;
	s8 =	simm.s32 @!p0 $0x1BF5;
	p2 =	por !p2, p0  }
0x20: {  	[sflag:s8] =	ssyncset.s32 @!p0 $0xFFFFF086;
	s6 =	sadd.s32 @!p0 s3, s7;
	s7 =	simm.s32 @!p0 $0x108  }
0x21: {  	s3 =	sadd.s32 s3, s9;
	s6 =	sadd.s32 @!p0 $0x88, s6;
	s7 =	simm.s32 @p2 $0x1082  }
0x22: {  	[simem:s7], [sflag:s8] =	dma.local @!p0 [hbm:s6], $0xF7A  }
0x23: {  	s9 =	sor.u32 $0xD0000000, s2;
	s6 =	simm.s32 $0x108;
	_ =	swait.ge @!p0 [sflag:s8], $0x0  }
0x24: {  	s3 =	sadd.s32 $0x88, s3;
	s6 =	simm.s32 @!p1 $0x1082;
	[sflag:s4] =	ssyncset.s32 $0xFFFFF086  }
0x25: {  	[simem:s6], [sflag:s4] =	dma.local [hbm:s3], $0xF7A  }
0x26: {  	[smem:$0x3F91] =	sst s1;
	(tag) =	ssettag s2;
	_ =	strace s9  }
0x27: {  	s1 =	sld [smem:$0x3FA1]  }
0x28: {  	s2 =	sld [smem:$0x3FA2]  }
0x29: {  	s4 =	sld [smem:$0x3FA4]  }
0x2a: {  	p0 =	seq.s32 s5, $0x0;
	s5 =	sld [smem:$0x3FA5]  }
0x2b: {  	s6 =	sld [smem:$0x3FA6]  }
0x2c: {  	s7 =	sld [smem:$0x3FA7]  }
0x2d: {  	s3 =	simm.s32 $0x108;
	s8 =	sld [smem:$0x3FA8]  }
0x2e: {  	s3 =	simm.s32 @!p0 $0x1082;
	s9 =	sld [smem:$0x3FA9]  }
0x2f: {  	lr =	sadd.s32 s0, s3;
	s0 =	sld [smem:$0x3FA0]  }
0x30: {  	s3 =	sld [smem:$0x3FA3]  }
0x31: {  	[smem:$0x3FAC] =	sst s10  }
0x32: {  	s10 =	sld [smem:$0x3FAA];
	_ =	sdelay $0x3  }
0x33: {  	p0 =	seq.s32 s10, $0x1;
	s10 =	sld [smem:$0x3FAC];
	_ =	sdelay $0x3  }
0x34: {  	[smem:$0x3FAC] =	sst s10  }
0x35: {  	s10 =	sld [smem:$0x3FAB];
	_ =	sdelay $0x3  }
0x36: {  	p1 =	seq.s32 s10, $0x1;
	s10 =	sld [smem:$0x3FAC];
	_ =	sdelay $0x3  }
0x37: {  	[smem:$0x3FAC] =	sst s10  }
0x38: {  	s10 =	sld [smem:$0x3FAD]  }
0x39: {  	_ = 	snop;
	(pc) =	sbr.ind lr, $3  }
0x3a: {  	_ = 	snop  }
0x3b: {  	_ = 	snop  }
0x3c: {  	p2 =	seq.s32 s10, $0x1;
	s10 =	sld [smem:$0x3FAC]  }
0x3d: {  	_ =	shalt  }
0x3e: {  	_ =	shalt  }
0x3f: {  	_ =	shalt  }
0x40: {  	_ =	shalt  }
0x41: {  	_ =	shalt  }
0x42: {  	_ =	shalt  }
0x43: {  	_ =	shalt  }
0x44: {  	_ =	shalt  }
0x45: {  	_ =	shalt  }
0x46: {  	_ =	shalt  }
0x47: {  	_ =	shalt  }
0x48: {  	_ =	shalt  }
0x49: {  	_ =	shalt  }
0x4a: {  	_ =	shalt  }
0x4b: {  	_ =	shalt  }
0x4c: {  	_ =	shalt  }
0x4d: {  	_ =	shalt  }
0x4e: {  	_ =	shalt  }
0x4f: {  	_ =	shalt  }
0x50: {  	_ =	shalt  }
0x51: {  	_ =	shalt  }
0x52: {  	_ =	shalt  }
0x53: {  	_ =	shalt  }
0x54: {  	_ =	shalt  }
0x55: {  	_ =	shalt  }
0x56: {  	_ =	shalt  }
0x57: {  	_ =	shalt  }
0x58: {  	_ =	shalt  }
0x59: {  	_ =	shalt  }
0x5a: {  	_ =	shalt  }
0x5b: {  	_ =	shalt  }
0x5c: {  	_ =	shalt  }
0x5d: {  	_ =	shalt  }
0x5e: {  	_ =	shalt  }
0x5f: {  	_ =	shalt  }
0x60: {  	_ =	shalt  }
0x61: {  	_ =	shalt  }
0x62: {  	_ =	shalt  }
0x63: {  	_ =	shalt  }
0x64: {  	_ =	shalt  }
0x65: {  	_ =	shalt  }
0x66: {  	_ =	shalt  }
0x67: {  	_ =	shalt  }
0x68: {  	_ =	shalt  }
0x69: {  	_ =	shalt  }
0x6a: {  	_ =	shalt  }
0x6b: {  	_ =	shalt  }
0x6c: {  	_ =	shalt  }
0x6d: {  	_ =	shalt  }
0x6e: {  	_ =	shalt  }
0x6f: {  	_ =	shalt  }
0x70: {  	_ =	shalt  }
0x71: {  	_ =	shalt  }
0x72: {  	_ =	shalt  }
0x73: {  	_ =	shalt  }
0x74: {  	_ =	shalt  }
0x75: {  	_ =	shalt  }
0x76: {  	_ =	shalt  }
0x77: {  	_ =	shalt  }
0x78: {  	_ =	shalt  }
0x79: {  	_ =	shalt  }
0x7a: {  	_ =	shalt  }
0x7b: {  	_ =	shalt  }
0x7c: {  	_ =	shalt  }
0x7d: {  	_ =	shalt  }
0x7e: {  	_ =	shalt  }
0x7f: {  	_ =	shalt  }
0x80: {  	_ =	shalt  }
0x81: {  	_ =	shalt  }
0x82: {  	_ =	shalt  }
0x83: {  	_ =	shalt  }
0x84: {  	_ =	shalt  }
0x85: {  	_ =	shalt  }
0x86: {  	_ =	shalt  }
0x87: {  	_ =	shalt  }
.Lfunc_end0:
.L_simem_size_0:
called_computation_lowered:
.L_overlay_start_0:
0x88: {  	s2 =	sld [smem:$0x3FD9]  }
0x89: {  	s3 =	sld [smem:$0x3FFE];
	_ =	sdelay $0x1  }
0x8a: {  	s1 =	srdreg.scid  }
0x8b: {  	s0 =	sand.u32 $0x1, s1  }
0x8c: {  	s16 =	sshll.u32 s0, $0xA;
	s2 =	sadd.s32 s3, s2  }
0x8d: {  	s2 =	sadd.s32 s2, s16  }
0x8e: {  	[smem:$0x3FB8] =	sst s2  }
0x8f: {  	_ = 	snop  }
0x90: {  	(tm) =	ssettm $0x1  }
0x91: {  	s17 =	sld [smem:$0x3FFB];
	_ =	sdelay $0x3  }
0x92: {  	_ =	strace s17  }
0x93: {  	s2 =	sld [smem:$0x3FFC];
	_ =	sdelay $0x3  }
0x94: {  	_ =	strace s2  }
0x95: {  	s2 =	sld [smem:$0x3FFD];
	_ =	sdelay $0x3  }
0x96: {  	_ =	strace s2  }
0x97: {  	_ =	strace $0x8FFFFFFF  }
0x98: {  	s18 =	sld [smem:$0x3FDB];
	_ =	sdelay $0x1  }
0x99: {  	s19 =	simm.s32 $_scs_section_size  }
0x9a: {  	s4 =	simm.s32 $_size__tile_overlayer_lowered;
	s5 =	simm.s32 $_tile_overlayer_lowered  }
0x9b: {  	s22 =	simm.s32 $0x1BFF;
	s21 =	sshll.u32 s5, $0x1;
	s2 =	sadd.s32 s19, s18  }
0x9c: {  	s6 =	simm.s32 $0x0;
	s20 =	sshll.u32 s4, $0x1;
	s4 =	sadd.s32 s21, s2  }
0x9d: {  	[timem:s6], [sflag:s22] =	dma.local [hbm:s4], s20  }
0x9e: {  	_ =	swait.ge [sflag:s22], s20  }
0x9f: {  	s3 =	ssub.s32 $0x0, s20;
	[sflag:s22] =	ssyncset.done $0x0  }
0xa0: {  	[sflag:s22] =	ssyncadd.s32 s3;
	_ =	sdelay $0x1  }
0xa1: {  	s23 =	simm.s32 $0x1B8B  }
0xa2: {  	_ =	swait.ge [sflag:s23], $0x1  }
0xa3: {  	[sflag:s23] =	ssyncset.done $0x0  }
0xa4: {  	s25 =	simm.s32 $0x1B8E;
	s24 =	sld [smem:$0x3FFE];
	[sflag:s23] =	ssyncadd.s32 $0xFFFFFFFF  }
0xa5: {  	s26 =	simm.s32 $execute0_lowered;
	[smem:$0x3FD2] =	sst s25  }
0xa6: {  	s4 =	sshll.u32 s26, $0x1;
	_ =	strace $0x80000046;
	[dreg:$0x1] =	wrdreg $0xFFFFFFFF  }
0xa7: {  	s28 =	simm.s32 $_size_execute0_lowered;
	s2 =	sadd.s32 s2, s4;
	[dreg:$0x0] =	wrdreg $0x0  }
0xa8: {  	s4 =	sshll.u32 s28, $0x1;
	[dreg:$0x2] =	wrdreg s2  }
0xa9: {  	[dreg:$0x3] =	wrdreg s4  }
0xaa: {  	[dreg:$0x4] =	wrdreg $0xC0  }
0xab: {  	_ =	task [dreg:s6], $0x5FFFF  }
0xac: {  	[dreg:$0x1] =	wrdreg $0xFFFFFFFF  }
0xad: {  	[dreg:$0x0] =	wrdreg $0x60  }
0xae: {  	[dreg:$0x2] =	wrdreg s24  }
0xaf: {  	[dreg:$0x3] =	wrdreg $0x9  }
0xb0: {  	_ =	task.clear_ibuf [dreg:s6], $0x4FFFF;
	_ =	strace $0x90000046  }
0xb1: {  	s29 =	simm.s32 $0x9;
	_ =	strace $0x80000048  }
0xb2: {  	_ =	swait.ge [sflag:s29], $0x1  }
0xb3: {  	[sflag:s29] =	ssyncadd.s32 $0xFFFFFFFF  }
0xb4: {  	_ =	strace $0x90000048  }
0xb5: {  	_ =	sfence  }
0xb6: {  	s30 =	sld [smem:$0x0];
	_ =	sdelay $0x2  }
0xb7: {  	s31 =	sshll.u32 s1, $0xD;
	s1 =	sshrl.u32 s1, $0x2  }
0xb8: {  	s3 =	sand.u32 $0x4000, s31;
	s1 =	sadd.s32 s1, s30  }
0xb9: {  	s0 =	sor.u32 s3, s0;
	s1 =	sshll.u32 s1, $0x11  }
0xba: {  	s0 =	sor.u32 s1, s0  }
0xbb: {  	s0 =	sadd.s32 $0x8F2B, s0  }
0xbc: {  	[sflag:s0] =	ssyncadd.remote.s32 $0x1  }
0xbd: {  	_ =	sfence.sel $0xFFFF  }
0xbe: {  	[dreg:$0x0] =	wrdreg $0xFFFFFFFF;
	(pc) =	sbr.abs _section_cstart, $3  }
0xbf: {  	[dreg:$0x1] =	wrdreg $0xFFFFFFFF  }
0xc0: {  	_ =	task.clear_ibuf [dreg:s6], $0x2FFFF;
	_ =	strace $0x9FFFFFFF  }
0xc1: {  	(tm) =	ssettm $0x7FFFFFFF  }
tec
execute0_lowered:
.L_overlay_start_1:
0x0: {  	(tag) =	ssettag $0x1  }
0x1: {  	s1 =	srdreg.scid;
	s0 =	stileid.u32  }
0x2: {  	s3 =	sand.u32 $0x1, s1;
	s30 =	sshll.u32 s0, $0x1  }
0x3: {  	s4 =	rddreg [dreg:$0x0];
	s5 =	sor.u32 s3, s30  }
0x4: {  	s2 =	simm.s32 $0x0;
	s8 =	simm.s32 $0x0;
	s6 =	smul.u32 $0x2710, s5  }
0x5: {  	[smem:$0x7FF] =	sst s2;
	s3 =	ssub.s32 $0x2, s3;
	s5 =	smul.u32 $0x4F0, s5  }
0x6: {  	s1 =	rddreg [dreg:$0x1];
	_ =	strace $0x80000047;
	s7 =	sshrl.u32 s3, $0x1  }
0x7: {  	s7 =	ssub.s32 s3, s7;
	s6 =	sshrl.u32 s6, $0x3;
	s5 =	sadd.s32 s5, s4  }
0x8: {  	s31 =	sadd.s32 s4, s6;
	s4 =	sadd.s32 $0x17000, s5;
	s5 =	smax.u32 s7, $0x1  }
0x9: {  	v0 =	vimm.f32 $0.0e+00;
	v1 =	vimm.f32 $1.000000000e+00;
	s6 =	simm.s32 $0x1;
	s7 =	simm.s32 $0x2780;
	s3 =	sadd.s32 $0xD240, s31  }
.LBB2_1:
0xa: {  	[tilespmem:s2], [sflag:$0x1] =	stream.linear.gather [hbm4b:s3+s2], $0x2710, $0x38;
	[tilespmem:$0x4F00] =	vst v63  }
0xb: {  	_ =	swait.ge [sflag:s6], $0x2710  }
0xc: {  	[sflag:s6] =	ssyncset.done $0x0  }
0xd: {  	s9 =	simm.s32 $0x0;
	[sflag:s6] =	ssyncadd.s32 $0xFFFFD8F0  }
.LBB2_2:
0xe: {  	p0 =	sne.s32 s9, $0x9C00  }
.Ltmp0:
0xf: {  	_ = 	snop;
	(pc) =	sbr.rel @p0 .LBB2_2-.Ltmp0, $3  }
0x10: {  	_ =	sdelay $0x1  }
0x11: {  	s10 =	sshra.s32 s9, $0x2  }
0x12: {  	s9 =	sadd.s32 $0x40, s9;
	[tilespmem:s10+$0x2780] =	vst v0  }
0x13: {  	s10 =	simm.s32 $0x0;
	s9 =	simm.s32 $0x40  }
.LBB2_4:
0x14: {  	p0 =	sne.s32 s9, $0x9C00;
	v2 =	vld [tilespmem:s10+$0x0];
	_ =	sdelay $0x3  }
.Ltmp1:
0x15: {  	(pc) =	sbr.rel @p0 .LBB2_4-.Ltmp1, $2  }
0x16: {  	_ =	sdelay $0x2  }
0x17: {  	s10 =	sshra.s32 s9, $0x2;
	s9 =	sadd.s32 $0x40, s9;
	[tilespmem:v2+s7+$0x0] =	vst.idx.add.f32.msk $0xffff, v1  }
0x18: {  	v2 =	vld [tilespmem:s10+$0x0];
	_ =	sdelay $0x5  }
0x19: {  	s8 =	sadd.s32 $0x1, s8  }
0x1a: {  	p0 =	sne.s32 s8, s5  }
.Ltmp2:
0x1b: {  	[tilespmem:v2+s7+$0x0] =	vst.idx.add.f32.msk $0xffff, v1;
	(pc) =	sbr.rel @p0 .LBB2_1-.Ltmp2, $4  }
0x1c: {  	[hbm4b:s4+s2] =	stream.linear.scatter [tilespmem:s7], [sflag:$0x1], $0x2710, $0x38;
	[tilespmem:$0x4F00] =	vst v63  }
0x1d: {  	_ =	swait.ge [sflag:s6], $0x2710  }
0x1e: {  	[sflag:s6] =	ssyncset.done $0x0  }
0x1f: {  	[sflag:s6] =	ssyncadd.s32 $0xFFFFD8F0  }
0x20: {  	_ =	sfence.sel $0x180000  }
0x21: {  	[bflag:$0x0] =	sbarrier.arrive $0xFFFF  }
0x22: {  	p0 =	sne.s32 s0, $0x0;
	_ =	strace $0x90000047  }
0x23: {  	s0 =	sadd.s32 @!p0 $0x100000, s1;
	[bflag:$0x2] =	sbarrier.arrive $0xFFFF  }
0x24: {  	[sflag:s0] =	ssyncadd.tile.s32 @!p0 $0x1;
	_ =	shalt  }
.Lfunc_end2:
_tile_overlayer_lowered:
.L_overlay_start_2:
0x25: {  	(tag) =	ssettag $0x2  }
0x26: {  	s0 =	rddreg [dreg:$0x0];
	s2 =	stileid.u32  }
0x27: {  	s1 =	rddreg [dreg:$0x1];
	p0 =	sne.s32 s2, $0x0  }
0x28: {  	s3 =	rddreg [dreg:$0x2];
	[bflag:$0x3] =	sbarrier.arrive $0xFFFF;
	s2 =	simm.s32 @!p0 $0x1C01  }
0x29: {  	[timem:s3], [sflag:s2] =	dma.local @!p0 [hbm:s0], s1  }
0x2a: {  	s0 =	simm.s32 @!p0 $0x1  }
0x2b: {  	_ =	swait.ge @!p0 [sflag:s0], s1  }
0x2c: {  	s1 =	ssub.s32 @!p0 $0x0, s1;
	[sflag:s0] =	ssyncset.done @!p0 $0x0  }
0x2d: {  	[sflag:s0] =	ssyncadd.s32 @!p0 s1  }
0x2e: {  	[bflag:$0x3] =	sbarrier.arrive $0xFFFF  }
0x2f: {  	_ =	shalt  }

</sc_bundles>
